<compile_context>
chip_gen: v7x
topology: tpu7x:2x2x1
jax: 0.10.2.dev20260603
libtpu: 0.0.44.dev20260713+nightly
codegen_flags: <defaults>
</compile_context>

<pallas_src>
import functools

import jax
import jax.numpy as jnp
from jax import lax
from jax.experimental import pallas as pl
from jax.experimental.pallas import tpu as pltpu
from jax.experimental.pallas import tpu_sc as plsc

N = 10000
D = 128
E = 320000
NC, NS, L = 2, 16, 16
DW = 128
NW = NC * NS
CH = 128
NCHUNK = 80
EPT = CH * NCHUNK
EPAD = EPT * NW
NPAD = 10240
ROWS_PT = NPAD // NS


@functools.lru_cache(maxsize=None)
def _make_sc_segsum():
  mesh = plsc.VectorSubcoreMesh(core_axis_name="c", subcore_axis_name="s")
  out_type = jax.ShapeDtypeStruct((NC * NPAD, D), jnp.float32)
  half = NCHUNK // 2
  scratch = [
      pltpu.VMEM((half, CH), jnp.int32),
      pltpu.VMEM((half, CH), jnp.int32),
      pltpu.VMEM((2 * CH, D), jnp.float32),
      pltpu.SemaphoreType.DMA,
      pltpu.SemaphoreType.DMA,
      pltpu.VMEM_SHARED((NPAD, D), jnp.float32),
  ]

  @functools.partial(pl.kernel, mesh=mesh, out_type=out_type,
                     scratch_types=scratch)
  def sc_fn(y_hbm, src_hbm, dst_hbm, z_hbm, acc_out,
            src_v, dst_v, gbuf, sem0, sem1, acc_sh):
    cid = lax.axis_index("c")
    sid = lax.axis_index("s")
    wid = sid * NC + cid
    g0 = gbuf.at[pl.ds(0, CH)]
    g1 = gbuf.at[pl.ds(CH, CH)]

    nzb = ROWS_PT // (2 * CH)
    rem = ROWS_PT - nzb * 2 * CH
    pltpu.sync_copy(z_hbm, gbuf)
    for r in range(nzb):
      pltpu.sync_copy(gbuf, acc_sh.at[pl.ds(sid * ROWS_PT + r * 2 * CH,
                                            2 * CH)])
    if rem:
      pltpu.sync_copy(g0, acc_sh.at[pl.ds(sid * ROWS_PT + nzb * 2 * CH, rem)])

    plsc.subcore_barrier()

    def _pair(i, carry):
      j = 2 * i
      pltpu.make_async_copy(y_hbm.at[src_v.at[j]], g0, sem0).wait()
      pltpu.sync_copy(g0, acc_sh.at[dst_v.at[j]], add=True)
      pltpu.async_copy(y_hbm.at[src_v.at[j + 2]], g0, sem0)
      pltpu.make_async_copy(y_hbm.at[src_v.at[j + 1]], g1, sem1).wait()
      pltpu.sync_copy(g1, acc_sh.at[dst_v.at[j + 1]], add=True)
      pltpu.async_copy(y_hbm.at[src_v.at[j + 3]], g1, sem1)
      return carry

    for p in range(2):
      pltpu.sync_copy(src_hbm.at[pl.ds(wid * NCHUNK + p * half, half)], src_v)
      pltpu.sync_copy(dst_hbm.at[pl.ds(wid * NCHUNK + p * half, half)], dst_v)
      pltpu.async_copy(y_hbm.at[src_v.at[0]], g0, sem0)
      pltpu.async_copy(y_hbm.at[src_v.at[1]], g1, sem1)
      lax.fori_loop(0, half // 2 - 1, _pair, 0)
      pltpu.make_async_copy(y_hbm.at[src_v.at[half - 2]], g0, sem0).wait()
      pltpu.sync_copy(g0, acc_sh.at[dst_v.at[half - 2]], add=True)
      pltpu.make_async_copy(y_hbm.at[src_v.at[half - 1]], g1, sem1).wait()
      pltpu.sync_copy(g1, acc_sh.at[dst_v.at[half - 1]], add=True)
    plsc.subcore_barrier()

    base = sid * ROWS_PT
    for r in range(nzb):
      pltpu.sync_copy(acc_sh.at[pl.ds(base + r * 2 * CH, 2 * CH)], gbuf)
      pltpu.sync_copy(gbuf,
                      acc_out.at[pl.ds(cid * NPAD + base + r * 2 * CH,
                                       2 * CH)])
    if rem:
      pltpu.sync_copy(acc_sh.at[pl.ds(base + nzb * 2 * CH, rem)], g0)
      pltpu.sync_copy(g0,
                      acc_out.at[pl.ds(cid * NPAD + base + nzb * 2 * CH, rem)])

  return sc_fn


@functools.lru_cache(maxsize=None)
def _make_sc_deg():
  mesh = plsc.VectorSubcoreMesh(core_axis_name="c", subcore_axis_name="s")
  out_type = jax.ShapeDtypeStruct((NC * NPAD, DW), jnp.float32)
  scratch = [
      pltpu.VMEM((NCHUNK, CH), jnp.int32),
      pltpu.VMEM((CH, DW), jnp.float32),
      pltpu.VMEM_SHARED((NPAD, DW), jnp.float32),
  ]

  @functools.partial(pl.kernel, mesh=mesh, out_type=out_type,
                     scratch_types=scratch)
  def sc_fn(dst_hbm, zd_hbm, oh_hbm, deg_out, dst_v, oh_v, deg_sh):
    cid = lax.axis_index("c")
    sid = lax.axis_index("s")
    wid = sid * NC + cid

    pltpu.sync_copy(dst_hbm.at[pl.ds(wid * NCHUNK, NCHUNK)], dst_v)
    pltpu.sync_copy(oh_hbm, oh_v)
    for r in range(ROWS_PT // CH):
      pltpu.sync_copy(zd_hbm, deg_sh.at[pl.ds(sid * ROWS_PT + r * CH, CH)])

    plsc.subcore_barrier()

    def _chunk(j, carry):
      pltpu.sync_copy(oh_v, deg_sh.at[dst_v.at[j]], add=True)
      return carry

    lax.fori_loop(0, NCHUNK, _chunk, 0)
    plsc.subcore_barrier()

    base = sid * ROWS_PT
    pltpu.sync_copy(deg_sh.at[pl.ds(base, ROWS_PT)],
                    deg_out.at[pl.ds(cid * NPAD + base, ROWS_PT)])

  return sc_fn


BM = 2000


def _tc_in_body(x_ref, wn_ref, wr_ref, t_ref, r_ref):
  xb = x_ref[...]
  t_ref[...] = jnp.dot(xb, wn_ref[...], preferred_element_type=jnp.float32)
  r_ref[...] = jnp.dot(xb, wr_ref[...], preferred_element_type=jnp.float32)


def _tc_in(x, wn, wr):
  return pl.pallas_call(
      _tc_in_body,
      grid=(N // BM,),
      in_specs=[pl.BlockSpec((BM, D), lambda i: (i, 0)),
                pl.BlockSpec((D, D), lambda i: (0, 0)),
                pl.BlockSpec((D, D), lambda i: (0, 0))],
      out_specs=[pl.BlockSpec((BM, D), lambda i: (i, 0)),
                 pl.BlockSpec((BM, D), lambda i: (i, 0))],
      out_shape=[jax.ShapeDtypeStruct((N, D), jnp.float32),
                 jax.ShapeDtypeStruct((N, D), jnp.float32)],
  )(x, wn, wr)


def _combine(acc_ref, deg_ref):
  agg = acc_ref[0] + acc_ref[1]
  deg = deg_ref[0, :, 0:1] + deg_ref[1, :, 0:1]
  return agg / jnp.maximum(deg, 1.0)


def _tc_mid_body(r1_ref, acc_ref, deg_ref, b_ref, wn_ref, wr_ref,
                 t2_ref, r2_ref):
  mean = _combine(acc_ref, deg_ref)
  h = jnp.maximum(r1_ref[...] + mean + b_ref[...], 0.0)
  t2_ref[...] = jnp.dot(h, wn_ref[...], preferred_element_type=jnp.float32)
  r2_ref[...] = jnp.dot(h, wr_ref[...], preferred_element_type=jnp.float32)


def _tc_mid(r1, acc, deg, b, wn, wr):
  return pl.pallas_call(
      _tc_mid_body,
      grid=(N // BM,),
      in_specs=[pl.BlockSpec((BM, D), lambda i: (i, 0)),
                pl.BlockSpec((NC, BM, D), lambda i: (0, i, 0)),
                pl.BlockSpec((NC, BM, DW), lambda i: (0, i, 0)),
                pl.BlockSpec((1, D), lambda i: (0, 0)),
                pl.BlockSpec((D, D), lambda i: (0, 0)),
                pl.BlockSpec((D, D), lambda i: (0, 0))],
      out_specs=[pl.BlockSpec((BM, D), lambda i: (i, 0)),
                 pl.BlockSpec((BM, D), lambda i: (i, 0))],
      out_shape=[jax.ShapeDtypeStruct((N, D), jnp.float32),
                 jax.ShapeDtypeStruct((N, D), jnp.float32)],
  )(r1, acc, deg, b, wn, wr)


def _tc_out_body(r2_ref, acc_ref, deg_ref, b_ref, o_ref):
  mean = _combine(acc_ref, deg_ref)
  o_ref[...] = r2_ref[...] + mean + b_ref[...]


def _tc_out(r2, acc, deg, b):
  return pl.pallas_call(
      _tc_out_body,
      grid=(N // BM,),
      in_specs=[pl.BlockSpec((BM, D), lambda i: (i, 0)),
                pl.BlockSpec((NC, BM, D), lambda i: (0, i, 0)),
                pl.BlockSpec((NC, BM, DW), lambda i: (0, i, 0)),
                pl.BlockSpec((1, D), lambda i: (0, 0))],
      out_specs=pl.BlockSpec((BM, D), lambda i: (i, 0)),
      out_shape=jax.ShapeDtypeStruct((N, D), jnp.float32),
  )(r2, acc, deg, b)


def kernel(x, edge_index, W1_root, W1_neigh, b1, W2_root, W2_neigh, b2, _):
  src = edge_index[0]
  dst = edge_index[1]
  pad = EPAD - E
  pad_iota = jnp.arange(pad, dtype=jnp.int32)
  src_p = jnp.concatenate(
      [src, pad_iota % N]).reshape(EPAD // CH, CH)
  dst_p = jnp.concatenate(
      [dst, N + pad_iota % (NPAD - N)]).reshape(EPAD // CH, CH)

  z_rows = jnp.zeros((2 * CH, D), jnp.float32)
  zd_rows = jnp.zeros((CH, DW), jnp.float32)
  oh_rows = jnp.tile(
      (jnp.arange(DW) < 1).astype(jnp.float32)[None, :], (CH, 1))

  degp = _make_sc_deg()(dst_p, zd_rows, oh_rows)
  t1, r1 = _tc_in(x, W1_neigh, W1_root)
  acc1 = _make_sc_segsum()(t1, src_p, dst_p, z_rows)
  acc1 = acc1.reshape(NC, NPAD, D)
  degp = degp.reshape(NC, NPAD, DW)
  t2, r2 = _tc_mid(r1, acc1, degp, b1.reshape(1, D), W2_neigh, W2_root)
  acc2 = _make_sc_segsum()(t2, src_p, dst_p, z_rows)
  acc2 = acc2.reshape(NC, NPAD, D)
  out = _tc_out(r2, acc2, degp, b2.reshape(1, D))
  return (out, None)

# --- scband reference (transcript-rebuilt; emitter-appended) ---
"""Pipeline reference for scband-sage-22582938042516 (READ-ONLY COPY).

The authoritative reference and input builder live on the scoring server;
editing this copy changes nothing except your own understanding.
"""

import jax, jax.numpy as jnp
import numpy as np

N = 10000
E = 320000
D = 128
H = 128


def setup_inputs(seed: int = 0) -> dict:
    key = jax.random.key(seed)
    ks = jax.random.split(key, 9)
    x = jax.random.normal(ks[0], (N, D), dtype=jnp.float32)
    edge_index = jax.random.randint(ks[1], (2, E), 0, N, dtype=jnp.int32)
    s1 = 1.0 / np.sqrt(D)
    s2 = 1.0 / np.sqrt(H)
    W1_root = jax.random.uniform(ks[2], (D, H), dtype=jnp.float32, minval=-s1, maxval=s1)
    W1_neigh = jax.random.uniform(ks[3], (D, H), dtype=jnp.float32, minval=-s1, maxval=s1)
    b1 = jax.random.uniform(ks[4], (H,), dtype=jnp.float32, minval=-s1, maxval=s1)
    W2_root = jax.random.uniform(ks[5], (H, H), dtype=jnp.float32, minval=-s2, maxval=s2)
    W2_neigh = jax.random.uniform(ks[6], (H, H), dtype=jnp.float32, minval=-s2, maxval=s2)
    b2 = jax.random.uniform(ks[7], (H,), dtype=jnp.float32, minval=-s2, maxval=s2)
    return {
        "x": x,
        "edge_index": edge_index,
        "W1_root": W1_root,
        "W1_neigh": W1_neigh,
        "b1": b1,
        "W2_root": W2_root,
        "W2_neigh": W2_neigh,
        "b2": b2,
        "_": 0,
    }


def _sage_conv(h, edge_index, Wr, Wn, b):
    # SAGEConv with mean aggregation: out_i = h_i @ Wr + mean_{j->i}(h_j) @ Wn + b
    src = edge_index[0]
    dst = edge_index[1]
    msgs = jnp.take(h, src, axis=0)  # gather (memory-bound)
    agg = jax.ops.segment_sum(msgs, dst, num_segments=N)  # scatter-add
    deg = jax.ops.segment_sum(jnp.ones((E,), dtype=h.dtype), dst, num_segments=N)
    mean = agg / jnp.clip(deg, 1.0)[:, None]
    return h @ Wr + mean @ Wn + b


def reference(x, edge_index, W1_root, W1_neigh, b1, W2_root, W2_neigh, b2, _):
    # full-graph branch of SAGE.forward (adjs is a plain edge_index).
    # convs = [conv(n_feat->n_hid), conv(n_hid->n_hid)]; loop over convs[:-1]
    # with relu + dropout (eval mode -> dropout identity), then convs[-1].
    h = _sage_conv(x, edge_index, W1_root, W1_neigh, b1)
    h = jax.nn.relu(h)
    # dropout p=0.5 disabled in eval (training=False)
    h = _sage_conv(h, edge_index, W2_root, W2_neigh, b2)
    return (h, None)

if __name__ == "__main__":
    import jax
    _d = setup_inputs()
    print(jax.jit(kernel)(*tuple(_d.values())))

</pallas_src>

<mosaic_0001>
#map = affine_map<(d0, d1) -> (0, 0)>
module attributes {stable_mosaic.version = 14 : i64} {
  func.func @sc_fn(%arg0: i32, %arg1: i32, %arg2: memref<2560x128xi32, #tpu.memory_space<hbm>>, %arg3: memref<128x128xf32, #tpu.memory_space<hbm>>, %arg4: memref<128x128xf32, #tpu.memory_space<hbm>>, %arg5: memref<20480x128xf32, #tpu.memory_space<hbm>>, %arg6: memref<80x128xi32, #tpu.memory_space<vmem>>, %arg7: memref<128x128xf32, #tpu.memory_space<vmem>>, %arg8: memref<10240x128xf32, #tpu.memory_space<vmem_shared>>) attributes {dimension_semantics = [#tpu.dimension_semantics<core_parallel>, #tpu.dimension_semantics<subcore_parallel>], iteration_bounds = array<i64: 2, 16>, scalar_prefetch = 0 : i64, scratch_operands = 3 : i64, tpu.core_type = #tpu.core_type<sc_vector_subcore>, window_params = [{transform_indices = #map}, {transform_indices = #map}, {transform_indices = #map}, {transform_indices = #map}]} {
    %mul3A = arith.constant 2 : i32
    %mul3A_0 = arith.muli %arg1, %mul3A : i32
    %add3A = arith.addi %mul3A_0, %arg0 : i32
    %mul3A_1 = arith.constant 80 : i32
    %mul3A_2 = arith.muli %add3A, %mul3A_1 : i32
    "tpu.region"() ({
      %run_scoped3A = tpu.sem_alloc : memref<!tpu.dma_semaphore, #tpu.memory_space<semaphore_mem>>
      %dma_start3A = arith.constant 0 : i32
      %dma_start3A_34 = tpu.memref_slice %arg2[%mul3A_2, %dma_start3A] : memref<2560x128xi32, #tpu.memory_space<hbm>> -> memref<80x128xi32, #tpu.memory_space<hbm>>
      %dma_start3A_35 = arith.constant 0 : i32
      %dma_start3A_36 = tpu.memref_slice %arg2[%mul3A_2, %dma_start3A_35] : memref<2560x128xi32, #tpu.memory_space<hbm>> -> memref<80x128xi32, #tpu.memory_space<hbm>>
      tpu.enqueue_dma source(%dma_start3A_36 : memref<80x128xi32, #tpu.memory_space<hbm>>) target(%arg6 : memref<80x128xi32, #tpu.memory_space<vmem>>) target_semaphore(%run_scoped3A : memref<!tpu.dma_semaphore, #tpu.memory_space<semaphore_mem>>)
      %dma_wait3A = arith.constant 0 : i32
      %dma_wait3A_37 = tpu.memref_slice %arg2[%mul3A_2, %dma_wait3A] : memref<2560x128xi32, #tpu.memory_space<hbm>> -> memref<80x128xi32, #tpu.memory_space<hbm>>
      %dma_wait3A_38 = arith.constant 0 : i32
      %dma_wait3A_39 = tpu.memref_slice %arg2[%mul3A_2, %dma_wait3A_38] : memref<2560x128xi32, #tpu.memory_space<hbm>> -> memref<80x128xi32, #tpu.memory_space<hbm>>
      tpu.wait_dma2 semaphore(%run_scoped3A : memref<!tpu.dma_semaphore, #tpu.memory_space<semaphore_mem>>) src(%dma_wait3A_39 : memref<80x128xi32, #tpu.memory_space<hbm>>) dst(%arg6 : memref<80x128xi32, #tpu.memory_space<vmem>>)
      tpu.yield
    }) : () -> ()
    "tpu.region"() ({
      %run_scoped3A = tpu.sem_alloc : memref<!tpu.dma_semaphore, #tpu.memory_space<semaphore_mem>>
      tpu.enqueue_dma source(%arg4 : memref<128x128xf32, #tpu.memory_space<hbm>>) target(%arg7 : memref<128x128xf32, #tpu.memory_space<vmem>>) target_semaphore(%run_scoped3A : memref<!tpu.dma_semaphore, #tpu.memory_space<semaphore_mem>>)
      tpu.wait_dma2 semaphore(%run_scoped3A : memref<!tpu.dma_semaphore, #tpu.memory_space<semaphore_mem>>) src(%arg4 : memref<128x128xf32, #tpu.memory_space<hbm>>) dst(%arg7 : memref<128x128xf32, #tpu.memory_space<vmem>>)
      tpu.yield
    }) : () -> ()
    %mul3A_3 = arith.constant 640 : i32
    %mul3A_4 = arith.muli %arg1, %mul3A_3 : i32
    %add3A_5 = arith.constant 0 : i32
    %add3A_6 = arith.addi %mul3A_4, %add3A_5 : i32
    "tpu.region"() ({
      %run_scoped3A = tpu.sem_alloc : memref<!tpu.dma_semaphore, #tpu.memory_space<semaphore_mem>>
      %dma_start3A = arith.constant 0 : i32
      %dma_start3A_34 = tpu.memref_slice %arg8[%add3A_6, %dma_start3A] : memref<10240x128xf32, #tpu.memory_space<vmem_shared>> -> memref<128x128xf32, #tpu.memory_space<vmem_shared>>
      tpu.enqueue_dma source(%arg3 : memref<128x128xf32, #tpu.memory_space<hbm>>) target(%dma_start3A_34 : memref<128x128xf32, #tpu.memory_space<vmem_shared>>) target_semaphore(%run_scoped3A : memref<!tpu.dma_semaphore, #tpu.memory_space<semaphore_mem>>)
      %dma_wait3A = arith.constant 0 : i32
      %dma_wait3A_35 = tpu.memref_slice %arg8[%add3A_6, %dma_wait3A] : memref<10240x128xf32, #tpu.memory_space<vmem_shared>> -> memref<128x128xf32, #tpu.memory_space<vmem_shared>>
      tpu.wait_dma2 semaphore(%run_scoped3A : memref<!tpu.dma_semaphore, #tpu.memory_space<semaphore_mem>>) src(%arg3 : memref<128x128xf32, #tpu.memory_space<hbm>>) dst(%dma_wait3A_35 : memref<128x128xf32, #tpu.memory_space<vmem_shared>>)
      tpu.yield
    }) : () -> ()
    %mul3A_7 = arith.constant 640 : i32
    %mul3A_8 = arith.muli %arg1, %mul3A_7 : i32
    %add3A_9 = arith.constant 128 : i32
    %add3A_10 = arith.addi %mul3A_8, %add3A_9 : i32
    "tpu.region"() ({
      %run_scoped3A = tpu.sem_alloc : memref<!tpu.dma_semaphore, #tpu.memory_space<semaphore_mem>>
      %dma_start3A = arith.constant 0 : i32
      %dma_start3A_34 = tpu.memref_slice %arg8[%add3A_10, %dma_start3A] : memref<10240x128xf32, #tpu.memory_space<vmem_shared>> -> memref<128x128xf32, #tpu.memory_space<vmem_shared>>
      tpu.enqueue_dma source(%arg3 : memref<128x128xf32, #tpu.memory_space<hbm>>) target(%dma_start3A_34 : memref<128x128xf32, #tpu.memory_space<vmem_shared>>) target_semaphore(%run_scoped3A : memref<!tpu.dma_semaphore, #tpu.memory_space<semaphore_mem>>)
      %dma_wait3A = arith.constant 0 : i32
      %dma_wait3A_35 = tpu.memref_slice %arg8[%add3A_10, %dma_wait3A] : memref<10240x128xf32, #tpu.memory_space<vmem_shared>> -> memref<128x128xf32, #tpu.memory_space<vmem_shared>>
      tpu.wait_dma2 semaphore(%run_scoped3A : memref<!tpu.dma_semaphore, #tpu.memory_space<semaphore_mem>>) src(%arg3 : memref<128x128xf32, #tpu.memory_space<hbm>>) dst(%dma_wait3A_35 : memref<128x128xf32, #tpu.memory_space<vmem_shared>>)
      tpu.yield
    }) : () -> ()
    %mul3A_11 = arith.constant 640 : i32
    %mul3A_12 = arith.muli %arg1, %mul3A_11 : i32
    %add3A_13 = arith.constant 256 : i32
    %add3A_14 = arith.addi %mul3A_12, %add3A_13 : i32
    "tpu.region"() ({
      %run_scoped3A = tpu.sem_alloc : memref<!tpu.dma_semaphore, #tpu.memory_space<semaphore_mem>>
      %dma_start3A = arith.constant 0 : i32
      %dma_start3A_34 = tpu.memref_slice %arg8[%add3A_14, %dma_start3A] : memref<10240x128xf32, #tpu.memory_space<vmem_shared>> -> memref<128x128xf32, #tpu.memory_space<vmem_shared>>
      tpu.enqueue_dma source(%arg3 : memref<128x128xf32, #tpu.memory_space<hbm>>) target(%dma_start3A_34 : memref<128x128xf32, #tpu.memory_space<vmem_shared>>) target_semaphore(%run_scoped3A : memref<!tpu.dma_semaphore, #tpu.memory_space<semaphore_mem>>)
      %dma_wait3A = arith.constant 0 : i32
      %dma_wait3A_35 = tpu.memref_slice %arg8[%add3A_14, %dma_wait3A] : memref<10240x128xf32, #tpu.memory_space<vmem_shared>> -> memref<128x128xf32, #tpu.memory_space<vmem_shared>>
      tpu.wait_dma2 semaphore(%run_scoped3A : memref<!tpu.dma_semaphore, #tpu.memory_space<semaphore_mem>>) src(%arg3 : memref<128x128xf32, #tpu.memory_space<hbm>>) dst(%dma_wait3A_35 : memref<128x128xf32, #tpu.memory_space<vmem_shared>>)
      tpu.yield
    }) : () -> ()
    %mul3A_15 = arith.constant 640 : i32
    %mul3A_16 = arith.muli %arg1, %mul3A_15 : i32
    %add3A_17 = arith.constant 384 : i32
    %add3A_18 = arith.addi %mul3A_16, %add3A_17 : i32
    "tpu.region"() ({
      %run_scoped3A = tpu.sem_alloc : memref<!tpu.dma_semaphore, #tpu.memory_space<semaphore_mem>>
      %dma_start3A = arith.constant 0 : i32
      %dma_start3A_34 = tpu.memref_slice %arg8[%add3A_18, %dma_start3A] : memref<10240x128xf32, #tpu.memory_space<vmem_shared>> -> memref<128x128xf32, #tpu.memory_space<vmem_shared>>
      tpu.enqueue_dma source(%arg3 : memref<128x128xf32, #tpu.memory_space<hbm>>) target(%dma_start3A_34 : memref<128x128xf32, #tpu.memory_space<vmem_shared>>) target_semaphore(%run_scoped3A : memref<!tpu.dma_semaphore, #tpu.memory_space<semaphore_mem>>)
      %dma_wait3A = arith.constant 0 : i32
      %dma_wait3A_35 = tpu.memref_slice %arg8[%add3A_18, %dma_wait3A] : memref<10240x128xf32, #tpu.memory_space<vmem_shared>> -> memref<128x128xf32, #tpu.memory_space<vmem_shared>>
      tpu.wait_dma2 semaphore(%run_scoped3A : memref<!tpu.dma_semaphore, #tpu.memory_space<semaphore_mem>>) src(%arg3 : memref<128x128xf32, #tpu.memory_space<hbm>>) dst(%dma_wait3A_35 : memref<128x128xf32, #tpu.memory_space<vmem_shared>>)
      tpu.yield
    }) : () -> ()
    %mul3A_19 = arith.constant 640 : i32
    %mul3A_20 = arith.muli %arg1, %mul3A_19 : i32
    %add3A_21 = arith.constant 512 : i32
    %add3A_22 = arith.addi %mul3A_20, %add3A_21 : i32
    "tpu.region"() ({
      %run_scoped3A = tpu.sem_alloc : memref<!tpu.dma_semaphore, #tpu.memory_space<semaphore_mem>>
      %dma_start3A = arith.constant 0 : i32
      %dma_start3A_34 = tpu.memref_slice %arg8[%add3A_22, %dma_start3A] : memref<10240x128xf32, #tpu.memory_space<vmem_shared>> -> memref<128x128xf32, #tpu.memory_space<vmem_shared>>
      tpu.enqueue_dma source(%arg3 : memref<128x128xf32, #tpu.memory_space<hbm>>) target(%dma_start3A_34 : memref<128x128xf32, #tpu.memory_space<vmem_shared>>) target_semaphore(%run_scoped3A : memref<!tpu.dma_semaphore, #tpu.memory_space<semaphore_mem>>)
      %dma_wait3A = arith.constant 0 : i32
      %dma_wait3A_35 = tpu.memref_slice %arg8[%add3A_22, %dma_wait3A] : memref<10240x128xf32, #tpu.memory_space<vmem_shared>> -> memref<128x128xf32, #tpu.memory_space<vmem_shared>>
      tpu.wait_dma2 semaphore(%run_scoped3A : memref<!tpu.dma_semaphore, #tpu.memory_space<semaphore_mem>>) src(%arg3 : memref<128x128xf32, #tpu.memory_space<hbm>>) dst(%dma_wait3A_35 : memref<128x128xf32, #tpu.memory_space<vmem_shared>>)
      tpu.yield
    }) : () -> ()
    %barrier3A = arith.constant 0 : index
    tpu.barrier barrier_id(%barrier3A)
    %scan3A = arith.constant 0 : i32
    %scan3A_23 = arith.constant 0 : i32
    %scan3A_24 = arith.constant 80 : i32
    %scan3A_25 = arith.addi %scan3A_23, %scan3A_24 : i32
    %scan3A_26 = arith.constant 1 : i32
    scf.for %scan3A_34 = %scan3A_23 to %scan3A_25 step %scan3A_26  : i32 {
      "tpu.region"() ({
        %run_scoped3A = tpu.sem_alloc : memref<!tpu.dma_semaphore, #tpu.memory_space<semaphore_mem>>
        %dma_start3A = arith.constant 0 : i32
        %dma_start3A_35 = tpu.memref_slice %arg6[%scan3A_34, %dma_start3A] : memref<80x128xi32, #tpu.memory_space<vmem>> -> memref<1x128xi32, #tpu.memory_space<vmem>>
        %dma_start3A_36 = tpu.memref_squeeze %dma_start3A_35 : memref<1x128xi32, #tpu.memory_space<vmem>> -> memref<128xi32, #tpu.memory_space<vmem>>
        %dma_start3A_37 = arith.constant 0 : i32
        %dma_start3A_38 = arith.constant 0 : i32
        %dma_start3A_39 = tpu.memref_slice %arg8[%dma_start3A_37, %dma_start3A_38] : memref<10240x128xf32, #tpu.memory_space<vmem_shared>> -> memref<10240x128xf32, #tpu.memory_space<vmem_shared>>
        tpu.enqueue_indirect_dma source(%arg7 : memref<128x128xf32, #tpu.memory_space<vmem>>) target(%dma_start3A_39 : memref<10240x128xf32, #tpu.memory_space<vmem_shared>>) offsets(%dma_start3A_36 : memref<128xi32, #tpu.memory_space<vmem>>) semaphore(%run_scoped3A : memref<!tpu.dma_semaphore, #tpu.memory_space<semaphore_mem>>) {add = true}
        %dma_wait3A = arith.constant 0 : i32
        %dma_wait3A_40 = tpu.memref_slice %arg6[%scan3A_34, %dma_wait3A] : memref<80x128xi32, #tpu.memory_space<vmem>> -> memref<1x128xi32, #tpu.memory_space<vmem>>
        %dma_wait3A_41 = tpu.memref_squeeze %dma_wait3A_40 : memref<1x128xi32, #tpu.memory_space<vmem>> -> memref<128xi32, #tpu.memory_space<vmem>>
        %dma_wait3A_42 = arith.constant 0 : i32
        %dma_wait3A_43 = arith.constant 0 : i32
        %dma_wait3A_44 = tpu.memref_slice %arg8[%dma_wait3A_42, %dma_wait3A_43] : memref<10240x128xf32, #tpu.memory_space<vmem_shared>> -> memref<10240x128xf32, #tpu.memory_space<vmem_shared>>
        tpu.wait_indirect_dma semaphore(%run_scoped3A : memref<!tpu.dma_semaphore, #tpu.memory_space<semaphore_mem>>) src(%arg7 : memref<128x128xf32, #tpu.memory_space<vmem>>) dst(%dma_wait3A_44 : memref<10240x128xf32, #tpu.memory_space<vmem_shared>>)
        tpu.yield
      }) : () -> ()
    }
    %scan3A_27 = arith.constant 80 : i32
    %barrier3A_28 = arith.constant 0 : index
    tpu.barrier barrier_id(%barrier3A_28)
    %mul3A_29 = arith.constant 640 : i32
    %mul3A_30 = arith.muli %arg1, %mul3A_29 : i32
    %mul3A_31 = arith.constant 10240 : i32
    %mul3A_32 = arith.muli %arg0, %mul3A_31 : i32
    %add3A_33 = arith.addi %mul3A_32, %mul3A_30 : i32
    "tpu.region"() ({
      %run_scoped3A = tpu.sem_alloc : memref<!tpu.dma_semaphore, #tpu.memory_space<semaphore_mem>>
      %dma_start3A = arith.constant 0 : i32
      %dma_start3A_34 = tpu.memref_slice %arg5[%add3A_33, %dma_start3A] : memref<20480x128xf32, #tpu.memory_space<hbm>> -> memref<640x128xf32, #tpu.memory_space<hbm>>
      %dma_start3A_35 = arith.constant 0 : i32
      %dma_start3A_36 = tpu.memref_slice %arg8[%mul3A_30, %dma_start3A_35] : memref<10240x128xf32, #tpu.memory_space<vmem_shared>> -> memref<640x128xf32, #tpu.memory_space<vmem_shared>>
      tpu.enqueue_dma source(%dma_start3A_36 : memref<640x128xf32, #tpu.memory_space<vmem_shared>>) target(%dma_start3A_34 : memref<640x128xf32, #tpu.memory_space<hbm>>) target_semaphore(%run_scoped3A : memref<!tpu.dma_semaphore, #tpu.memory_space<semaphore_mem>>)
      %dma_wait3A = arith.constant 0 : i32
      %dma_wait3A_37 = tpu.memref_slice %arg5[%add3A_33, %dma_wait3A] : memref<20480x128xf32, #tpu.memory_space<hbm>> -> memref<640x128xf32, #tpu.memory_space<hbm>>
      %dma_wait3A_38 = arith.constant 0 : i32
      %dma_wait3A_39 = tpu.memref_slice %arg8[%mul3A_30, %dma_wait3A_38] : memref<10240x128xf32, #tpu.memory_space<vmem_shared>> -> memref<640x128xf32, #tpu.memory_space<vmem_shared>>
      tpu.wait_dma2 semaphore(%run_scoped3A : memref<!tpu.dma_semaphore, #tpu.memory_space<semaphore_mem>>) src(%dma_wait3A_39 : memref<640x128xf32, #tpu.memory_space<vmem_shared>>) dst(%dma_wait3A_37 : memref<640x128xf32, #tpu.memory_space<hbm>>)
      tpu.yield
    }) : () -> ()
    return
  }
}

#map = affine_map<(d0, d1) -> (0, 0)>
module attributes {stable_mosaic.version = 14 : i64} {
  func.func @sc_fn(%arg0: i32, %arg1: i32, %arg2: memref<10000x128xf32, #tpu.memory_space<hbm>>, %arg3: memref<2560x128xi32, #tpu.memory_space<hbm>>, %arg4: memref<2560x128xi32, #tpu.memory_space<hbm>>, %arg5: memref<256x128xf32, #tpu.memory_space<hbm>>, %arg6: memref<20480x128xf32, #tpu.memory_space<hbm>>, %arg7: memref<40x128xi32, #tpu.memory_space<vmem>>, %arg8: memref<40x128xi32, #tpu.memory_space<vmem>>, %arg9: memref<256x128xf32, #tpu.memory_space<vmem>>, %arg10: memref<!tpu.dma_semaphore, #tpu.memory_space<semaphore_mem>>, %arg11: memref<!tpu.dma_semaphore, #tpu.memory_space<semaphore_mem>>, %arg12: memref<10240x128xf32, #tpu.memory_space<vmem_shared>>) attributes {dimension_semantics = [#tpu.dimension_semantics<core_parallel>, #tpu.dimension_semantics<subcore_parallel>], iteration_bounds = array<i64: 2, 16>, scalar_prefetch = 0 : i64, scratch_operands = 6 : i64, tpu.core_type = #tpu.core_type<sc_vector_subcore>, window_params = [{transform_indices = #map}, {transform_indices = #map}, {transform_indices = #map}, {transform_indices = #map}, {transform_indices = #map}]} {
    %mul3A = arith.constant 2 : i32
    %mul3A_0 = arith.muli %arg1, %mul3A : i32
    %add3A = arith.addi %mul3A_0, %arg0 : i32
    "tpu.region"() ({
      %run_scoped3A_145 = tpu.sem_alloc : memref<!tpu.dma_semaphore, #tpu.memory_space<semaphore_mem>>
      tpu.enqueue_dma source(%arg5 : memref<256x128xf32, #tpu.memory_space<hbm>>) target(%arg9 : memref<256x128xf32, #tpu.memory_space<vmem>>) target_semaphore(%run_scoped3A_145 : memref<!tpu.dma_semaphore, #tpu.memory_space<semaphore_mem>>)
      tpu.wait_dma2 semaphore(%run_scoped3A_145 : memref<!tpu.dma_semaphore, #tpu.memory_space<semaphore_mem>>) src(%arg5 : memref<256x128xf32, #tpu.memory_space<hbm>>) dst(%arg9 : memref<256x128xf32, #tpu.memory_space<vmem>>)
      tpu.yield
    }) : () -> ()
    %mul3A_1 = arith.constant 640 : i32
    %mul3A_2 = arith.muli %arg1, %mul3A_1 : i32
    %add3A_3 = arith.constant 0 : i32
    %add3A_4 = arith.addi %mul3A_2, %add3A_3 : i32
    "tpu.region"() ({
      %run_scoped3A_145 = tpu.sem_alloc : memref<!tpu.dma_semaphore, #tpu.memory_space<semaphore_mem>>
      %dma_start3A_146 = arith.constant 0 : i32
      %dma_start3A_147 = tpu.memref_slice %arg12[%add3A_4, %dma_start3A_146] : memref<10240x128xf32, #tpu.memory_space<vmem_shared>> -> memref<256x128xf32, #tpu.memory_space<vmem_shared>>
      %dma_start3A_148 = arith.constant 0 : i32
      %dma_start3A_149 = tpu.memref_slice %arg12[%add3A_4, %dma_start3A_148] : memref<10240x128xf32, #tpu.memory_space<vmem_shared>> -> memref<256x128xf32, #tpu.memory_space<vmem_shared>>
      tpu.enqueue_dma source(%arg9 : memref<256x128xf32, #tpu.memory_space<vmem>>) target(%dma_start3A_149 : memref<256x128xf32, #tpu.memory_space<vmem_shared>>) target_semaphore(%run_scoped3A_145 : memref<!tpu.dma_semaphore, #tpu.memory_space<semaphore_mem>>)
      %dma_wait3A_150 = arith.constant 0 : i32
      %dma_wait3A_151 = tpu.memref_slice %arg12[%add3A_4, %dma_wait3A_150] : memref<10240x128xf32, #tpu.memory_space<vmem_shared>> -> memref<256x128xf32, #tpu.memory_space<vmem_shared>>
      %dma_wait3A_152 = arith.constant 0 : i32
      %dma_wait3A_153 = tpu.memref_slice %arg12[%add3A_4, %dma_wait3A_152] : memref<10240x128xf32, #tpu.memory_space<vmem_shared>> -> memref<256x128xf32, #tpu.memory_space<vmem_shared>>
      tpu.wait_dma2 semaphore(%run_scoped3A_145 : memref<!tpu.dma_semaphore, #tpu.memory_space<semaphore_mem>>) src(%arg9 : memref<256x128xf32, #tpu.memory_space<vmem>>) dst(%dma_wait3A_153 : memref<256x128xf32, #tpu.memory_space<vmem_shared>>)
      tpu.yield
    }) : () -> ()
    %mul3A_5 = arith.constant 640 : i32
    %mul3A_6 = arith.muli %arg1, %mul3A_5 : i32
    %add3A_7 = arith.constant 256 : i32
    %add3A_8 = arith.addi %mul3A_6, %add3A_7 : i32
    "tpu.region"() ({
      %run_scoped3A_145 = tpu.sem_alloc : memref<!tpu.dma_semaphore, #tpu.memory_space<semaphore_mem>>
      %dma_start3A_146 = arith.constant 0 : i32
      %dma_start3A_147 = tpu.memref_slice %arg12[%add3A_8, %dma_start3A_146] : memref<10240x128xf32, #tpu.memory_space<vmem_shared>> -> memref<256x128xf32, #tpu.memory_space<vmem_shared>>
      %dma_start3A_148 = arith.constant 0 : i32
      %dma_start3A_149 = tpu.memref_slice %arg12[%add3A_8, %dma_start3A_148] : memref<10240x128xf32, #tpu.memory_space<vmem_shared>> -> memref<256x128xf32, #tpu.memory_space<vmem_shared>>
      tpu.enqueue_dma source(%arg9 : memref<256x128xf32, #tpu.memory_space<vmem>>) target(%dma_start3A_149 : memref<256x128xf32, #tpu.memory_space<vmem_shared>>) target_semaphore(%run_scoped3A_145 : memref<!tpu.dma_semaphore, #tpu.memory_space<semaphore_mem>>)
      %dma_wait3A_150 = arith.constant 0 : i32
      %dma_wait3A_151 = tpu.memref_slice %arg12[%add3A_8, %dma_wait3A_150] : memref<10240x128xf32, #tpu.memory_space<vmem_shared>> -> memref<256x128xf32, #tpu.memory_space<vmem_shared>>
      %dma_wait3A_152 = arith.constant 0 : i32
      %dma_wait3A_153 = tpu.memref_slice %arg12[%add3A_8, %dma_wait3A_152] : memref<10240x128xf32, #tpu.memory_space<vmem_shared>> -> memref<256x128xf32, #tpu.memory_space<vmem_shared>>
      tpu.wait_dma2 semaphore(%run_scoped3A_145 : memref<!tpu.dma_semaphore, #tpu.memory_space<semaphore_mem>>) src(%arg9 : memref<256x128xf32, #tpu.memory_space<vmem>>) dst(%dma_wait3A_153 : memref<256x128xf32, #tpu.memory_space<vmem_shared>>)
      tpu.yield
    }) : () -> ()
    %mul3A_9 = arith.constant 640 : i32
    %mul3A_10 = arith.muli %arg1, %mul3A_9 : i32
    %add3A_11 = arith.constant 512 : i32
    %add3A_12 = arith.addi %mul3A_10, %add3A_11 : i32
    "tpu.region"() ({
      %run_scoped3A_145 = tpu.sem_alloc : memref<!tpu.dma_semaphore, #tpu.memory_space<semaphore_mem>>
      %dma_start3A_146 = arith.constant 0 : i32
      %dma_start3A_147 = arith.constant 0 : i32
      %dma_start3A_148 = tpu.memref_slice %arg9[%dma_start3A_146, %dma_start3A_147] : memref<256x128xf32, #tpu.memory_space<vmem>> -> memref<128x128xf32, #tpu.memory_space<vmem>>
      %dma_start3A_149 = arith.constant 0 : i32
      %dma_start3A_150 = tpu.memref_slice %arg12[%add3A_12, %dma_start3A_149] : memref<10240x128xf32, #tpu.memory_space<vmem_shared>> -> memref<128x128xf32, #tpu.memory_space<vmem_shared>>
      %dma_start3A_151 = arith.constant 0 : i32
      %dma_start3A_152 = tpu.memref_slice %arg12[%add3A_12, %dma_start3A_151] : memref<10240x128xf32, #tpu.memory_space<vmem_shared>> -> memref<128x128xf32, #tpu.memory_space<vmem_shared>>
      %dma_start3A_153 = arith.constant 0 : i32
      %dma_start3A_154 = arith.constant 0 : i32
      %dma_start3A_155 = tpu.memref_slice %arg9[%dma_start3A_153, %dma_start3A_154] : memref<256x128xf32, #tpu.memory_space<vmem>> -> memref<128x128xf32, #tpu.memory_space<vmem>>
      tpu.enqueue_dma source(%dma_start3A_155 : memref<128x128xf32, #tpu.memory_space<vmem>>) target(%dma_start3A_152 : memref<128x128xf32, #tpu.memory_space<vmem_shared>>) target_semaphore(%run_scoped3A_145 : memref<!tpu.dma_semaphore, #tpu.memory_space<semaphore_mem>>)
      %dma_wait3A_156 = arith.constant 0 : i32
      %dma_wait3A_157 = arith.constant 0 : i32
      %dma_wait3A_158 = tpu.memref_slice %arg9[%dma_wait3A_156, %dma_wait3A_157] : memref<256x128xf32, #tpu.memory_space<vmem>> -> memref<128x128xf32, #tpu.memory_space<vmem>>
      %dma_wait3A_159 = arith.constant 0 : i32
      %dma_wait3A_160 = tpu.memref_slice %arg12[%add3A_12, %dma_wait3A_159] : memref<10240x128xf32, #tpu.memory_space<vmem_shared>> -> memref<128x128xf32, #tpu.memory_space<vmem_shared>>
      %dma_wait3A_161 = arith.constant 0 : i32
      %dma_wait3A_162 = tpu.memref_slice %arg12[%add3A_12, %dma_wait3A_161] : memref<10240x128xf32, #tpu.memory_space<vmem_shared>> -> memref<128x128xf32, #tpu.memory_space<vmem_shared>>
      %dma_wait3A_163 = arith.constant 0 : i32
      %dma_wait3A_164 = arith.constant 0 : i32
      %dma_wait3A_165 = tpu.memref_slice %arg9[%dma_wait3A_163, %dma_wait3A_164] : memref<256x128xf32, #tpu.memory_space<vmem>> -> memref<128x128xf32, #tpu.memory_space<vmem>>
      tpu.wait_dma2 semaphore(%run_scoped3A_145 : memref<!tpu.dma_semaphore, #tpu.memory_space<semaphore_mem>>) src(%dma_wait3A_165 : memref<128x128xf32, #tpu.memory_space<vmem>>) dst(%dma_wait3A_162 : memref<128x128xf32, #tpu.memory_space<vmem_shared>>)
      tpu.yield
    }) : () -> ()
    %barrier3A = arith.constant 0 : index
    tpu.barrier barrier_id(%barrier3A)
    %mul3A_13 = arith.constant 80 : i32
    %mul3A_14 = arith.muli %add3A, %mul3A_13 : i32
    %add3A_15 = arith.constant 0 : i32
    %add3A_16 = arith.addi %mul3A_14, %add3A_15 : i32
    "tpu.region"() ({
      %run_scoped3A_145 = tpu.sem_alloc : memref<!tpu.dma_semaphore, #tpu.memory_space<semaphore_mem>>
      %dma_start3A_146 = arith.constant 0 : i32
      %dma_start3A_147 = tpu.memref_slice %arg3[%add3A_16, %dma_start3A_146] : memref<2560x128xi32, #tpu.memory_space<hbm>> -> memref<40x128xi32, #tpu.memory_space<hbm>>
      %dma_start3A_148 = arith.constant 0 : i32
      %dma_start3A_149 = tpu.memref_slice %arg3[%add3A_16, %dma_start3A_148] : memref<2560x128xi32, #tpu.memory_space<hbm>> -> memref<40x128xi32, #tpu.memory_space<hbm>>
      tpu.enqueue_dma source(%dma_start3A_149 : memref<40x128xi32, #tpu.memory_space<hbm>>) target(%arg7 : memref<40x128xi32, #tpu.memory_space<vmem>>) target_semaphore(%run_scoped3A_145 : memref<!tpu.dma_semaphore, #tpu.memory_space<semaphore_mem>>)
      %dma_wait3A_150 = arith.constant 0 : i32
      %dma_wait3A_151 = tpu.memref_slice %arg3[%add3A_16, %dma_wait3A_150] : memref<2560x128xi32, #tpu.memory_space<hbm>> -> memref<40x128xi32, #tpu.memory_space<hbm>>
      %dma_wait3A_152 = arith.constant 0 : i32
      %dma_wait3A_153 = tpu.memref_slice %arg3[%add3A_16, %dma_wait3A_152] : memref<2560x128xi32, #tpu.memory_space<hbm>> -> memref<40x128xi32, #tpu.memory_space<hbm>>
      tpu.wait_dma2 semaphore(%run_scoped3A_145 : memref<!tpu.dma_semaphore, #tpu.memory_space<semaphore_mem>>) src(%dma_wait3A_153 : memref<40x128xi32, #tpu.memory_space<hbm>>) dst(%arg7 : memref<40x128xi32, #tpu.memory_space<vmem>>)
      tpu.yield
    }) : () -> ()
    %mul3A_17 = arith.constant 80 : i32
    %mul3A_18 = arith.muli %add3A, %mul3A_17 : i32
    %add3A_19 = arith.constant 0 : i32
    %add3A_20 = arith.addi %mul3A_18, %add3A_19 : i32
    "tpu.region"() ({
      %run_scoped3A_145 = tpu.sem_alloc : memref<!tpu.dma_semaphore, #tpu.memory_space<semaphore_mem>>
      %dma_start3A_146 = arith.constant 0 : i32
      %dma_start3A_147 = tpu.memref_slice %arg4[%add3A_20, %dma_start3A_146] : memref<2560x128xi32, #tpu.memory_space<hbm>> -> memref<40x128xi32, #tpu.memory_space<hbm>>
      %dma_start3A_148 = arith.constant 0 : i32
      %dma_start3A_149 = tpu.memref_slice %arg4[%add3A_20, %dma_start3A_148] : memref<2560x128xi32, #tpu.memory_space<hbm>> -> memref<40x128xi32, #tpu.memory_space<hbm>>
      tpu.enqueue_dma source(%dma_start3A_149 : memref<40x128xi32, #tpu.memory_space<hbm>>) target(%arg8 : memref<40x128xi32, #tpu.memory_space<vmem>>) target_semaphore(%run_scoped3A_145 : memref<!tpu.dma_semaphore, #tpu.memory_space<semaphore_mem>>)
      %dma_wait3A_150 = arith.constant 0 : i32
      %dma_wait3A_151 = tpu.memref_slice %arg4[%add3A_20, %dma_wait3A_150] : memref<2560x128xi32, #tpu.memory_space<hbm>> -> memref<40x128xi32, #tpu.memory_space<hbm>>
      %dma_wait3A_152 = arith.constant 0 : i32
      %dma_wait3A_153 = tpu.memref_slice %arg4[%add3A_20, %dma_wait3A_152] : memref<2560x128xi32, #tpu.memory_space<hbm>> -> memref<40x128xi32, #tpu.memory_space<hbm>>
      tpu.wait_dma2 semaphore(%run_scoped3A_145 : memref<!tpu.dma_semaphore, #tpu.memory_space<semaphore_mem>>) src(%dma_wait3A_153 : memref<40x128xi32, #tpu.memory_space<hbm>>) dst(%arg8 : memref<40x128xi32, #tpu.memory_space<vmem>>)
      tpu.yield
    }) : () -> ()
    %dma_start3A = arith.constant 0 : i32
    %dma_start3A_21 = arith.constant 0 : i32
    %dma_start3A_22 = arith.constant 0 : i32
    %dma_start3A_23 = tpu.memref_slice %arg9[%dma_start3A_21, %dma_start3A_22] : memref<256x128xf32, #tpu.memory_space<vmem>> -> memref<128x128xf32, #tpu.memory_space<vmem>>
    %dma_start3A_24 = arith.constant 0 : i32
    %dma_start3A_25 = tpu.memref_slice %arg7[%dma_start3A, %dma_start3A_24] : memref<40x128xi32, #tpu.memory_space<vmem>> -> memref<1x128xi32, #tpu.memory_space<vmem>>
    %dma_start3A_26 = tpu.memref_squeeze %dma_start3A_25 : memref<1x128xi32, #tpu.memory_space<vmem>> -> memref<128xi32, #tpu.memory_space<vmem>>
    %dma_start3A_27 = arith.constant 0 : i32
    %dma_start3A_28 = arith.constant 0 : i32
    %dma_start3A_29 = tpu.memref_slice %arg2[%dma_start3A_27, %dma_start3A_28] : memref<10000x128xf32, #tpu.memory_space<hbm>> -> memref<10000x128xf32, #tpu.memory_space<hbm>>
    tpu.enqueue_indirect_dma source(%dma_start3A_29 : memref<10000x128xf32, #tpu.memory_space<hbm>>) target(%dma_start3A_23 : memref<128x128xf32, #tpu.memory_space<vmem>>) offsets(%dma_start3A_26 : memref<128xi32, #tpu.memory_space<vmem>>) semaphore(%arg10 : memref<!tpu.dma_semaphore, #tpu.memory_space<semaphore_mem>>)
    %dma_start3A_30 = arith.constant 1 : i32
    %dma_start3A_31 = arith.constant 128 : i32
    %dma_start3A_32 = arith.constant 0 : i32
    %dma_start3A_33 = tpu.memref_slice %arg9[%dma_start3A_31, %dma_start3A_32] : memref<256x128xf32, #tpu.memory_space<vmem>> -> memref<128x128xf32, #tpu.memory_space<vmem>>
    %dma_start3A_34 = arith.constant 0 : i32
    %dma_start3A_35 = tpu.memref_slice %arg7[%dma_start3A_30, %dma_start3A_34] : memref<40x128xi32, #tpu.memory_space<vmem>> -> memref<1x128xi32, #tpu.memory_space<vmem>>
    %dma_start3A_36 = tpu.memref_squeeze %dma_start3A_35 : memref<1x128xi32, #tpu.memory_space<vmem>> -> memref<128xi32, #tpu.memory_space<vmem>>
    %dma_start3A_37 = arith.constant 0 : i32
    %dma_start3A_38 = arith.constant 0 : i32
    %dma_start3A_39 = tpu.memref_slice %arg2[%dma_start3A_37, %dma_start3A_38] : memref<10000x128xf32, #tpu.memory_space<hbm>> -> memref<10000x128xf32, #tpu.memory_space<hbm>>
    tpu.enqueue_indirect_dma source(%dma_start3A_39 : memref<10000x128xf32, #tpu.memory_space<hbm>>) target(%dma_start3A_33 : memref<128x128xf32, #tpu.memory_space<vmem>>) offsets(%dma_start3A_36 : memref<128xi32, #tpu.memory_space<vmem>>) semaphore(%arg11 : memref<!tpu.dma_semaphore, #tpu.memory_space<semaphore_mem>>)
    %scan3A = arith.constant 0 : i32
    %scan3A_40 = arith.constant 0 : i32
    %scan3A_41 = arith.constant 19 : i32
    %scan3A_42 = arith.addi %scan3A_40, %scan3A_41 : i32
    %scan3A_43 = arith.constant 1 : i32
    scf.for %scan3A_145 = %scan3A_40 to %scan3A_42 step %scan3A_43  : i32 {
      %mul3A_146 = arith.constant 2 : i32
      %mul3A_147 = arith.muli %mul3A_146, %scan3A_145 : i32
      %dma_wait3A_148 = arith.constant 0 : i32
      %dma_wait3A_149 = arith.constant 0 : i32
      %dma_wait3A_150 = tpu.memref_slice %arg9[%dma_wait3A_148, %dma_wait3A_149] : memref<256x128xf32, #tpu.memory_space<vmem>> -> memref<128x128xf32, #tpu.memory_space<vmem>>
      %dma_wait3A_151 = arith.constant 0 : i32
      %dma_wait3A_152 = tpu.memref_slice %arg7[%mul3A_147, %dma_wait3A_151] : memref<40x128xi32, #tpu.memory_space<vmem>> -> memref<1x128xi32, #tpu.memory_space<vmem>>
      %dma_wait3A_153 = tpu.memref_squeeze %dma_wait3A_152 : memref<1x128xi32, #tpu.memory_space<vmem>> -> memref<128xi32, #tpu.memory_space<vmem>>
      %dma_wait3A_154 = arith.constant 0 : i32
      %dma_wait3A_155 = arith.constant 0 : i32
      %dma_wait3A_156 = tpu.memref_slice %arg2[%dma_wait3A_154, %dma_wait3A_155] : memref<10000x128xf32, #tpu.memory_space<hbm>> -> memref<10000x128xf32, #tpu.memory_space<hbm>>
      tpu.wait_indirect_dma semaphore(%arg10 : memref<!tpu.dma_semaphore, #tpu.memory_space<semaphore_mem>>) src(%dma_wait3A_156 : memref<10000x128xf32, #tpu.memory_space<hbm>>) dst(%dma_wait3A_150 : memref<128x128xf32, #tpu.memory_space<vmem>>)
      "tpu.region"() ({
        %run_scoped3A_192 = tpu.sem_alloc : memref<!tpu.dma_semaphore, #tpu.memory_space<semaphore_mem>>
        %dma_start3A_193 = arith.constant 0 : i32
        %dma_start3A_194 = arith.constant 0 : i32
        %dma_start3A_195 = tpu.memref_slice %arg9[%dma_start3A_193, %dma_start3A_194] : memref<256x128xf32, #tpu.memory_space<vmem>> -> memref<128x128xf32, #tpu.memory_space<vmem>>
        %dma_start3A_196 = arith.constant 0 : i32
        %dma_start3A_197 = tpu.memref_slice %arg8[%mul3A_147, %dma_start3A_196] : memref<40x128xi32, #tpu.memory_space<vmem>> -> memref<1x128xi32, #tpu.memory_space<vmem>>
        %dma_start3A_198 = tpu.memref_squeeze %dma_start3A_197 : memref<1x128xi32, #tpu.memory_space<vmem>> -> memref<128xi32, #tpu.memory_space<vmem>>
        %dma_start3A_199 = arith.constant 0 : i32
        %dma_start3A_200 = arith.constant 0 : i32
        %dma_start3A_201 = tpu.memref_slice %arg12[%dma_start3A_199, %dma_start3A_200] : memref<10240x128xf32, #tpu.memory_space<vmem_shared>> -> memref<10240x128xf32, #tpu.memory_space<vmem_shared>>
        tpu.enqueue_indirect_dma source(%dma_start3A_195 : memref<128x128xf32, #tpu.memory_space<vmem>>) target(%dma_start3A_201 : memref<10240x128xf32, #tpu.memory_space<vmem_shared>>) offsets(%dma_start3A_198 : memref<128xi32, #tpu.memory_space<vmem>>) semaphore(%run_scoped3A_192 : memref<!tpu.dma_semaphore, #tpu.memory_space<semaphore_mem>>) {add = true}
        %dma_wait3A_202 = arith.constant 0 : i32
        %dma_wait3A_203 = arith.constant 0 : i32
        %dma_wait3A_204 = tpu.memref_slice %arg9[%dma_wait3A_202, %dma_wait3A_203] : memref<256x128xf32, #tpu.memory_space<vmem>> -> memref<128x128xf32, #tpu.memory_space<vmem>>
        %dma_wait3A_205 = arith.constant 0 : i32
        %dma_wait3A_206 = tpu.memref_slice %arg8[%mul3A_147, %dma_wait3A_205] : memref<40x128xi32, #tpu.memory_space<vmem>> -> memref<1x128xi32, #tpu.memory_space<vmem>>
        %dma_wait3A_207 = tpu.memref_squeeze %dma_wait3A_206 : memref<1x128xi32, #tpu.memory_space<vmem>> -> memref<128xi32, #tpu.memory_space<vmem>>
        %dma_wait3A_208 = arith.constant 0 : i32
        %dma_wait3A_209 = arith.constant 0 : i32
        %dma_wait3A_210 = tpu.memref_slice %arg12[%dma_wait3A_208, %dma_wait3A_209] : memref<10240x128xf32, #tpu.memory_space<vmem_shared>> -> memref<10240x128xf32, #tpu.memory_space<vmem_shared>>
        tpu.wait_indirect_dma semaphore(%run_scoped3A_192 : memref<!tpu.dma_semaphore, #tpu.memory_space<semaphore_mem>>) src(%dma_wait3A_204 : memref<128x128xf32, #tpu.memory_space<vmem>>) dst(%dma_wait3A_210 : memref<10240x128xf32, #tpu.memory_space<vmem_shared>>)
        tpu.yield
      }) : () -> ()
      %add3A_157 = arith.constant 2 : i32
      %add3A_158 = arith.addi %mul3A_147, %add3A_157 : i32
      %dma_start3A_159 = arith.constant 0 : i32
      %dma_start3A_160 = arith.constant 0 : i32
      %dma_start3A_161 = tpu.memref_slice %arg9[%dma_start3A_159, %dma_start3A_160] : memref<256x128xf32, #tpu.memory_space<vmem>> -> memref<128x128xf32, #tpu.memory_space<vmem>>
      %dma_start3A_162 = arith.constant 0 : i32
      %dma_start3A_163 = tpu.memref_slice %arg7[%add3A_158, %dma_start3A_162] : memref<40x128xi32, #tpu.memory_space<vmem>> -> memref<1x128xi32, #tpu.memory_space<vmem>>
      %dma_start3A_164 = tpu.memref_squeeze %dma_start3A_163 : memref<1x128xi32, #tpu.memory_space<vmem>> -> memref<128xi32, #tpu.memory_space<vmem>>
      %dma_start3A_165 = arith.constant 0 : i32
      %dma_start3A_166 = arith.constant 0 : i32
      %dma_start3A_167 = tpu.memref_slice %arg2[%dma_start3A_165, %dma_start3A_166] : memref<10000x128xf32, #tpu.memory_space<hbm>> -> memref<10000x128xf32, #tpu.memory_space<hbm>>
      tpu.enqueue_indirect_dma source(%dma_start3A_167 : memref<10000x128xf32, #tpu.memory_space<hbm>>) target(%dma_start3A_161 : memref<128x128xf32, #tpu.memory_space<vmem>>) offsets(%dma_start3A_164 : memref<128xi32, #tpu.memory_space<vmem>>) semaphore(%arg10 : memref<!tpu.dma_semaphore, #tpu.memory_space<semaphore_mem>>)
      %add3A_168 = arith.constant 1 : i32
      %add3A_169 = arith.addi %mul3A_147, %add3A_168 : i32
      %dma_wait3A_170 = arith.constant 128 : i32
      %dma_wait3A_171 = arith.constant 0 : i32
      %dma_wait3A_172 = tpu.memref_slice %arg9[%dma_wait3A_170, %dma_wait3A_171] : memref<256x128xf32, #tpu.memory_space<vmem>> -> memref<128x128xf32, #tpu.memory_space<vmem>>
      %dma_wait3A_173 = arith.constant 0 : i32
      %dma_wait3A_174 = tpu.memref_slice %arg7[%add3A_169, %dma_wait3A_173] : memref<40x128xi32, #tpu.memory_space<vmem>> -> memref<1x128xi32, #tpu.memory_space<vmem>>
      %dma_wait3A_175 = tpu.memref_squeeze %dma_wait3A_174 : memref<1x128xi32, #tpu.memory_space<vmem>> -> memref<128xi32, #tpu.memory_space<vmem>>
      %dma_wait3A_176 = arith.constant 0 : i32
      %dma_wait3A_177 = arith.constant 0 : i32
      %dma_wait3A_178 = tpu.memref_slice %arg2[%dma_wait3A_176, %dma_wait3A_177] : memref<10000x128xf32, #tpu.memory_space<hbm>> -> memref<10000x128xf32, #tpu.memory_space<hbm>>
      tpu.wait_indirect_dma semaphore(%arg11 : memref<!tpu.dma_semaphore, #tpu.memory_space<semaphore_mem>>) src(%dma_wait3A_178 : memref<10000x128xf32, #tpu.memory_space<hbm>>) dst(%dma_wait3A_172 : memref<128x128xf32, #tpu.memory_space<vmem>>)
      %add3A_179 = arith.constant 1 : i32
      %add3A_180 = arith.addi %mul3A_147, %add3A_179 : i32
      "tpu.region"() ({
        %run_scoped3A_192 = tpu.sem_alloc : memref<!tpu.dma_semaphore, #tpu.memory_space<semaphore_mem>>
        %dma_start3A_193 = arith.constant 128 : i32
        %dma_start3A_194 = arith.constant 0 : i32
        %dma_start3A_195 = tpu.memref_slice %arg9[%dma_start3A_193, %dma_start3A_194] : memref<256x128xf32, #tpu.memory_space<vmem>> -> memref<128x128xf32, #tpu.memory_space<vmem>>
        %dma_start3A_196 = arith.constant 0 : i32
        %dma_start3A_197 = tpu.memref_slice %arg8[%add3A_180, %dma_start3A_196] : memref<40x128xi32, #tpu.memory_space<vmem>> -> memref<1x128xi32, #tpu.memory_space<vmem>>
        %dma_start3A_198 = tpu.memref_squeeze %dma_start3A_197 : memref<1x128xi32, #tpu.memory_space<vmem>> -> memref<128xi32, #tpu.memory_space<vmem>>
        %dma_start3A_199 = arith.constant 0 : i32
        %dma_start3A_200 = arith.constant 0 : i32
        %dma_start3A_201 = tpu.memref_slice %arg12[%dma_start3A_199, %dma_start3A_200] : memref<10240x128xf32, #tpu.memory_space<vmem_shared>> -> memref<10240x128xf32, #tpu.memory_space<vmem_shared>>
        tpu.enqueue_indirect_dma source(%dma_start3A_195 : memref<128x128xf32, #tpu.memory_space<vmem>>) target(%dma_start3A_201 : memref<10240x128xf32, #tpu.memory_space<vmem_shared>>) offsets(%dma_start3A_198 : memref<128xi32, #tpu.memory_space<vmem>>) semaphore(%run_scoped3A_192 : memref<!tpu.dma_semaphore, #tpu.memory_space<semaphore_mem>>) {add = true}
        %dma_wait3A_202 = arith.constant 128 : i32
        %dma_wait3A_203 = arith.constant 0 : i32
        %dma_wait3A_204 = tpu.memref_slice %arg9[%dma_wait3A_202, %dma_wait3A_203] : memref<256x128xf32, #tpu.memory_space<vmem>> -> memref<128x128xf32, #tpu.memory_space<vmem>>
        %dma_wait3A_205 = arith.constant 0 : i32
        %dma_wait3A_206 = tpu.memref_slice %arg8[%add3A_180, %dma_wait3A_205] : memref<40x128xi32, #tpu.memory_space<vmem>> -> memref<1x128xi32, #tpu.memory_space<vmem>>
        %dma_wait3A_207 = tpu.memref_squeeze %dma_wait3A_206 : memref<1x128xi32, #tpu.memory_space<vmem>> -> memref<128xi32, #tpu.memory_space<vmem>>
        %dma_wait3A_208 = arith.constant 0 : i32
        %dma_wait3A_209 = arith.constant 0 : i32
        %dma_wait3A_210 = tpu.memref_slice %arg12[%dma_wait3A_208, %dma_wait3A_209] : memref<10240x128xf32, #tpu.memory_space<vmem_shared>> -> memref<10240x128xf32, #tpu.memory_space<vmem_shared>>
        tpu.wait_indirect_dma semaphore(%run_scoped3A_192 : memref<!tpu.dma_semaphore, #tpu.memory_space<semaphore_mem>>) src(%dma_wait3A_204 : memref<128x128xf32, #tpu.memory_space<vmem>>) dst(%dma_wait3A_210 : memref<10240x128xf32, #tpu.memory_space<vmem_shared>>)
        tpu.yield
      }) : () -> ()
      %add3A_181 = arith.constant 3 : i32
      %add3A_182 = arith.addi %mul3A_147, %add3A_181 : i32
      %dma_start3A_183 = arith.constant 128 : i32
      %dma_start3A_184 = arith.constant 0 : i32
      %dma_start3A_185 = tpu.memref_slice %arg9[%dma_start3A_183, %dma_start3A_184] : memref<256x128xf32, #tpu.memory_space<vmem>> -> memref<128x128xf32, #tpu.memory_space<vmem>>
      %dma_start3A_186 = arith.constant 0 : i32
      %dma_start3A_187 = tpu.memref_slice %arg7[%add3A_182, %dma_start3A_186] : memref<40x128xi32, #tpu.memory_space<vmem>> -> memref<1x128xi32, #tpu.memory_space<vmem>>
      %dma_start3A_188 = tpu.memref_squeeze %dma_start3A_187 : memref<1x128xi32, #tpu.memory_space<vmem>> -> memref<128xi32, #tpu.memory_space<vmem>>
      %dma_start3A_189 = arith.constant 0 : i32
      %dma_start3A_190 = arith.constant 0 : i32
      %dma_start3A_191 = tpu.memref_slice %arg2[%dma_start3A_189, %dma_start3A_190] : memref<10000x128xf32, #tpu.memory_space<hbm>> -> memref<10000x128xf32, #tpu.memory_space<hbm>>
      tpu.enqueue_indirect_dma source(%dma_start3A_191 : memref<10000x128xf32, #tpu.memory_space<hbm>>) target(%dma_start3A_185 : memref<128x128xf32, #tpu.memory_space<vmem>>) offsets(%dma_start3A_188 : memref<128xi32, #tpu.memory_space<vmem>>) semaphore(%arg11 : memref<!tpu.dma_semaphore, #tpu.memory_space<semaphore_mem>>)
    }
    %scan3A_44 = arith.constant 19 : i32
    %dma_wait3A = arith.constant 38 : i32
    %dma_wait3A_45 = arith.constant 0 : i32
    %dma_wait3A_46 = arith.constant 0 : i32
    %dma_wait3A_47 = tpu.memref_slice %arg9[%dma_wait3A_45, %dma_wait3A_46] : memref<256x128xf32, #tpu.memory_space<vmem>> -> memref<128x128xf32, #tpu.memory_space<vmem>>
    %dma_wait3A_48 = arith.constant 0 : i32
    %dma_wait3A_49 = tpu.memref_slice %arg7[%dma_wait3A, %dma_wait3A_48] : memref<40x128xi32, #tpu.memory_space<vmem>> -> memref<1x128xi32, #tpu.memory_space<vmem>>
    %dma_wait3A_50 = tpu.memref_squeeze %dma_wait3A_49 : memref<1x128xi32, #tpu.memory_space<vmem>> -> memref<128xi32, #tpu.memory_space<vmem>>
    %dma_wait3A_51 = arith.constant 0 : i32
    %dma_wait3A_52 = arith.constant 0 : i32
    %dma_wait3A_53 = tpu.memref_slice %arg2[%dma_wait3A_51, %dma_wait3A_52] : memref<10000x128xf32, #tpu.memory_space<hbm>> -> memref<10000x128xf32, #tpu.memory_space<hbm>>
    tpu.wait_indirect_dma semaphore(%arg10 : memref<!tpu.dma_semaphore, #tpu.memory_space<semaphore_mem>>) src(%dma_wait3A_53 : memref<10000x128xf32, #tpu.memory_space<hbm>>) dst(%dma_wait3A_47 : memref<128x128xf32, #tpu.memory_space<vmem>>)
    %run_scoped3A = arith.constant 38 : i32
    "tpu.region"() ({
      %run_scoped3A_145 = tpu.sem_alloc : memref<!tpu.dma_semaphore, #tpu.memory_space<semaphore_mem>>
      %dma_start3A_146 = arith.constant 0 : i32
      %dma_start3A_147 = arith.constant 0 : i32
      %dma_start3A_148 = tpu.memref_slice %arg9[%dma_start3A_146, %dma_start3A_147] : memref<256x128xf32, #tpu.memory_space<vmem>> -> memref<128x128xf32, #tpu.memory_space<vmem>>
      %dma_start3A_149 = arith.constant 0 : i32
      %dma_start3A_150 = tpu.memref_slice %arg8[%run_scoped3A, %dma_start3A_149] : memref<40x128xi32, #tpu.memory_space<vmem>> -> memref<1x128xi32, #tpu.memory_space<vmem>>
      %dma_start3A_151 = tpu.memref_squeeze %dma_start3A_150 : memref<1x128xi32, #tpu.memory_space<vmem>> -> memref<128xi32, #tpu.memory_space<vmem>>
      %dma_start3A_152 = arith.constant 0 : i32
      %dma_start3A_153 = arith.constant 0 : i32
      %dma_start3A_154 = tpu.memref_slice %arg12[%dma_start3A_152, %dma_start3A_153] : memref<10240x128xf32, #tpu.memory_space<vmem_shared>> -> memref<10240x128xf32, #tpu.memory_space<vmem_shared>>
      tpu.enqueue_indirect_dma source(%dma_start3A_148 : memref<128x128xf32, #tpu.memory_space<vmem>>) target(%dma_start3A_154 : memref<10240x128xf32, #tpu.memory_space<vmem_shared>>) offsets(%dma_start3A_151 : memref<128xi32, #tpu.memory_space<vmem>>) semaphore(%run_scoped3A_145 : memref<!tpu.dma_semaphore, #tpu.memory_space<semaphore_mem>>) {add = true}
      %dma_wait3A_155 = arith.constant 0 : i32
      %dma_wait3A_156 = arith.constant 0 : i32
      %dma_wait3A_157 = tpu.memref_slice %arg9[%dma_wait3A_155, %dma_wait3A_156] : memref<256x128xf32, #tpu.memory_space<vmem>> -> memref<128x128xf32, #tpu.memory_space<vmem>>
      %dma_wait3A_158 = arith.constant 0 : i32
      %dma_wait3A_159 = tpu.memref_slice %arg8[%run_scoped3A, %dma_wait3A_158] : memref<40x128xi32, #tpu.memory_space<vmem>> -> memref<1x128xi32, #tpu.memory_space<vmem>>
      %dma_wait3A_160 = tpu.memref_squeeze %dma_wait3A_159 : memref<1x128xi32, #tpu.memory_space<vmem>> -> memref<128xi32, #tpu.memory_space<vmem>>
      %dma_wait3A_161 = arith.constant 0 : i32
      %dma_wait3A_162 = arith.constant 0 : i32
      %dma_wait3A_163 = tpu.memref_slice %arg12[%dma_wait3A_161, %dma_wait3A_162] : memref<10240x128xf32, #tpu.memory_space<vmem_shared>> -> memref<10240x128xf32, #tpu.memory_space<vmem_shared>>
      tpu.wait_indirect_dma semaphore(%run_scoped3A_145 : memref<!tpu.dma_semaphore, #tpu.memory_space<semaphore_mem>>) src(%dma_wait3A_157 : memref<128x128xf32, #tpu.memory_space<vmem>>) dst(%dma_wait3A_163 : memref<10240x128xf32, #tpu.memory_space<vmem_shared>>)
      tpu.yield
    }) : () -> ()
    %dma_wait3A_54 = arith.constant 39 : i32
    %dma_wait3A_55 = arith.constant 128 : i32
    %dma_wait3A_56 = arith.constant 0 : i32
    %dma_wait3A_57 = tpu.memref_slice %arg9[%dma_wait3A_55, %dma_wait3A_56] : memref<256x128xf32, #tpu.memory_space<vmem>> -> memref<128x128xf32, #tpu.memory_space<vmem>>
    %dma_wait3A_58 = arith.constant 0 : i32
    %dma_wait3A_59 = tpu.memref_slice %arg7[%dma_wait3A_54, %dma_wait3A_58] : memref<40x128xi32, #tpu.memory_space<vmem>> -> memref<1x128xi32, #tpu.memory_space<vmem>>
    %dma_wait3A_60 = tpu.memref_squeeze %dma_wait3A_59 : memref<1x128xi32, #tpu.memory_space<vmem>> -> memref<128xi32, #tpu.memory_space<vmem>>
    %dma_wait3A_61 = arith.constant 0 : i32
    %dma_wait3A_62 = arith.constant 0 : i32
    %dma_wait3A_63 = tpu.memref_slice %arg2[%dma_wait3A_61, %dma_wait3A_62] : memref<10000x128xf32, #tpu.memory_space<hbm>> -> memref<10000x128xf32, #tpu.memory_space<hbm>>
    tpu.wait_indirect_dma semaphore(%arg11 : memref<!tpu.dma_semaphore, #tpu.memory_space<semaphore_mem>>) src(%dma_wait3A_63 : memref<10000x128xf32, #tpu.memory_space<hbm>>) dst(%dma_wait3A_57 : memref<128x128xf32, #tpu.memory_space<vmem>>)
    %run_scoped3A_64 = arith.constant 39 : i32
    "tpu.region"() ({
      %run_scoped3A_145 = tpu.sem_alloc : memref<!tpu.dma_semaphore, #tpu.memory_space<semaphore_mem>>
      %dma_start3A_146 = arith.constant 128 : i32
      %dma_start3A_147 = arith.constant 0 : i32
      %dma_start3A_148 = tpu.memref_slice %arg9[%dma_start3A_146, %dma_start3A_147] : memref<256x128xf32, #tpu.memory_space<vmem>> -> memref<128x128xf32, #tpu.memory_space<vmem>>
      %dma_start3A_149 = arith.constant 0 : i32
      %dma_start3A_150 = tpu.memref_slice %arg8[%run_scoped3A_64, %dma_start3A_149] : memref<40x128xi32, #tpu.memory_space<vmem>> -> memref<1x128xi32, #tpu.memory_space<vmem>>
      %dma_start3A_151 = tpu.memref_squeeze %dma_start3A_150 : memref<1x128xi32, #tpu.memory_space<vmem>> -> memref<128xi32, #tpu.memory_space<vmem>>
      %dma_start3A_152 = arith.constant 0 : i32
      %dma_start3A_153 = arith.constant 0 : i32
      %dma_start3A_154 = tpu.memref_slice %arg12[%dma_start3A_152, %dma_start3A_153] : memref<10240x128xf32, #tpu.memory_space<vmem_shared>> -> memref<10240x128xf32, #tpu.memory_space<vmem_shared>>
      tpu.enqueue_indirect_dma source(%dma_start3A_148 : memref<128x128xf32, #tpu.memory_space<vmem>>) target(%dma_start3A_154 : memref<10240x128xf32, #tpu.memory_space<vmem_shared>>) offsets(%dma_start3A_151 : memref<128xi32, #tpu.memory_space<vmem>>) semaphore(%run_scoped3A_145 : memref<!tpu.dma_semaphore, #tpu.memory_space<semaphore_mem>>) {add = true}
      %dma_wait3A_155 = arith.constant 128 : i32
      %dma_wait3A_156 = arith.constant 0 : i32
      %dma_wait3A_157 = tpu.memref_slice %arg9[%dma_wait3A_155, %dma_wait3A_156] : memref<256x128xf32, #tpu.memory_space<vmem>> -> memref<128x128xf32, #tpu.memory_space<vmem>>
      %dma_wait3A_158 = arith.constant 0 : i32
      %dma_wait3A_159 = tpu.memref_slice %arg8[%run_scoped3A_64, %dma_wait3A_158] : memref<40x128xi32, #tpu.memory_space<vmem>> -> memref<1x128xi32, #tpu.memory_space<vmem>>
      %dma_wait3A_160 = tpu.memref_squeeze %dma_wait3A_159 : memref<1x128xi32, #tpu.memory_space<vmem>> -> memref<128xi32, #tpu.memory_space<vmem>>
      %dma_wait3A_161 = arith.constant 0 : i32
      %dma_wait3A_162 = arith.constant 0 : i32
      %dma_wait3A_163 = tpu.memref_slice %arg12[%dma_wait3A_161, %dma_wait3A_162] : memref<10240x128xf32, #tpu.memory_space<vmem_shared>> -> memref<10240x128xf32, #tpu.memory_space<vmem_shared>>
      tpu.wait_indirect_dma semaphore(%run_scoped3A_145 : memref<!tpu.dma_semaphore, #tpu.memory_space<semaphore_mem>>) src(%dma_wait3A_157 : memref<128x128xf32, #tpu.memory_space<vmem>>) dst(%dma_wait3A_163 : memref<10240x128xf32, #tpu.memory_space<vmem_shared>>)
      tpu.yield
    }) : () -> ()
    %mul3A_65 = arith.constant 80 : i32
    %mul3A_66 = arith.muli %add3A, %mul3A_65 : i32
    %add3A_67 = arith.constant 40 : i32
    %add3A_68 = arith.addi %mul3A_66, %add3A_67 : i32
    "tpu.region"() ({
      %run_scoped3A_145 = tpu.sem_alloc : memref<!tpu.dma_semaphore, #tpu.memory_space<semaphore_mem>>
      %dma_start3A_146 = arith.constant 0 : i32
      %dma_start3A_147 = tpu.memref_slice %arg3[%add3A_68, %dma_start3A_146] : memref<2560x128xi32, #tpu.memory_space<hbm>> -> memref<40x128xi32, #tpu.memory_space<hbm>>
      %dma_start3A_148 = arith.constant 0 : i32
      %dma_start3A_149 = tpu.memref_slice %arg3[%add3A_68, %dma_start3A_148] : memref<2560x128xi32, #tpu.memory_space<hbm>> -> memref<40x128xi32, #tpu.memory_space<hbm>>
      tpu.enqueue_dma source(%dma_start3A_149 : memref<40x128xi32, #tpu.memory_space<hbm>>) target(%arg7 : memref<40x128xi32, #tpu.memory_space<vmem>>) target_semaphore(%run_scoped3A_145 : memref<!tpu.dma_semaphore, #tpu.memory_space<semaphore_mem>>)
      %dma_wait3A_150 = arith.constant 0 : i32
      %dma_wait3A_151 = tpu.memref_slice %arg3[%add3A_68, %dma_wait3A_150] : memref<2560x128xi32, #tpu.memory_space<hbm>> -> memref<40x128xi32, #tpu.memory_space<hbm>>
      %dma_wait3A_152 = arith.constant 0 : i32
      %dma_wait3A_153 = tpu.memref_slice %arg3[%add3A_68, %dma_wait3A_152] : memref<2560x128xi32, #tpu.memory_space<hbm>> -> memref<40x128xi32, #tpu.memory_space<hbm>>
      tpu.wait_dma2 semaphore(%run_scoped3A_145 : memref<!tpu.dma_semaphore, #tpu.memory_space<semaphore_mem>>) src(%dma_wait3A_153 : memref<40x128xi32, #tpu.memory_space<hbm>>) dst(%arg7 : memref<40x128xi32, #tpu.memory_space<vmem>>)
      tpu.yield
    }) : () -> ()
    %mul3A_69 = arith.constant 80 : i32
    %mul3A_70 = arith.muli %add3A, %mul3A_69 : i32
    %add3A_71 = arith.constant 40 : i32
    %add3A_72 = arith.addi %mul3A_70, %add3A_71 : i32
    "tpu.region"() ({
      %run_scoped3A_145 = tpu.sem_alloc : memref<!tpu.dma_semaphore, #tpu.memory_space<semaphore_mem>>
      %dma_start3A_146 = arith.constant 0 : i32
      %dma_start3A_147 = tpu.memref_slice %arg4[%add3A_72, %dma_start3A_146] : memref<2560x128xi32, #tpu.memory_space<hbm>> -> memref<40x128xi32, #tpu.memory_space<hbm>>
      %dma_start3A_148 = arith.constant 0 : i32
      %dma_start3A_149 = tpu.memref_slice %arg4[%add3A_72, %dma_start3A_148] : memref<2560x128xi32, #tpu.memory_space<hbm>> -> memref<40x128xi32, #tpu.memory_space<hbm>>
      tpu.enqueue_dma source(%dma_start3A_149 : memref<40x128xi32, #tpu.memory_space<hbm>>) target(%arg8 : memref<40x128xi32, #tpu.memory_space<vmem>>) target_semaphore(%run_scoped3A_145 : memref<!tpu.dma_semaphore, #tpu.memory_space<semaphore_mem>>)
      %dma_wait3A_150 = arith.constant 0 : i32
      %dma_wait3A_151 = tpu.memref_slice %arg4[%add3A_72, %dma_wait3A_150] : memref<2560x128xi32, #tpu.memory_space<hbm>> -> memref<40x128xi32, #tpu.memory_space<hbm>>
      %dma_wait3A_152 = arith.constant 0 : i32
      %dma_wait3A_153 = tpu.memref_slice %arg4[%add3A_72, %dma_wait3A_152] : memref<2560x128xi32, #tpu.memory_space<hbm>> -> memref<40x128xi32, #tpu.memory_space<hbm>>
      tpu.wait_dma2 semaphore(%run_scoped3A_145 : memref<!tpu.dma_semaphore, #tpu.memory_space<semaphore_mem>>) src(%dma_wait3A_153 : memref<40x128xi32, #tpu.memory_space<hbm>>) dst(%arg8 : memref<40x128xi32, #tpu.memory_space<vmem>>)
      tpu.yield
    }) : () -> ()
    %dma_start3A_73 = arith.constant 0 : i32
    %dma_start3A_74 = arith.constant 0 : i32
    %dma_start3A_75 = arith.constant 0 : i32
    %dma_start3A_76 = tpu.memref_slice %arg9[%dma_start3A_74, %dma_start3A_75] : memref<256x128xf32, #tpu.memory_space<vmem>> -> memref<128x128xf32, #tpu.memory_space<vmem>>
    %dma_start3A_77 = arith.constant 0 : i32
    %dma_start3A_78 = tpu.memref_slice %arg7[%dma_start3A_73, %dma_start3A_77] : memref<40x128xi32, #tpu.memory_space<vmem>> -> memref<1x128xi32, #tpu.memory_space<vmem>>
    %dma_start3A_79 = tpu.memref_squeeze %dma_start3A_78 : memref<1x128xi32, #tpu.memory_space<vmem>> -> memref<128xi32, #tpu.memory_space<vmem>>
    %dma_start3A_80 = arith.constant 0 : i32
    %dma_start3A_81 = arith.constant 0 : i32
    %dma_start3A_82 = tpu.memref_slice %arg2[%dma_start3A_80, %dma_start3A_81] : memref<10000x128xf32, #tpu.memory_space<hbm>> -> memref<10000x128xf32, #tpu.memory_space<hbm>>
    tpu.enqueue_indirect_dma source(%dma_start3A_82 : memref<10000x128xf32, #tpu.memory_space<hbm>>) target(%dma_start3A_76 : memref<128x128xf32, #tpu.memory_space<vmem>>) offsets(%dma_start3A_79 : memref<128xi32, #tpu.memory_space<vmem>>) semaphore(%arg10 : memref<!tpu.dma_semaphore, #tpu.memory_space<semaphore_mem>>)
    %dma_start3A_83 = arith.constant 1 : i32
    %dma_start3A_84 = arith.constant 128 : i32
    %dma_start3A_85 = arith.constant 0 : i32
    %dma_start3A_86 = tpu.memref_slice %arg9[%dma_start3A_84, %dma_start3A_85] : memref<256x128xf32, #tpu.memory_space<vmem>> -> memref<128x128xf32, #tpu.memory_space<vmem>>
    %dma_start3A_87 = arith.constant 0 : i32
    %dma_start3A_88 = tpu.memref_slice %arg7[%dma_start3A_83, %dma_start3A_87] : memref<40x128xi32, #tpu.memory_space<vmem>> -> memref<1x128xi32, #tpu.memory_space<vmem>>
    %dma_start3A_89 = tpu.memref_squeeze %dma_start3A_88 : memref<1x128xi32, #tpu.memory_space<vmem>> -> memref<128xi32, #tpu.memory_space<vmem>>
    %dma_start3A_90 = arith.constant 0 : i32
    %dma_start3A_91 = arith.constant 0 : i32
    %dma_start3A_92 = tpu.memref_slice %arg2[%dma_start3A_90, %dma_start3A_91] : memref<10000x128xf32, #tpu.memory_space<hbm>> -> memref<10000x128xf32, #tpu.memory_space<hbm>>
    tpu.enqueue_indirect_dma source(%dma_start3A_92 : memref<10000x128xf32, #tpu.memory_space<hbm>>) target(%dma_start3A_86 : memref<128x128xf32, #tpu.memory_space<vmem>>) offsets(%dma_start3A_89 : memref<128xi32, #tpu.memory_space<vmem>>) semaphore(%arg11 : memref<!tpu.dma_semaphore, #tpu.memory_space<semaphore_mem>>)
    %scan3A_93 = arith.constant 0 : i32
    %scan3A_94 = arith.constant 0 : i32
    %scan3A_95 = arith.constant 19 : i32
    %scan3A_96 = arith.addi %scan3A_94, %scan3A_95 : i32
    %scan3A_97 = arith.constant 1 : i32
    scf.for %scan3A_145 = %scan3A_94 to %scan3A_96 step %scan3A_97  : i32 {
      %mul3A_146 = arith.constant 2 : i32
      %mul3A_147 = arith.muli %mul3A_146, %scan3A_145 : i32
      %dma_wait3A_148 = arith.constant 0 : i32
      %dma_wait3A_149 = arith.constant 0 : i32
      %dma_wait3A_150 = tpu.memref_slice %arg9[%dma_wait3A_148, %dma_wait3A_149] : memref<256x128xf32, #tpu.memory_space<vmem>> -> memref<128x128xf32, #tpu.memory_space<vmem>>
      %dma_wait3A_151 = arith.constant 0 : i32
      %dma_wait3A_152 = tpu.memref_slice %arg7[%mul3A_147, %dma_wait3A_151] : memref<40x128xi32, #tpu.memory_space<vmem>> -> memref<1x128xi32, #tpu.memory_space<vmem>>
      %dma_wait3A_153 = tpu.memref_squeeze %dma_wait3A_152 : memref<1x128xi32, #tpu.memory_space<vmem>> -> memref<128xi32, #tpu.memory_space<vmem>>
      %dma_wait3A_154 = arith.constant 0 : i32
      %dma_wait3A_155 = arith.constant 0 : i32
      %dma_wait3A_156 = tpu.memref_slice %arg2[%dma_wait3A_154, %dma_wait3A_155] : memref<10000x128xf32, #tpu.memory_space<hbm>> -> memref<10000x128xf32, #tpu.memory_space<hbm>>
      tpu.wait_indirect_dma semaphore(%arg10 : memref<!tpu.dma_semaphore, #tpu.memory_space<semaphore_mem>>) src(%dma_wait3A_156 : memref<10000x128xf32, #tpu.memory_space<hbm>>) dst(%dma_wait3A_150 : memref<128x128xf32, #tpu.memory_space<vmem>>)
      "tpu.region"() ({
        %run_scoped3A_192 = tpu.sem_alloc : memref<!tpu.dma_semaphore, #tpu.memory_space<semaphore_mem>>
        %dma_start3A_193 = arith.constant 0 : i32
        %dma_start3A_194 = arith.constant 0 : i32
        %dma_start3A_195 = tpu.memref_slice %arg9[%dma_start3A_193, %dma_start3A_194] : memref<256x128xf32, #tpu.memory_space<vmem>> -> memref<128x128xf32, #tpu.memory_space<vmem>>
        %dma_start3A_196 = arith.constant 0 : i32
        %dma_start3A_197 = tpu.memref_slice %arg8[%mul3A_147, %dma_start3A_196] : memref<40x128xi32, #tpu.memory_space<vmem>> -> memref<1x128xi32, #tpu.memory_space<vmem>>
        %dma_start3A_198 = tpu.memref_squeeze %dma_start3A_197 : memref<1x128xi32, #tpu.memory_space<vmem>> -> memref<128xi32, #tpu.memory_space<vmem>>
        %dma_start3A_199 = arith.constant 0 : i32
        %dma_start3A_200 = arith.constant 0 : i32
        %dma_start3A_201 = tpu.memref_slice %arg12[%dma_start3A_199, %dma_start3A_200] : memref<10240x128xf32, #tpu.memory_space<vmem_shared>> -> memref<10240x128xf32, #tpu.memory_space<vmem_shared>>
        tpu.enqueue_indirect_dma source(%dma_start3A_195 : memref<128x128xf32, #tpu.memory_space<vmem>>) target(%dma_start3A_201 : memref<10240x128xf32, #tpu.memory_space<vmem_shared>>) offsets(%dma_start3A_198 : memref<128xi32, #tpu.memory_space<vmem>>) semaphore(%run_scoped3A_192 : memref<!tpu.dma_semaphore, #tpu.memory_space<semaphore_mem>>) {add = true}
        %dma_wait3A_202 = arith.constant 0 : i32
        %dma_wait3A_203 = arith.constant 0 : i32
        %dma_wait3A_204 = tpu.memref_slice %arg9[%dma_wait3A_202, %dma_wait3A_203] : memref<256x128xf32, #tpu.memory_space<vmem>> -> memref<128x128xf32, #tpu.memory_space<vmem>>
        %dma_wait3A_205 = arith.constant 0 : i32
        %dma_wait3A_206 = tpu.memref_slice %arg8[%mul3A_147, %dma_wait3A_205] : memref<40x128xi32, #tpu.memory_space<vmem>> -> memref<1x128xi32, #tpu.memory_space<vmem>>
        %dma_wait3A_207 = tpu.memref_squeeze %dma_wait3A_206 : memref<1x128xi32, #tpu.memory_space<vmem>> -> memref<128xi32, #tpu.memory_space<vmem>>
        %dma_wait3A_208 = arith.constant 0 : i32
        %dma_wait3A_209 = arith.constant 0 : i32
        %dma_wait3A_210 = tpu.memref_slice %arg12[%dma_wait3A_208, %dma_wait3A_209] : memref<10240x128xf32, #tpu.memory_space<vmem_shared>> -> memref<10240x128xf32, #tpu.memory_space<vmem_shared>>
        tpu.wait_indirect_dma semaphore(%run_scoped3A_192 : memref<!tpu.dma_semaphore, #tpu.memory_space<semaphore_mem>>) src(%dma_wait3A_204 : memref<128x128xf32, #tpu.memory_space<vmem>>) dst(%dma_wait3A_210 : memref<10240x128xf32, #tpu.memory_space<vmem_shared>>)
        tpu.yield
      }) : () -> ()
      %add3A_157 = arith.constant 2 : i32
      %add3A_158 = arith.addi %mul3A_147, %add3A_157 : i32
      %dma_start3A_159 = arith.constant 0 : i32
      %dma_start3A_160 = arith.constant 0 : i32
      %dma_start3A_161 = tpu.memref_slice %arg9[%dma_start3A_159, %dma_start3A_160] : memref<256x128xf32, #tpu.memory_space<vmem>> -> memref<128x128xf32, #tpu.memory_space<vmem>>
      %dma_start3A_162 = arith.constant 0 : i32
      %dma_start3A_163 = tpu.memref_slice %arg7[%add3A_158, %dma_start3A_162] : memref<40x128xi32, #tpu.memory_space<vmem>> -> memref<1x128xi32, #tpu.memory_space<vmem>>
      %dma_start3A_164 = tpu.memref_squeeze %dma_start3A_163 : memref<1x128xi32, #tpu.memory_space<vmem>> -> memref<128xi32, #tpu.memory_space<vmem>>
      %dma_start3A_165 = arith.constant 0 : i32
      %dma_start3A_166 = arith.constant 0 : i32
      %dma_start3A_167 = tpu.memref_slice %arg2[%dma_start3A_165, %dma_start3A_166] : memref<10000x128xf32, #tpu.memory_space<hbm>> -> memref<10000x128xf32, #tpu.memory_space<hbm>>
      tpu.enqueue_indirect_dma source(%dma_start3A_167 : memref<10000x128xf32, #tpu.memory_space<hbm>>) target(%dma_start3A_161 : memref<128x128xf32, #tpu.memory_space<vmem>>) offsets(%dma_start3A_164 : memref<128xi32, #tpu.memory_space<vmem>>) semaphore(%arg10 : memref<!tpu.dma_semaphore, #tpu.memory_space<semaphore_mem>>)
      %add3A_168 = arith.constant 1 : i32
      %add3A_169 = arith.addi %mul3A_147, %add3A_168 : i32
      %dma_wait3A_170 = arith.constant 128 : i32
      %dma_wait3A_171 = arith.constant 0 : i32
      %dma_wait3A_172 = tpu.memref_slice %arg9[%dma_wait3A_170, %dma_wait3A_171] : memref<256x128xf32, #tpu.memory_space<vmem>> -> memref<128x128xf32, #tpu.memory_space<vmem>>
      %dma_wait3A_173 = arith.constant 0 : i32
      %dma_wait3A_174 = tpu.memref_slice %arg7[%add3A_169, %dma_wait3A_173] : memref<40x128xi32, #tpu.memory_space<vmem>> -> memref<1x128xi32, #tpu.memory_space<vmem>>
      %dma_wait3A_175 = tpu.memref_squeeze %dma_wait3A_174 : memref<1x128xi32, #tpu.memory_space<vmem>> -> memref<128xi32, #tpu.memory_space<vmem>>
      %dma_wait3A_176 = arith.constant 0 : i32
      %dma_wait3A_177 = arith.constant 0 : i32
      %dma_wait3A_178 = tpu.memref_slice %arg2[%dma_wait3A_176, %dma_wait3A_177] : memref<10000x128xf32, #tpu.memory_space<hbm>> -> memref<10000x128xf32, #tpu.memory_space<hbm>>
      tpu.wait_indirect_dma semaphore(%arg11 : memref<!tpu.dma_semaphore, #tpu.memory_space<semaphore_mem>>) src(%dma_wait3A_178 : memref<10000x128xf32, #tpu.memory_space<hbm>>) dst(%dma_wait3A_172 : memref<128x128xf32, #tpu.memory_space<vmem>>)
      %add3A_179 = arith.constant 1 : i32
      %add3A_180 = arith.addi %mul3A_147, %add3A_179 : i32
      "tpu.region"() ({
        %run_scoped3A_192 = tpu.sem_alloc : memref<!tpu.dma_semaphore, #tpu.memory_space<semaphore_mem>>
        %dma_start3A_193 = arith.constant 128 : i32
        %dma_start3A_194 = arith.constant 0 : i32
        %dma_start3A_195 = tpu.memref_slice %arg9[%dma_start3A_193, %dma_start3A_194] : memref<256x128xf32, #tpu.memory_space<vmem>> -> memref<128x128xf32, #tpu.memory_space<vmem>>
        %dma_start3A_196 = arith.constant 0 : i32
        %dma_start3A_197 = tpu.memref_slice %arg8[%add3A_180, %dma_start3A_196] : memref<40x128xi32, #tpu.memory_space<vmem>> -> memref<1x128xi32, #tpu.memory_space<vmem>>
        %dma_start3A_198 = tpu.memref_squeeze %dma_start3A_197 : memref<1x128xi32, #tpu.memory_space<vmem>> -> memref<128xi32, #tpu.memory_space<vmem>>
        %dma_start3A_199 = arith.constant 0 : i32
        %dma_start3A_200 = arith.constant 0 : i32
        %dma_start3A_201 = tpu.memref_slice %arg12[%dma_start3A_199, %dma_start3A_200] : memref<10240x128xf32, #tpu.memory_space<vmem_shared>> -> memref<10240x128xf32, #tpu.memory_space<vmem_shared>>
        tpu.enqueue_indirect_dma source(%dma_start3A_195 : memref<128x128xf32, #tpu.memory_space<vmem>>) target(%dma_start3A_201 : memref<10240x128xf32, #tpu.memory_space<vmem_shared>>) offsets(%dma_start3A_198 : memref<128xi32, #tpu.memory_space<vmem>>) semaphore(%run_scoped3A_192 : memref<!tpu.dma_semaphore, #tpu.memory_space<semaphore_mem>>) {add = true}
        %dma_wait3A_202 = arith.constant 128 : i32
        %dma_wait3A_203 = arith.constant 0 : i32
        %dma_wait3A_204 = tpu.memref_slice %arg9[%dma_wait3A_202, %dma_wait3A_203] : memref<256x128xf32, #tpu.memory_space<vmem>> -> memref<128x128xf32, #tpu.memory_space<vmem>>
        %dma_wait3A_205 = arith.constant 0 : i32
        %dma_wait3A_206 = tpu.memref_slice %arg8[%add3A_180, %dma_wait3A_205] : memref<40x128xi32, #tpu.memory_space<vmem>> -> memref<1x128xi32, #tpu.memory_space<vmem>>
        %dma_wait3A_207 = tpu.memref_squeeze %dma_wait3A_206 : memref<1x128xi32, #tpu.memory_space<vmem>> -> memref<128xi32, #tpu.memory_space<vmem>>
        %dma_wait3A_208 = arith.constant 0 : i32
        %dma_wait3A_209 = arith.constant 0 : i32
        %dma_wait3A_210 = tpu.memref_slice %arg12[%dma_wait3A_208, %dma_wait3A_209] : memref<10240x128xf32, #tpu.memory_space<vmem_shared>> -> memref<10240x128xf32, #tpu.memory_space<vmem_shared>>
        tpu.wait_indirect_dma semaphore(%run_scoped3A_192 : memref<!tpu.dma_semaphore, #tpu.memory_space<semaphore_mem>>) src(%dma_wait3A_204 : memref<128x128xf32, #tpu.memory_space<vmem>>) dst(%dma_wait3A_210 : memref<10240x128xf32, #tpu.memory_space<vmem_shared>>)
        tpu.yield
      }) : () -> ()
      %add3A_181 = arith.constant 3 : i32
      %add3A_182 = arith.addi %mul3A_147, %add3A_181 : i32
      %dma_start3A_183 = arith.constant 128 : i32
      %dma_start3A_184 = arith.constant 0 : i32
      %dma_start3A_185 = tpu.memref_slice %arg9[%dma_start3A_183, %dma_start3A_184] : memref<256x128xf32, #tpu.memory_space<vmem>> -> memref<128x128xf32, #tpu.memory_space<vmem>>
      %dma_start3A_186 = arith.constant 0 : i32
      %dma_start3A_187 = tpu.memref_slice %arg7[%add3A_182, %dma_start3A_186] : memref<40x128xi32, #tpu.memory_space<vmem>> -> memref<1x128xi32, #tpu.memory_space<vmem>>
      %dma_start3A_188 = tpu.memref_squeeze %dma_start3A_187 : memref<1x128xi32, #tpu.memory_space<vmem>> -> memref<128xi32, #tpu.memory_space<vmem>>
      %dma_start3A_189 = arith.constant 0 : i32
      %dma_start3A_190 = arith.constant 0 : i32
      %dma_start3A_191 = tpu.memref_slice %arg2[%dma_start3A_189, %dma_start3A_190] : memref<10000x128xf32, #tpu.memory_space<hbm>> -> memref<10000x128xf32, #tpu.memory_space<hbm>>
      tpu.enqueue_indirect_dma source(%dma_start3A_191 : memref<10000x128xf32, #tpu.memory_space<hbm>>) target(%dma_start3A_185 : memref<128x128xf32, #tpu.memory_space<vmem>>) offsets(%dma_start3A_188 : memref<128xi32, #tpu.memory_space<vmem>>) semaphore(%arg11 : memref<!tpu.dma_semaphore, #tpu.memory_space<semaphore_mem>>)
    }
    %scan3A_98 = arith.constant 19 : i32
    %dma_wait3A_99 = arith.constant 38 : i32
    %dma_wait3A_100 = arith.constant 0 : i32
    %dma_wait3A_101 = arith.constant 0 : i32
    %dma_wait3A_102 = tpu.memref_slice %arg9[%dma_wait3A_100, %dma_wait3A_101] : memref<256x128xf32, #tpu.memory_space<vmem>> -> memref<128x128xf32, #tpu.memory_space<vmem>>
    %dma_wait3A_103 = arith.constant 0 : i32
    %dma_wait3A_104 = tpu.memref_slice %arg7[%dma_wait3A_99, %dma_wait3A_103] : memref<40x128xi32, #tpu.memory_space<vmem>> -> memref<1x128xi32, #tpu.memory_space<vmem>>
    %dma_wait3A_105 = tpu.memref_squeeze %dma_wait3A_104 : memref<1x128xi32, #tpu.memory_space<vmem>> -> memref<128xi32, #tpu.memory_space<vmem>>
    %dma_wait3A_106 = arith.constant 0 : i32
    %dma_wait3A_107 = arith.constant 0 : i32
    %dma_wait3A_108 = tpu.memref_slice %arg2[%dma_wait3A_106, %dma_wait3A_107] : memref<10000x128xf32, #tpu.memory_space<hbm>> -> memref<10000x128xf32, #tpu.memory_space<hbm>>
    tpu.wait_indirect_dma semaphore(%arg10 : memref<!tpu.dma_semaphore, #tpu.memory_space<semaphore_mem>>) src(%dma_wait3A_108 : memref<10000x128xf32, #tpu.memory_space<hbm>>) dst(%dma_wait3A_102 : memref<128x128xf32, #tpu.memory_space<vmem>>)
    %run_scoped3A_109 = arith.constant 38 : i32
    "tpu.region"() ({
      %run_scoped3A_145 = tpu.sem_alloc : memref<!tpu.dma_semaphore, #tpu.memory_space<semaphore_mem>>
      %dma_start3A_146 = arith.constant 0 : i32
      %dma_start3A_147 = arith.constant 0 : i32
      %dma_start3A_148 = tpu.memref_slice %arg9[%dma_start3A_146, %dma_start3A_147] : memref<256x128xf32, #tpu.memory_space<vmem>> -> memref<128x128xf32, #tpu.memory_space<vmem>>
      %dma_start3A_149 = arith.constant 0 : i32
      %dma_start3A_150 = tpu.memref_slice %arg8[%run_scoped3A_109, %dma_start3A_149] : memref<40x128xi32, #tpu.memory_space<vmem>> -> memref<1x128xi32, #tpu.memory_space<vmem>>
      %dma_start3A_151 = tpu.memref_squeeze %dma_start3A_150 : memref<1x128xi32, #tpu.memory_space<vmem>> -> memref<128xi32, #tpu.memory_space<vmem>>
      %dma_start3A_152 = arith.constant 0 : i32
      %dma_start3A_153 = arith.constant 0 : i32
      %dma_start3A_154 = tpu.memref_slice %arg12[%dma_start3A_152, %dma_start3A_153] : memref<10240x128xf32, #tpu.memory_space<vmem_shared>> -> memref<10240x128xf32, #tpu.memory_space<vmem_shared>>
      tpu.enqueue_indirect_dma source(%dma_start3A_148 : memref<128x128xf32, #tpu.memory_space<vmem>>) target(%dma_start3A_154 : memref<10240x128xf32, #tpu.memory_space<vmem_shared>>) offsets(%dma_start3A_151 : memref<128xi32, #tpu.memory_space<vmem>>) semaphore(%run_scoped3A_145 : memref<!tpu.dma_semaphore, #tpu.memory_space<semaphore_mem>>) {add = true}
      %dma_wait3A_155 = arith.constant 0 : i32
      %dma_wait3A_156 = arith.constant 0 : i32
      %dma_wait3A_157 = tpu.memref_slice %arg9[%dma_wait3A_155, %dma_wait3A_156] : memref<256x128xf32, #tpu.memory_space<vmem>> -> memref<128x128xf32, #tpu.memory_space<vmem>>
      %dma_wait3A_158 = arith.constant 0 : i32
      %dma_wait3A_159 = tpu.memref_slice %arg8[%run_scoped3A_109, %dma_wait3A_158] : memref<40x128xi32, #tpu.memory_space<vmem>> -> memref<1x128xi32, #tpu.memory_space<vmem>>
      %dma_wait3A_160 = tpu.memref_squeeze %dma_wait3A_159 : memref<1x128xi32, #tpu.memory_space<vmem>> -> memref<128xi32, #tpu.memory_space<vmem>>
      %dma_wait3A_161 = arith.constant 0 : i32
      %dma_wait3A_162 = arith.constant 0 : i32
      %dma_wait3A_163 = tpu.memref_slice %arg12[%dma_wait3A_161, %dma_wait3A_162] : memref<10240x128xf32, #tpu.memory_space<vmem_shared>> -> memref<10240x128xf32, #tpu.memory_space<vmem_shared>>
      tpu.wait_indirect_dma semaphore(%run_scoped3A_145 : memref<!tpu.dma_semaphore, #tpu.memory_space<semaphore_mem>>) src(%dma_wait3A_157 : memref<128x128xf32, #tpu.memory_space<vmem>>) dst(%dma_wait3A_163 : memref<10240x128xf32, #tpu.memory_space<vmem_shared>>)
      tpu.yield
    }) : () -> ()
    %dma_wait3A_110 = arith.constant 39 : i32
    %dma_wait3A_111 = arith.constant 128 : i32
    %dma_wait3A_112 = arith.constant 0 : i32
    %dma_wait3A_113 = tpu.memref_slice %arg9[%dma_wait3A_111, %dma_wait3A_112] : memref<256x128xf32, #tpu.memory_space<vmem>> -> memref<128x128xf32, #tpu.memory_space<vmem>>
    %dma_wait3A_114 = arith.constant 0 : i32
    %dma_wait3A_115 = tpu.memref_slice %arg7[%dma_wait3A_110, %dma_wait3A_114] : memref<40x128xi32, #tpu.memory_space<vmem>> -> memref<1x128xi32, #tpu.memory_space<vmem>>
    %dma_wait3A_116 = tpu.memref_squeeze %dma_wait3A_115 : memref<1x128xi32, #tpu.memory_space<vmem>> -> memref<128xi32, #tpu.memory_space<vmem>>
    %dma_wait3A_117 = arith.constant 0 : i32
    %dma_wait3A_118 = arith.constant 0 : i32
    %dma_wait3A_119 = tpu.memref_slice %arg2[%dma_wait3A_117, %dma_wait3A_118] : memref<10000x128xf32, #tpu.memory_space<hbm>> -> memref<10000x128xf32, #tpu.memory_space<hbm>>
    tpu.wait_indirect_dma semaphore(%arg11 : memref<!tpu.dma_semaphore, #tpu.memory_space<semaphore_mem>>) src(%dma_wait3A_119 : memref<10000x128xf32, #tpu.memory_space<hbm>>) dst(%dma_wait3A_113 : memref<128x128xf32, #tpu.memory_space<vmem>>)
    %run_scoped3A_120 = arith.constant 39 : i32
    "tpu.region"() ({
      %run_scoped3A_145 = tpu.sem_alloc : memref<!tpu.dma_semaphore, #tpu.memory_space<semaphore_mem>>
      %dma_start3A_146 = arith.constant 128 : i32
      %dma_start3A_147 = arith.constant 0 : i32
      %dma_start3A_148 = tpu.memref_slice %arg9[%dma_start3A_146, %dma_start3A_147] : memref<256x128xf32, #tpu.memory_space<vmem>> -> memref<128x128xf32, #tpu.memory_space<vmem>>
      %dma_start3A_149 = arith.constant 0 : i32
      %dma_start3A_150 = tpu.memref_slice %arg8[%run_scoped3A_120, %dma_start3A_149] : memref<40x128xi32, #tpu.memory_space<vmem>> -> memref<1x128xi32, #tpu.memory_space<vmem>>
      %dma_start3A_151 = tpu.memref_squeeze %dma_start3A_150 : memref<1x128xi32, #tpu.memory_space<vmem>> -> memref<128xi32, #tpu.memory_space<vmem>>
      %dma_start3A_152 = arith.constant 0 : i32
      %dma_start3A_153 = arith.constant 0 : i32
      %dma_start3A_154 = tpu.memref_slice %arg12[%dma_start3A_152, %dma_start3A_153] : memref<10240x128xf32, #tpu.memory_space<vmem_shared>> -> memref<10240x128xf32, #tpu.memory_space<vmem_shared>>
      tpu.enqueue_indirect_dma source(%dma_start3A_148 : memref<128x128xf32, #tpu.memory_space<vmem>>) target(%dma_start3A_154 : memref<10240x128xf32, #tpu.memory_space<vmem_shared>>) offsets(%dma_start3A_151 : memref<128xi32, #tpu.memory_space<vmem>>) semaphore(%run_scoped3A_145 : memref<!tpu.dma_semaphore, #tpu.memory_space<semaphore_mem>>) {add = true}
      %dma_wait3A_155 = arith.constant 128 : i32
      %dma_wait3A_156 = arith.constant 0 : i32
      %dma_wait3A_157 = tpu.memref_slice %arg9[%dma_wait3A_155, %dma_wait3A_156] : memref<256x128xf32, #tpu.memory_space<vmem>> -> memref<128x128xf32, #tpu.memory_space<vmem>>
      %dma_wait3A_158 = arith.constant 0 : i32
      %dma_wait3A_159 = tpu.memref_slice %arg8[%run_scoped3A_120, %dma_wait3A_158] : memref<40x128xi32, #tpu.memory_space<vmem>> -> memref<1x128xi32, #tpu.memory_space<vmem>>
      %dma_wait3A_160 = tpu.memref_squeeze %dma_wait3A_159 : memref<1x128xi32, #tpu.memory_space<vmem>> -> memref<128xi32, #tpu.memory_space<vmem>>
      %dma_wait3A_161 = arith.constant 0 : i32
      %dma_wait3A_162 = arith.constant 0 : i32
      %dma_wait3A_163 = tpu.memref_slice %arg12[%dma_wait3A_161, %dma_wait3A_162] : memref<10240x128xf32, #tpu.memory_space<vmem_shared>> -> memref<10240x128xf32, #tpu.memory_space<vmem_shared>>
      tpu.wait_indirect_dma semaphore(%run_scoped3A_145 : memref<!tpu.dma_semaphore, #tpu.memory_space<semaphore_mem>>) src(%dma_wait3A_157 : memref<128x128xf32, #tpu.memory_space<vmem>>) dst(%dma_wait3A_163 : memref<10240x128xf32, #tpu.memory_space<vmem_shared>>)
      tpu.yield
    }) : () -> ()
    %barrier3A_121 = arith.constant 0 : index
    tpu.barrier barrier_id(%barrier3A_121)
    %mul3A_122 = arith.constant 640 : i32
    %mul3A_123 = arith.muli %arg1, %mul3A_122 : i32
    %add3A_124 = arith.constant 0 : i32
    %add3A_125 = arith.addi %mul3A_123, %add3A_124 : i32
    "tpu.region"() ({
      %run_scoped3A_145 = tpu.sem_alloc : memref<!tpu.dma_semaphore, #tpu.memory_space<semaphore_mem>>
      %dma_start3A_146 = arith.constant 0 : i32
      %dma_start3A_147 = tpu.memref_slice %arg12[%add3A_125, %dma_start3A_146] : memref<10240x128xf32, #tpu.memory_space<vmem_shared>> -> memref<256x128xf32, #tpu.memory_space<vmem_shared>>
      %dma_start3A_148 = arith.constant 0 : i32
      %dma_start3A_149 = tpu.memref_slice %arg12[%add3A_125, %dma_start3A_148] : memref<10240x128xf32, #tpu.memory_space<vmem_shared>> -> memref<256x128xf32, #tpu.memory_space<vmem_shared>>
      tpu.enqueue_dma source(%dma_start3A_149 : memref<256x128xf32, #tpu.memory_space<vmem_shared>>) target(%arg9 : memref<256x128xf32, #tpu.memory_space<vmem>>) target_semaphore(%run_scoped3A_145 : memref<!tpu.dma_semaphore, #tpu.memory_space<semaphore_mem>>)
      %dma_wait3A_150 = arith.constant 0 : i32
      %dma_wait3A_151 = tpu.memref_slice %arg12[%add3A_125, %dma_wait3A_150] : memref<10240x128xf32, #tpu.memory_space<vmem_shared>> -> memref<256x128xf32, #tpu.memory_space<vmem_shared>>
      %dma_wait3A_152 = arith.constant 0 : i32
      %dma_wait3A_153 = tpu.memref_slice %arg12[%add3A_125, %dma_wait3A_152] : memref<10240x128xf32, #tpu.memory_space<vmem_shared>> -> memref<256x128xf32, #tpu.memory_space<vmem_shared>>
      tpu.wait_dma2 semaphore(%run_scoped3A_145 : memref<!tpu.dma_semaphore, #tpu.memory_space<semaphore_mem>>) src(%dma_wait3A_153 : memref<256x128xf32, #tpu.memory_space<vmem_shared>>) dst(%arg9 : memref<256x128xf32, #tpu.memory_space<vmem>>)
      tpu.yield
    }) : () -> ()
    %mul3A_126 = arith.constant 10240 : i32
    %mul3A_127 = arith.muli %arg0, %mul3A_126 : i32
    %add3A_128 = arith.addi %mul3A_127, %mul3A_123 : i32
    %add3A_129 = arith.constant 0 : i32
    %add3A_130 = arith.addi %add3A_128, %add3A_129 : i32
    "tpu.region"() ({
      %run_scoped3A_145 = tpu.sem_alloc : memref<!tpu.dma_semaphore, #tpu.memory_space<semaphore_mem>>
      %dma_start3A_146 = arith.constant 0 : i32
      %dma_start3A_147 = tpu.memref_slice %arg6[%add3A_130, %dma_start3A_146] : memref<20480x128xf32, #tpu.memory_space<hbm>> -> memref<256x128xf32, #tpu.memory_space<hbm>>
      %dma_start3A_148 = arith.constant 0 : i32
      %dma_start3A_149 = tpu.memref_slice %arg6[%add3A_130, %dma_start3A_148] : memref<20480x128xf32, #tpu.memory_space<hbm>> -> memref<256x128xf32, #tpu.memory_space<hbm>>
      tpu.enqueue_dma source(%arg9 : memref<256x128xf32, #tpu.memory_space<vmem>>) target(%dma_start3A_149 : memref<256x128xf32, #tpu.memory_space<hbm>>) target_semaphore(%run_scoped3A_145 : memref<!tpu.dma_semaphore, #tpu.memory_space<semaphore_mem>>)
      %dma_wait3A_150 = arith.constant 0 : i32
      %dma_wait3A_151 = tpu.memref_slice %arg6[%add3A_130, %dma_wait3A_150] : memref<20480x128xf32, #tpu.memory_space<hbm>> -> memref<256x128xf32, #tpu.memory_space<hbm>>
      %dma_wait3A_152 = arith.constant 0 : i32
      %dma_wait3A_153 = tpu.memref_slice %arg6[%add3A_130, %dma_wait3A_152] : memref<20480x128xf32, #tpu.memory_space<hbm>> -> memref<256x128xf32, #tpu.memory_space<hbm>>
      tpu.wait_dma2 semaphore(%run_scoped3A_145 : memref<!tpu.dma_semaphore, #tpu.memory_space<semaphore_mem>>) src(%arg9 : memref<256x128xf32, #tpu.memory_space<vmem>>) dst(%dma_wait3A_153 : memref<256x128xf32, #tpu.memory_space<hbm>>)
      tpu.yield
    }) : () -> ()
    %add3A_131 = arith.constant 256 : i32
    %add3A_132 = arith.addi %mul3A_123, %add3A_131 : i32
    "tpu.region"() ({
      %run_scoped3A_145 = tpu.sem_alloc : memref<!tpu.dma_semaphore, #tpu.memory_space<semaphore_mem>>
      %dma_start3A_146 = arith.constant 0 : i32
      %dma_start3A_147 = tpu.memref_slice %arg12[%add3A_132, %dma_start3A_146] : memref<10240x128xf32, #tpu.memory_space<vmem_shared>> -> memref<256x128xf32, #tpu.memory_space<vmem_shared>>
      %dma_start3A_148 = arith.constant 0 : i32
      %dma_start3A_149 = tpu.memref_slice %arg12[%add3A_132, %dma_start3A_148] : memref<10240x128xf32, #tpu.memory_space<vmem_shared>> -> memref<256x128xf32, #tpu.memory_space<vmem_shared>>
      tpu.enqueue_dma source(%dma_start3A_149 : memref<256x128xf32, #tpu.memory_space<vmem_shared>>) target(%arg9 : memref<256x128xf32, #tpu.memory_space<vmem>>) target_semaphore(%run_scoped3A_145 : memref<!tpu.dma_semaphore, #tpu.memory_space<semaphore_mem>>)
      %dma_wait3A_150 = arith.constant 0 : i32
      %dma_wait3A_151 = tpu.memref_slice %arg12[%add3A_132, %dma_wait3A_150] : memref<10240x128xf32, #tpu.memory_space<vmem_shared>> -> memref<256x128xf32, #tpu.memory_space<vmem_shared>>
      %dma_wait3A_152 = arith.constant 0 : i32
      %dma_wait3A_153 = tpu.memref_slice %arg12[%add3A_132, %dma_wait3A_152] : memref<10240x128xf32, #tpu.memory_space<vmem_shared>> -> memref<256x128xf32, #tpu.memory_space<vmem_shared>>
      tpu.wait_dma2 semaphore(%run_scoped3A_145 : memref<!tpu.dma_semaphore, #tpu.memory_space<semaphore_mem>>) src(%dma_wait3A_153 : memref<256x128xf32, #tpu.memory_space<vmem_shared>>) dst(%arg9 : memref<256x128xf32, #tpu.memory_space<vmem>>)
      tpu.yield
    }) : () -> ()
    %mul3A_133 = arith.constant 10240 : i32
    %mul3A_134 = arith.muli %arg0, %mul3A_133 : i32
    %add3A_135 = arith.addi %mul3A_134, %mul3A_123 : i32
    %add3A_136 = arith.constant 256 : i32
    %add3A_137 = arith.addi %add3A_135, %add3A_136 : i32
    "tpu.region"() ({
      %run_scoped3A_145 = tpu.sem_alloc : memref<!tpu.dma_semaphore, #tpu.memory_space<semaphore_mem>>
      %dma_start3A_146 = arith.constant 0 : i32
      %dma_start3A_147 = tpu.memref_slice %arg6[%add3A_137, %dma_start3A_146] : memref<20480x128xf32, #tpu.memory_space<hbm>> -> memref<256x128xf32, #tpu.memory_space<hbm>>
      %dma_start3A_148 = arith.constant 0 : i32
      %dma_start3A_149 = tpu.memref_slice %arg6[%add3A_137, %dma_start3A_148] : memref<20480x128xf32, #tpu.memory_space<hbm>> -> memref<256x128xf32, #tpu.memory_space<hbm>>
      tpu.enqueue_dma source(%arg9 : memref<256x128xf32, #tpu.memory_space<vmem>>) target(%dma_start3A_149 : memref<256x128xf32, #tpu.memory_space<hbm>>) target_semaphore(%run_scoped3A_145 : memref<!tpu.dma_semaphore, #tpu.memory_space<semaphore_mem>>)
      %dma_wait3A_150 = arith.constant 0 : i32
      %dma_wait3A_151 = tpu.memref_slice %arg6[%add3A_137, %dma_wait3A_150] : memref<20480x128xf32, #tpu.memory_space<hbm>> -> memref<256x128xf32, #tpu.memory_space<hbm>>
      %dma_wait3A_152 = arith.constant 0 : i32
      %dma_wait3A_153 = tpu.memref_slice %arg6[%add3A_137, %dma_wait3A_152] : memref<20480x128xf32, #tpu.memory_space<hbm>> -> memref<256x128xf32, #tpu.memory_space<hbm>>
      tpu.wait_dma2 semaphore(%run_scoped3A_145 : memref<!tpu.dma_semaphore, #tpu.memory_space<semaphore_mem>>) src(%arg9 : memref<256x128xf32, #tpu.memory_space<vmem>>) dst(%dma_wait3A_153 : memref<256x128xf32, #tpu.memory_space<hbm>>)
      tpu.yield
    }) : () -> ()
    %add3A_138 = arith.constant 512 : i32
    %add3A_139 = arith.addi %mul3A_123, %add3A_138 : i32
    "tpu.region"() ({
      %run_scoped3A_145 = tpu.sem_alloc : memref<!tpu.dma_semaphore, #tpu.memory_space<semaphore_mem>>
      %dma_start3A_146 = arith.constant 0 : i32
      %dma_start3A_147 = arith.constant 0 : i32
      %dma_start3A_148 = tpu.memref_slice %arg9[%dma_start3A_146, %dma_start3A_147] : memref<256x128xf32, #tpu.memory_space<vmem>> -> memref<128x128xf32, #tpu.memory_space<vmem>>
      %dma_start3A_149 = arith.constant 0 : i32
      %dma_start3A_150 = tpu.memref_slice %arg12[%add3A_139, %dma_start3A_149] : memref<10240x128xf32, #tpu.memory_space<vmem_shared>> -> memref<128x128xf32, #tpu.memory_space<vmem_shared>>
      %dma_start3A_151 = arith.constant 0 : i32
      %dma_start3A_152 = arith.constant 0 : i32
      %dma_start3A_153 = tpu.memref_slice %arg9[%dma_start3A_151, %dma_start3A_152] : memref<256x128xf32, #tpu.memory_space<vmem>> -> memref<128x128xf32, #tpu.memory_space<vmem>>
      %dma_start3A_154 = arith.constant 0 : i32
      %dma_start3A_155 = tpu.memref_slice %arg12[%add3A_139, %dma_start3A_154] : memref<10240x128xf32, #tpu.memory_space<vmem_shared>> -> memref<128x128xf32, #tpu.memory_space<vmem_shared>>
      tpu.enqueue_dma source(%dma_start3A_155 : memref<128x128xf32, #tpu.memory_space<vmem_shared>>) target(%dma_start3A_153 : memref<128x128xf32, #tpu.memory_space<vmem>>) target_semaphore(%run_scoped3A_145 : memref<!tpu.dma_semaphore, #tpu.memory_space<semaphore_mem>>)
      %dma_wait3A_156 = arith.constant 0 : i32
      %dma_wait3A_157 = arith.constant 0 : i32
      %dma_wait3A_158 = tpu.memref_slice %arg9[%dma_wait3A_156, %dma_wait3A_157] : memref<256x128xf32, #tpu.memory_space<vmem>> -> memref<128x128xf32, #tpu.memory_space<vmem>>
      %dma_wait3A_159 = arith.constant 0 : i32
      %dma_wait3A_160 = tpu.memref_slice %arg12[%add3A_139, %dma_wait3A_159] : memref<10240x128xf32, #tpu.memory_space<vmem_shared>> -> memref<128x128xf32, #tpu.memory_space<vmem_shared>>
      %dma_wait3A_161 = arith.constant 0 : i32
      %dma_wait3A_162 = arith.constant 0 : i32
      %dma_wait3A_163 = tpu.memref_slice %arg9[%dma_wait3A_161, %dma_wait3A_162] : memref<256x128xf32, #tpu.memory_space<vmem>> -> memref<128x128xf32, #tpu.memory_space<vmem>>
      %dma_wait3A_164 = arith.constant 0 : i32
      %dma_wait3A_165 = tpu.memref_slice %arg12[%add3A_139, %dma_wait3A_164] : memref<10240x128xf32, #tpu.memory_space<vmem_shared>> -> memref<128x128xf32, #tpu.memory_space<vmem_shared>>
      tpu.wait_dma2 semaphore(%run_scoped3A_145 : memref<!tpu.dma_semaphore, #tpu.memory_space<semaphore_mem>>) src(%dma_wait3A_165 : memref<128x128xf32, #tpu.memory_space<vmem_shared>>) dst(%dma_wait3A_163 : memref<128x128xf32, #tpu.memory_space<vmem>>)
      tpu.yield
    }) : () -> ()
    %mul3A_140 = arith.constant 10240 : i32
    %mul3A_141 = arith.muli %arg0, %mul3A_140 : i32
    %add3A_142 = arith.addi %mul3A_141, %mul3A_123 : i32
    %add3A_143 = arith.constant 512 : i32
    %add3A_144 = arith.addi %add3A_142, %add3A_143 : i32
    "tpu.region"() ({
      %run_scoped3A_145 = tpu.sem_alloc : memref<!tpu.dma_semaphore, #tpu.memory_space<semaphore_mem>>
      %dma_start3A_146 = arith.constant 0 : i32
      %dma_start3A_147 = arith.constant 0 : i32
      %dma_start3A_148 = tpu.memref_slice %arg9[%dma_start3A_146, %dma_start3A_147] : memref<256x128xf32, #tpu.memory_space<vmem>> -> memref<128x128xf32, #tpu.memory_space<vmem>>
      %dma_start3A_149 = arith.constant 0 : i32
      %dma_start3A_150 = tpu.memref_slice %arg6[%add3A_144, %dma_start3A_149] : memref<20480x128xf32, #tpu.memory_space<hbm>> -> memref<128x128xf32, #tpu.memory_space<hbm>>
      %dma_start3A_151 = arith.constant 0 : i32
      %dma_start3A_152 = tpu.memref_slice %arg6[%add3A_144, %dma_start3A_151] : memref<20480x128xf32, #tpu.memory_space<hbm>> -> memref<128x128xf32, #tpu.memory_space<hbm>>
      %dma_start3A_153 = arith.constant 0 : i32
      %dma_start3A_154 = arith.constant 0 : i32
      %dma_start3A_155 = tpu.memref_slice %arg9[%dma_start3A_153, %dma_start3A_154] : memref<256x128xf32, #tpu.memory_space<vmem>> -> memref<128x128xf32, #tpu.memory_space<vmem>>
      tpu.enqueue_dma source(%dma_start3A_155 : memref<128x128xf32, #tpu.memory_space<vmem>>) target(%dma_start3A_152 : memref<128x128xf32, #tpu.memory_space<hbm>>) target_semaphore(%run_scoped3A_145 : memref<!tpu.dma_semaphore, #tpu.memory_space<semaphore_mem>>)
      %dma_wait3A_156 = arith.constant 0 : i32
      %dma_wait3A_157 = arith.constant 0 : i32
      %dma_wait3A_158 = tpu.memref_slice %arg9[%dma_wait3A_156, %dma_wait3A_157] : memref<256x128xf32, #tpu.memory_space<vmem>> -> memref<128x128xf32, #tpu.memory_space<vmem>>
      %dma_wait3A_159 = arith.constant 0 : i32
      %dma_wait3A_160 = tpu.memref_slice %arg6[%add3A_144, %dma_wait3A_159] : memref<20480x128xf32, #tpu.memory_space<hbm>> -> memref<128x128xf32, #tpu.memory_space<hbm>>
      %dma_wait3A_161 = arith.constant 0 : i32
      %dma_wait3A_162 = tpu.memref_slice %arg6[%add3A_144, %dma_wait3A_161] : memref<20480x128xf32, #tpu.memory_space<hbm>> -> memref<128x128xf32, #tpu.memory_space<hbm>>
      %dma_wait3A_163 = arith.constant 0 : i32
      %dma_wait3A_164 = arith.constant 0 : i32
      %dma_wait3A_165 = tpu.memref_slice %arg9[%dma_wait3A_163, %dma_wait3A_164] : memref<256x128xf32, #tpu.memory_space<vmem>> -> memref<128x128xf32, #tpu.memory_space<vmem>>
      tpu.wait_dma2 semaphore(%run_scoped3A_145 : memref<!tpu.dma_semaphore, #tpu.memory_space<semaphore_mem>>) src(%dma_wait3A_165 : memref<128x128xf32, #tpu.memory_space<vmem>>) dst(%dma_wait3A_162 : memref<128x128xf32, #tpu.memory_space<hbm>>)
      tpu.yield
    }) : () -> ()
    return
  }
}

#map = affine_map<(d0, d1) -> (0, 0)>
module attributes {stable_mosaic.version = 14 : i64} {
  func.func @sc_fn(%arg0: i32, %arg1: i32, %arg2: memref<10000x128xf32, #tpu.memory_space<hbm>>, %arg3: memref<2560x128xi32, #tpu.memory_space<hbm>>, %arg4: memref<2560x128xi32, #tpu.memory_space<hbm>>, %arg5: memref<256x128xf32, #tpu.memory_space<hbm>>, %arg6: memref<20480x128xf32, #tpu.memory_space<hbm>>, %arg7: memref<40x128xi32, #tpu.memory_space<vmem>>, %arg8: memref<40x128xi32, #tpu.memory_space<vmem>>, %arg9: memref<256x128xf32, #tpu.memory_space<vmem>>, %arg10: memref<!tpu.dma_semaphore, #tpu.memory_space<semaphore_mem>>, %arg11: memref<!tpu.dma_semaphore, #tpu.memory_space<semaphore_mem>>, %arg12: memref<10240x128xf32, #tpu.memory_space<vmem_shared>>) attributes {dimension_semantics = [#tpu.dimension_semantics<core_parallel>, #tpu.dimension_semantics<subcore_parallel>], iteration_bounds = array<i64: 2, 16>, scalar_prefetch = 0 : i64, scratch_operands = 6 : i64, tpu.core_type = #tpu.core_type<sc_vector_subcore>, window_params = [{transform_indices = #map}, {transform_indices = #map}, {transform_indices = #map}, {transform_indices = #map}, {transform_indices = #map}]} {
    %mul3A = arith.constant 2 : i32
    %mul3A_0 = arith.muli %arg1, %mul3A : i32
    %add3A = arith.addi %mul3A_0, %arg0 : i32
    "tpu.region"() ({
      %run_scoped3A_145 = tpu.sem_alloc : memref<!tpu.dma_semaphore, #tpu.memory_space<semaphore_mem>>
      tpu.enqueue_dma source(%arg5 : memref<256x128xf32, #tpu.memory_space<hbm>>) target(%arg9 : memref<256x128xf32, #tpu.memory_space<vmem>>) target_semaphore(%run_scoped3A_145 : memref<!tpu.dma_semaphore, #tpu.memory_space<semaphore_mem>>)
      tpu.wait_dma2 semaphore(%run_scoped3A_145 : memref<!tpu.dma_semaphore, #tpu.memory_space<semaphore_mem>>) src(%arg5 : memref<256x128xf32, #tpu.memory_space<hbm>>) dst(%arg9 : memref<256x128xf32, #tpu.memory_space<vmem>>)
      tpu.yield
    }) : () -> ()
    %mul3A_1 = arith.constant 640 : i32
    %mul3A_2 = arith.muli %arg1, %mul3A_1 : i32
    %add3A_3 = arith.constant 0 : i32
    %add3A_4 = arith.addi %mul3A_2, %add3A_3 : i32
    "tpu.region"() ({
      %run_scoped3A_145 = tpu.sem_alloc : memref<!tpu.dma_semaphore, #tpu.memory_space<semaphore_mem>>
      %dma_start3A_146 = arith.constant 0 : i32
      %dma_start3A_147 = tpu.memref_slice %arg12[%add3A_4, %dma_start3A_146] : memref<10240x128xf32, #tpu.memory_space<vmem_shared>> -> memref<256x128xf32, #tpu.memory_space<vmem_shared>>
      %dma_start3A_148 = arith.constant 0 : i32
      %dma_start3A_149 = tpu.memref_slice %arg12[%add3A_4, %dma_start3A_148] : memref<10240x128xf32, #tpu.memory_space<vmem_shared>> -> memref<256x128xf32, #tpu.memory_space<vmem_shared>>
      tpu.enqueue_dma source(%arg9 : memref<256x128xf32, #tpu.memory_space<vmem>>) target(%dma_start3A_149 : memref<256x128xf32, #tpu.memory_space<vmem_shared>>) target_semaphore(%run_scoped3A_145 : memref<!tpu.dma_semaphore, #tpu.memory_space<semaphore_mem>>)
      %dma_wait3A_150 = arith.constant 0 : i32
      %dma_wait3A_151 = tpu.memref_slice %arg12[%add3A_4, %dma_wait3A_150] : memref<10240x128xf32, #tpu.memory_space<vmem_shared>> -> memref<256x128xf32, #tpu.memory_space<vmem_shared>>
      %dma_wait3A_152 = arith.constant 0 : i32
      %dma_wait3A_153 = tpu.memref_slice %arg12[%add3A_4, %dma_wait3A_152] : memref<10240x128xf32, #tpu.memory_space<vmem_shared>> -> memref<256x128xf32, #tpu.memory_space<vmem_shared>>
      tpu.wait_dma2 semaphore(%run_scoped3A_145 : memref<!tpu.dma_semaphore, #tpu.memory_space<semaphore_mem>>) src(%arg9 : memref<256x128xf32, #tpu.memory_space<vmem>>) dst(%dma_wait3A_153 : memref<256x128xf32, #tpu.memory_space<vmem_shared>>)
      tpu.yield
    }) : () -> ()
    %mul3A_5 = arith.constant 640 : i32
    %mul3A_6 = arith.muli %arg1, %mul3A_5 : i32
    %add3A_7 = arith.constant 256 : i32
    %add3A_8 = arith.addi %mul3A_6, %add3A_7 : i32
    "tpu.region"() ({
      %run_scoped3A_145 = tpu.sem_alloc : memref<!tpu.dma_semaphore, #tpu.memory_space<semaphore_mem>>
      %dma_start3A_146 = arith.constant 0 : i32
      %dma_start3A_147 = tpu.memref_slice %arg12[%add3A_8, %dma_start3A_146] : memref<10240x128xf32, #tpu.memory_space<vmem_shared>> -> memref<256x128xf32, #tpu.memory_space<vmem_shared>>
      %dma_start3A_148 = arith.constant 0 : i32
      %dma_start3A_149 = tpu.memref_slice %arg12[%add3A_8, %dma_start3A_148] : memref<10240x128xf32, #tpu.memory_space<vmem_shared>> -> memref<256x128xf32, #tpu.memory_space<vmem_shared>>
      tpu.enqueue_dma source(%arg9 : memref<256x128xf32, #tpu.memory_space<vmem>>) target(%dma_start3A_149 : memref<256x128xf32, #tpu.memory_space<vmem_shared>>) target_semaphore(%run_scoped3A_145 : memref<!tpu.dma_semaphore, #tpu.memory_space<semaphore_mem>>)
      %dma_wait3A_150 = arith.constant 0 : i32
      %dma_wait3A_151 = tpu.memref_slice %arg12[%add3A_8, %dma_wait3A_150] : memref<10240x128xf32, #tpu.memory_space<vmem_shared>> -> memref<256x128xf32, #tpu.memory_space<vmem_shared>>
      %dma_wait3A_152 = arith.constant 0 : i32
      %dma_wait3A_153 = tpu.memref_slice %arg12[%add3A_8, %dma_wait3A_152] : memref<10240x128xf32, #tpu.memory_space<vmem_shared>> -> memref<256x128xf32, #tpu.memory_space<vmem_shared>>
      tpu.wait_dma2 semaphore(%run_scoped3A_145 : memref<!tpu.dma_semaphore, #tpu.memory_space<semaphore_mem>>) src(%arg9 : memref<256x128xf32, #tpu.memory_space<vmem>>) dst(%dma_wait3A_153 : memref<256x128xf32, #tpu.memory_space<vmem_shared>>)
      tpu.yield
    }) : () -> ()
    %mul3A_9 = arith.constant 640 : i32
    %mul3A_10 = arith.muli %arg1, %mul3A_9 : i32
    %add3A_11 = arith.constant 512 : i32
    %add3A_12 = arith.addi %mul3A_10, %add3A_11 : i32
    "tpu.region"() ({
      %run_scoped3A_145 = tpu.sem_alloc : memref<!tpu.dma_semaphore, #tpu.memory_space<semaphore_mem>>
      %dma_start3A_146 = arith.constant 0 : i32
      %dma_start3A_147 = arith.constant 0 : i32
      %dma_start3A_148 = tpu.memref_slice %arg9[%dma_start3A_146, %dma_start3A_147] : memref<256x128xf32, #tpu.memory_space<vmem>> -> memref<128x128xf32, #tpu.memory_space<vmem>>
      %dma_start3A_149 = arith.constant 0 : i32
      %dma_start3A_150 = tpu.memref_slice %arg12[%add3A_12, %dma_start3A_149] : memref<10240x128xf32, #tpu.memory_space<vmem_shared>> -> memref<128x128xf32, #tpu.memory_space<vmem_shared>>
      %dma_start3A_151 = arith.constant 0 : i32
      %dma_start3A_152 = tpu.memref_slice %arg12[%add3A_12, %dma_start3A_151] : memref<10240x128xf32, #tpu.memory_space<vmem_shared>> -> memref<128x128xf32, #tpu.memory_space<vmem_shared>>
      %dma_start3A_153 = arith.constant 0 : i32
      %dma_start3A_154 = arith.constant 0 : i32
      %dma_start3A_155 = tpu.memref_slice %arg9[%dma_start3A_153, %dma_start3A_154] : memref<256x128xf32, #tpu.memory_space<vmem>> -> memref<128x128xf32, #tpu.memory_space<vmem>>
      tpu.enqueue_dma source(%dma_start3A_155 : memref<128x128xf32, #tpu.memory_space<vmem>>) target(%dma_start3A_152 : memref<128x128xf32, #tpu.memory_space<vmem_shared>>) target_semaphore(%run_scoped3A_145 : memref<!tpu.dma_semaphore, #tpu.memory_space<semaphore_mem>>)
      %dma_wait3A_156 = arith.constant 0 : i32
      %dma_wait3A_157 = arith.constant 0 : i32
      %dma_wait3A_158 = tpu.memref_slice %arg9[%dma_wait3A_156, %dma_wait3A_157] : memref<256x128xf32, #tpu.memory_space<vmem>> -> memref<128x128xf32, #tpu.memory_space<vmem>>
      %dma_wait3A_159 = arith.constant 0 : i32
      %dma_wait3A_160 = tpu.memref_slice %arg12[%add3A_12, %dma_wait3A_159] : memref<10240x128xf32, #tpu.memory_space<vmem_shared>> -> memref<128x128xf32, #tpu.memory_space<vmem_shared>>
      %dma_wait3A_161 = arith.constant 0 : i32
      %dma_wait3A_162 = tpu.memref_slice %arg12[%add3A_12, %dma_wait3A_161] : memref<10240x128xf32, #tpu.memory_space<vmem_shared>> -> memref<128x128xf32, #tpu.memory_space<vmem_shared>>
      %dma_wait3A_163 = arith.constant 0 : i32
      %dma_wait3A_164 = arith.constant 0 : i32
      %dma_wait3A_165 = tpu.memref_slice %arg9[%dma_wait3A_163, %dma_wait3A_164] : memref<256x128xf32, #tpu.memory_space<vmem>> -> memref<128x128xf32, #tpu.memory_space<vmem>>
      tpu.wait_dma2 semaphore(%run_scoped3A_145 : memref<!tpu.dma_semaphore, #tpu.memory_space<semaphore_mem>>) src(%dma_wait3A_165 : memref<128x128xf32, #tpu.memory_space<vmem>>) dst(%dma_wait3A_162 : memref<128x128xf32, #tpu.memory_space<vmem_shared>>)
      tpu.yield
    }) : () -> ()
    %barrier3A = arith.constant 0 : index
    tpu.barrier barrier_id(%barrier3A)
    %mul3A_13 = arith.constant 80 : i32
    %mul3A_14 = arith.muli %add3A, %mul3A_13 : i32
    %add3A_15 = arith.constant 0 : i32
    %add3A_16 = arith.addi %mul3A_14, %add3A_15 : i32
    "tpu.region"() ({
      %run_scoped3A_145 = tpu.sem_alloc : memref<!tpu.dma_semaphore, #tpu.memory_space<semaphore_mem>>
      %dma_start3A_146 = arith.constant 0 : i32
      %dma_start3A_147 = tpu.memref_slice %arg3[%add3A_16, %dma_start3A_146] : memref<2560x128xi32, #tpu.memory_space<hbm>> -> memref<40x128xi32, #tpu.memory_space<hbm>>
      %dma_start3A_148 = arith.constant 0 : i32
      %dma_start3A_149 = tpu.memref_slice %arg3[%add3A_16, %dma_start3A_148] : memref<2560x128xi32, #tpu.memory_space<hbm>> -> memref<40x128xi32, #tpu.memory_space<hbm>>
      tpu.enqueue_dma source(%dma_start3A_149 : memref<40x128xi32, #tpu.memory_space<hbm>>) target(%arg7 : memref<40x128xi32, #tpu.memory_space<vmem>>) target_semaphore(%run_scoped3A_145 : memref<!tpu.dma_semaphore, #tpu.memory_space<semaphore_mem>>)
      %dma_wait3A_150 = arith.constant 0 : i32
      %dma_wait3A_151 = tpu.memref_slice %arg3[%add3A_16, %dma_wait3A_150] : memref<2560x128xi32, #tpu.memory_space<hbm>> -> memref<40x128xi32, #tpu.memory_space<hbm>>
      %dma_wait3A_152 = arith.constant 0 : i32
      %dma_wait3A_153 = tpu.memref_slice %arg3[%add3A_16, %dma_wait3A_152] : memref<2560x128xi32, #tpu.memory_space<hbm>> -> memref<40x128xi32, #tpu.memory_space<hbm>>
      tpu.wait_dma2 semaphore(%run_scoped3A_145 : memref<!tpu.dma_semaphore, #tpu.memory_space<semaphore_mem>>) src(%dma_wait3A_153 : memref<40x128xi32, #tpu.memory_space<hbm>>) dst(%arg7 : memref<40x128xi32, #tpu.memory_space<vmem>>)
      tpu.yield
    }) : () -> ()
    %mul3A_17 = arith.constant 80 : i32
    %mul3A_18 = arith.muli %add3A, %mul3A_17 : i32
    %add3A_19 = arith.constant 0 : i32
    %add3A_20 = arith.addi %mul3A_18, %add3A_19 : i32
    "tpu.region"() ({
      %run_scoped3A_145 = tpu.sem_alloc : memref<!tpu.dma_semaphore, #tpu.memory_space<semaphore_mem>>
      %dma_start3A_146 = arith.constant 0 : i32
      %dma_start3A_147 = tpu.memref_slice %arg4[%add3A_20, %dma_start3A_146] : memref<2560x128xi32, #tpu.memory_space<hbm>> -> memref<40x128xi32, #tpu.memory_space<hbm>>
      %dma_start3A_148 = arith.constant 0 : i32
      %dma_start3A_149 = tpu.memref_slice %arg4[%add3A_20, %dma_start3A_148] : memref<2560x128xi32, #tpu.memory_space<hbm>> -> memref<40x128xi32, #tpu.memory_space<hbm>>
      tpu.enqueue_dma source(%dma_start3A_149 : memref<40x128xi32, #tpu.memory_space<hbm>>) target(%arg8 : memref<40x128xi32, #tpu.memory_space<vmem>>) target_semaphore(%run_scoped3A_145 : memref<!tpu.dma_semaphore, #tpu.memory_space<semaphore_mem>>)
      %dma_wait3A_150 = arith.constant 0 : i32
      %dma_wait3A_151 = tpu.memref_slice %arg4[%add3A_20, %dma_wait3A_150] : memref<2560x128xi32, #tpu.memory_space<hbm>> -> memref<40x128xi32, #tpu.memory_space<hbm>>
      %dma_wait3A_152 = arith.constant 0 : i32
      %dma_wait3A_153 = tpu.memref_slice %arg4[%add3A_20, %dma_wait3A_152] : memref<2560x128xi32, #tpu.memory_space<hbm>> -> memref<40x128xi32, #tpu.memory_space<hbm>>
      tpu.wait_dma2 semaphore(%run_scoped3A_145 : memref<!tpu.dma_semaphore, #tpu.memory_space<semaphore_mem>>) src(%dma_wait3A_153 : memref<40x128xi32, #tpu.memory_space<hbm>>) dst(%arg8 : memref<40x128xi32, #tpu.memory_space<vmem>>)
      tpu.yield
    }) : () -> ()
    %dma_start3A = arith.constant 0 : i32
    %dma_start3A_21 = arith.constant 0 : i32
    %dma_start3A_22 = arith.constant 0 : i32
    %dma_start3A_23 = tpu.memref_slice %arg9[%dma_start3A_21, %dma_start3A_22] : memref<256x128xf32, #tpu.memory_space<vmem>> -> memref<128x128xf32, #tpu.memory_space<vmem>>
    %dma_start3A_24 = arith.constant 0 : i32
    %dma_start3A_25 = tpu.memref_slice %arg7[%dma_start3A, %dma_start3A_24] : memref<40x128xi32, #tpu.memory_space<vmem>> -> memref<1x128xi32, #tpu.memory_space<vmem>>
    %dma_start3A_26 = tpu.memref_squeeze %dma_start3A_25 : memref<1x128xi32, #tpu.memory_space<vmem>> -> memref<128xi32, #tpu.memory_space<vmem>>
    %dma_start3A_27 = arith.constant 0 : i32
    %dma_start3A_28 = arith.constant 0 : i32
    %dma_start3A_29 = tpu.memref_slice %arg2[%dma_start3A_27, %dma_start3A_28] : memref<10000x128xf32, #tpu.memory_space<hbm>> -> memref<10000x128xf32, #tpu.memory_space<hbm>>
    tpu.enqueue_indirect_dma source(%dma_start3A_29 : memref<10000x128xf32, #tpu.memory_space<hbm>>) target(%dma_start3A_23 : memref<128x128xf32, #tpu.memory_space<vmem>>) offsets(%dma_start3A_26 : memref<128xi32, #tpu.memory_space<vmem>>) semaphore(%arg10 : memref<!tpu.dma_semaphore, #tpu.memory_space<semaphore_mem>>)
    %dma_start3A_30 = arith.constant 1 : i32
    %dma_start3A_31 = arith.constant 128 : i32
    %dma_start3A_32 = arith.constant 0 : i32
    %dma_start3A_33 = tpu.memref_slice %arg9[%dma_start3A_31, %dma_start3A_32] : memref<256x128xf32, #tpu.memory_space<vmem>> -> memref<128x128xf32, #tpu.memory_space<vmem>>
    %dma_start3A_34 = arith.constant 0 : i32
    %dma_start3A_35 = tpu.memref_slice %arg7[%dma_start3A_30, %dma_start3A_34] : memref<40x128xi32, #tpu.memory_space<vmem>> -> memref<1x128xi32, #tpu.memory_space<vmem>>
    %dma_start3A_36 = tpu.memref_squeeze %dma_start3A_35 : memref<1x128xi32, #tpu.memory_space<vmem>> -> memref<128xi32, #tpu.memory_space<vmem>>
    %dma_start3A_37 = arith.constant 0 : i32
    %dma_start3A_38 = arith.constant 0 : i32
    %dma_start3A_39 = tpu.memref_slice %arg2[%dma_start3A_37, %dma_start3A_38] : memref<10000x128xf32, #tpu.memory_space<hbm>> -> memref<10000x128xf32, #tpu.memory_space<hbm>>
    tpu.enqueue_indirect_dma source(%dma_start3A_39 : memref<10000x128xf32, #tpu.memory_space<hbm>>) target(%dma_start3A_33 : memref<128x128xf32, #tpu.memory_space<vmem>>) offsets(%dma_start3A_36 : memref<128xi32, #tpu.memory_space<vmem>>) semaphore(%arg11 : memref<!tpu.dma_semaphore, #tpu.memory_space<semaphore_mem>>)
    %scan3A = arith.constant 0 : i32
    %scan3A_40 = arith.constant 0 : i32
    %scan3A_41 = arith.constant 19 : i32
    %scan3A_42 = arith.addi %scan3A_40, %scan3A_41 : i32
    %scan3A_43 = arith.constant 1 : i32
    scf.for %scan3A_145 = %scan3A_40 to %scan3A_42 step %scan3A_43  : i32 {
      %mul3A_146 = arith.constant 2 : i32
      %mul3A_147 = arith.muli %mul3A_146, %scan3A_145 : i32
      %dma_wait3A_148 = arith.constant 0 : i32
      %dma_wait3A_149 = arith.constant 0 : i32
      %dma_wait3A_150 = tpu.memref_slice %arg9[%dma_wait3A_148, %dma_wait3A_149] : memref<256x128xf32, #tpu.memory_space<vmem>> -> memref<128x128xf32, #tpu.memory_space<vmem>>
      %dma_wait3A_151 = arith.constant 0 : i32
      %dma_wait3A_152 = tpu.memref_slice %arg7[%mul3A_147, %dma_wait3A_151] : memref<40x128xi32, #tpu.memory_space<vmem>> -> memref<1x128xi32, #tpu.memory_space<vmem>>
      %dma_wait3A_153 = tpu.memref_squeeze %dma_wait3A_152 : memref<1x128xi32, #tpu.memory_space<vmem>> -> memref<128xi32, #tpu.memory_space<vmem>>
      %dma_wait3A_154 = arith.constant 0 : i32
      %dma_wait3A_155 = arith.constant 0 : i32
      %dma_wait3A_156 = tpu.memref_slice %arg2[%dma_wait3A_154, %dma_wait3A_155] : memref<10000x128xf32, #tpu.memory_space<hbm>> -> memref<10000x128xf32, #tpu.memory_space<hbm>>
      tpu.wait_indirect_dma semaphore(%arg10 : memref<!tpu.dma_semaphore, #tpu.memory_space<semaphore_mem>>) src(%dma_wait3A_156 : memref<10000x128xf32, #tpu.memory_space<hbm>>) dst(%dma_wait3A_150 : memref<128x128xf32, #tpu.memory_space<vmem>>)
      "tpu.region"() ({
        %run_scoped3A_192 = tpu.sem_alloc : memref<!tpu.dma_semaphore, #tpu.memory_space<semaphore_mem>>
        %dma_start3A_193 = arith.constant 0 : i32
        %dma_start3A_194 = arith.constant 0 : i32
        %dma_start3A_195 = tpu.memref_slice %arg9[%dma_start3A_193, %dma_start3A_194] : memref<256x128xf32, #tpu.memory_space<vmem>> -> memref<128x128xf32, #tpu.memory_space<vmem>>
        %dma_start3A_196 = arith.constant 0 : i32
        %dma_start3A_197 = tpu.memref_slice %arg8[%mul3A_147, %dma_start3A_196] : memref<40x128xi32, #tpu.memory_space<vmem>> -> memref<1x128xi32, #tpu.memory_space<vmem>>
        %dma_start3A_198 = tpu.memref_squeeze %dma_start3A_197 : memref<1x128xi32, #tpu.memory_space<vmem>> -> memref<128xi32, #tpu.memory_space<vmem>>
        %dma_start3A_199 = arith.constant 0 : i32
        %dma_start3A_200 = arith.constant 0 : i32
        %dma_start3A_201 = tpu.memref_slice %arg12[%dma_start3A_199, %dma_start3A_200] : memref<10240x128xf32, #tpu.memory_space<vmem_shared>> -> memref<10240x128xf32, #tpu.memory_space<vmem_shared>>
        tpu.enqueue_indirect_dma source(%dma_start3A_195 : memref<128x128xf32, #tpu.memory_space<vmem>>) target(%dma_start3A_201 : memref<10240x128xf32, #tpu.memory_space<vmem_shared>>) offsets(%dma_start3A_198 : memref<128xi32, #tpu.memory_space<vmem>>) semaphore(%run_scoped3A_192 : memref<!tpu.dma_semaphore, #tpu.memory_space<semaphore_mem>>) {add = true}
        %dma_wait3A_202 = arith.constant 0 : i32
        %dma_wait3A_203 = arith.constant 0 : i32
        %dma_wait3A_204 = tpu.memref_slice %arg9[%dma_wait3A_202, %dma_wait3A_203] : memref<256x128xf32, #tpu.memory_space<vmem>> -> memref<128x128xf32, #tpu.memory_space<vmem>>
        %dma_wait3A_205 = arith.constant 0 : i32
        %dma_wait3A_206 = tpu.memref_slice %arg8[%mul3A_147, %dma_wait3A_205] : memref<40x128xi32, #tpu.memory_space<vmem>> -> memref<1x128xi32, #tpu.memory_space<vmem>>
        %dma_wait3A_207 = tpu.memref_squeeze %dma_wait3A_206 : memref<1x128xi32, #tpu.memory_space<vmem>> -> memref<128xi32, #tpu.memory_space<vmem>>
        %dma_wait3A_208 = arith.constant 0 : i32
        %dma_wait3A_209 = arith.constant 0 : i32
        %dma_wait3A_210 = tpu.memref_slice %arg12[%dma_wait3A_208, %dma_wait3A_209] : memref<10240x128xf32, #tpu.memory_space<vmem_shared>> -> memref<10240x128xf32, #tpu.memory_space<vmem_shared>>
        tpu.wait_indirect_dma semaphore(%run_scoped3A_192 : memref<!tpu.dma_semaphore, #tpu.memory_space<semaphore_mem>>) src(%dma_wait3A_204 : memref<128x128xf32, #tpu.memory_space<vmem>>) dst(%dma_wait3A_210 : memref<10240x128xf32, #tpu.memory_space<vmem_shared>>)
        tpu.yield
      }) : () -> ()
      %add3A_157 = arith.constant 2 : i32
      %add3A_158 = arith.addi %mul3A_147, %add3A_157 : i32
      %dma_start3A_159 = arith.constant 0 : i32
      %dma_start3A_160 = arith.constant 0 : i32
      %dma_start3A_161 = tpu.memref_slice %arg9[%dma_start3A_159, %dma_start3A_160] : memref<256x128xf32, #tpu.memory_space<vmem>> -> memref<128x128xf32, #tpu.memory_space<vmem>>
      %dma_start3A_162 = arith.constant 0 : i32
      %dma_start3A_163 = tpu.memref_slice %arg7[%add3A_158, %dma_start3A_162] : memref<40x128xi32, #tpu.memory_space<vmem>> -> memref<1x128xi32, #tpu.memory_space<vmem>>
      %dma_start3A_164 = tpu.memref_squeeze %dma_start3A_163 : memref<1x128xi32, #tpu.memory_space<vmem>> -> memref<128xi32, #tpu.memory_space<vmem>>
      %dma_start3A_165 = arith.constant 0 : i32
      %dma_start3A_166 = arith.constant 0 : i32
      %dma_start3A_167 = tpu.memref_slice %arg2[%dma_start3A_165, %dma_start3A_166] : memref<10000x128xf32, #tpu.memory_space<hbm>> -> memref<10000x128xf32, #tpu.memory_space<hbm>>
      tpu.enqueue_indirect_dma source(%dma_start3A_167 : memref<10000x128xf32, #tpu.memory_space<hbm>>) target(%dma_start3A_161 : memref<128x128xf32, #tpu.memory_space<vmem>>) offsets(%dma_start3A_164 : memref<128xi32, #tpu.memory_space<vmem>>) semaphore(%arg10 : memref<!tpu.dma_semaphore, #tpu.memory_space<semaphore_mem>>)
      %add3A_168 = arith.constant 1 : i32
      %add3A_169 = arith.addi %mul3A_147, %add3A_168 : i32
      %dma_wait3A_170 = arith.constant 128 : i32
      %dma_wait3A_171 = arith.constant 0 : i32
      %dma_wait3A_172 = tpu.memref_slice %arg9[%dma_wait3A_170, %dma_wait3A_171] : memref<256x128xf32, #tpu.memory_space<vmem>> -> memref<128x128xf32, #tpu.memory_space<vmem>>
      %dma_wait3A_173 = arith.constant 0 : i32
      %dma_wait3A_174 = tpu.memref_slice %arg7[%add3A_169, %dma_wait3A_173] : memref<40x128xi32, #tpu.memory_space<vmem>> -> memref<1x128xi32, #tpu.memory_space<vmem>>
      %dma_wait3A_175 = tpu.memref_squeeze %dma_wait3A_174 : memref<1x128xi32, #tpu.memory_space<vmem>> -> memref<128xi32, #tpu.memory_space<vmem>>
      %dma_wait3A_176 = arith.constant 0 : i32
      %dma_wait3A_177 = arith.constant 0 : i32
      %dma_wait3A_178 = tpu.memref_slice %arg2[%dma_wait3A_176, %dma_wait3A_177] : memref<10000x128xf32, #tpu.memory_space<hbm>> -> memref<10000x128xf32, #tpu.memory_space<hbm>>
      tpu.wait_indirect_dma semaphore(%arg11 : memref<!tpu.dma_semaphore, #tpu.memory_space<semaphore_mem>>) src(%dma_wait3A_178 : memref<10000x128xf32, #tpu.memory_space<hbm>>) dst(%dma_wait3A_172 : memref<128x128xf32, #tpu.memory_space<vmem>>)
      %add3A_179 = arith.constant 1 : i32
      %add3A_180 = arith.addi %mul3A_147, %add3A_179 : i32
      "tpu.region"() ({
        %run_scoped3A_192 = tpu.sem_alloc : memref<!tpu.dma_semaphore, #tpu.memory_space<semaphore_mem>>
        %dma_start3A_193 = arith.constant 128 : i32
        %dma_start3A_194 = arith.constant 0 : i32
        %dma_start3A_195 = tpu.memref_slice %arg9[%dma_start3A_193, %dma_start3A_194] : memref<256x128xf32, #tpu.memory_space<vmem>> -> memref<128x128xf32, #tpu.memory_space<vmem>>
        %dma_start3A_196 = arith.constant 0 : i32
        %dma_start3A_197 = tpu.memref_slice %arg8[%add3A_180, %dma_start3A_196] : memref<40x128xi32, #tpu.memory_space<vmem>> -> memref<1x128xi32, #tpu.memory_space<vmem>>
        %dma_start3A_198 = tpu.memref_squeeze %dma_start3A_197 : memref<1x128xi32, #tpu.memory_space<vmem>> -> memref<128xi32, #tpu.memory_space<vmem>>
        %dma_start3A_199 = arith.constant 0 : i32
        %dma_start3A_200 = arith.constant 0 : i32
        %dma_start3A_201 = tpu.memref_slice %arg12[%dma_start3A_199, %dma_start3A_200] : memref<10240x128xf32, #tpu.memory_space<vmem_shared>> -> memref<10240x128xf32, #tpu.memory_space<vmem_shared>>
        tpu.enqueue_indirect_dma source(%dma_start3A_195 : memref<128x128xf32, #tpu.memory_space<vmem>>) target(%dma_start3A_201 : memref<10240x128xf32, #tpu.memory_space<vmem_shared>>) offsets(%dma_start3A_198 : memref<128xi32, #tpu.memory_space<vmem>>) semaphore(%run_scoped3A_192 : memref<!tpu.dma_semaphore, #tpu.memory_space<semaphore_mem>>) {add = true}
        %dma_wait3A_202 = arith.constant 128 : i32
        %dma_wait3A_203 = arith.constant 0 : i32
        %dma_wait3A_204 = tpu.memref_slice %arg9[%dma_wait3A_202, %dma_wait3A_203] : memref<256x128xf32, #tpu.memory_space<vmem>> -> memref<128x128xf32, #tpu.memory_space<vmem>>
        %dma_wait3A_205 = arith.constant 0 : i32
        %dma_wait3A_206 = tpu.memref_slice %arg8[%add3A_180, %dma_wait3A_205] : memref<40x128xi32, #tpu.memory_space<vmem>> -> memref<1x128xi32, #tpu.memory_space<vmem>>
        %dma_wait3A_207 = tpu.memref_squeeze %dma_wait3A_206 : memref<1x128xi32, #tpu.memory_space<vmem>> -> memref<128xi32, #tpu.memory_space<vmem>>
        %dma_wait3A_208 = arith.constant 0 : i32
        %dma_wait3A_209 = arith.constant 0 : i32
        %dma_wait3A_210 = tpu.memref_slice %arg12[%dma_wait3A_208, %dma_wait3A_209] : memref<10240x128xf32, #tpu.memory_space<vmem_shared>> -> memref<10240x128xf32, #tpu.memory_space<vmem_shared>>
        tpu.wait_indirect_dma semaphore(%run_scoped3A_192 : memref<!tpu.dma_semaphore, #tpu.memory_space<semaphore_mem>>) src(%dma_wait3A_204 : memref<128x128xf32, #tpu.memory_space<vmem>>) dst(%dma_wait3A_210 : memref<10240x128xf32, #tpu.memory_space<vmem_shared>>)
        tpu.yield
      }) : () -> ()
      %add3A_181 = arith.constant 3 : i32
      %add3A_182 = arith.addi %mul3A_147, %add3A_181 : i32
      %dma_start3A_183 = arith.constant 128 : i32
      %dma_start3A_184 = arith.constant 0 : i32
      %dma_start3A_185 = tpu.memref_slice %arg9[%dma_start3A_183, %dma_start3A_184] : memref<256x128xf32, #tpu.memory_space<vmem>> -> memref<128x128xf32, #tpu.memory_space<vmem>>
      %dma_start3A_186 = arith.constant 0 : i32
      %dma_start3A_187 = tpu.memref_slice %arg7[%add3A_182, %dma_start3A_186] : memref<40x128xi32, #tpu.memory_space<vmem>> -> memref<1x128xi32, #tpu.memory_space<vmem>>
      %dma_start3A_188 = tpu.memref_squeeze %dma_start3A_187 : memref<1x128xi32, #tpu.memory_space<vmem>> -> memref<128xi32, #tpu.memory_space<vmem>>
      %dma_start3A_189 = arith.constant 0 : i32
      %dma_start3A_190 = arith.constant 0 : i32
      %dma_start3A_191 = tpu.memref_slice %arg2[%dma_start3A_189, %dma_start3A_190] : memref<10000x128xf32, #tpu.memory_space<hbm>> -> memref<10000x128xf32, #tpu.memory_space<hbm>>
      tpu.enqueue_indirect_dma source(%dma_start3A_191 : memref<10000x128xf32, #tpu.memory_space<hbm>>) target(%dma_start3A_185 : memref<128x128xf32, #tpu.memory_space<vmem>>) offsets(%dma_start3A_188 : memref<128xi32, #tpu.memory_space<vmem>>) semaphore(%arg11 : memref<!tpu.dma_semaphore, #tpu.memory_space<semaphore_mem>>)
    }
    %scan3A_44 = arith.constant 19 : i32
    %dma_wait3A = arith.constant 38 : i32
    %dma_wait3A_45 = arith.constant 0 : i32
    %dma_wait3A_46 = arith.constant 0 : i32
    %dma_wait3A_47 = tpu.memref_slice %arg9[%dma_wait3A_45, %dma_wait3A_46] : memref<256x128xf32, #tpu.memory_space<vmem>> -> memref<128x128xf32, #tpu.memory_space<vmem>>
    %dma_wait3A_48 = arith.constant 0 : i32
    %dma_wait3A_49 = tpu.memref_slice %arg7[%dma_wait3A, %dma_wait3A_48] : memref<40x128xi32, #tpu.memory_space<vmem>> -> memref<1x128xi32, #tpu.memory_space<vmem>>
    %dma_wait3A_50 = tpu.memref_squeeze %dma_wait3A_49 : memref<1x128xi32, #tpu.memory_space<vmem>> -> memref<128xi32, #tpu.memory_space<vmem>>
    %dma_wait3A_51 = arith.constant 0 : i32
    %dma_wait3A_52 = arith.constant 0 : i32
    %dma_wait3A_53 = tpu.memref_slice %arg2[%dma_wait3A_51, %dma_wait3A_52] : memref<10000x128xf32, #tpu.memory_space<hbm>> -> memref<10000x128xf32, #tpu.memory_space<hbm>>
    tpu.wait_indirect_dma semaphore(%arg10 : memref<!tpu.dma_semaphore, #tpu.memory_space<semaphore_mem>>) src(%dma_wait3A_53 : memref<10000x128xf32, #tpu.memory_space<hbm>>) dst(%dma_wait3A_47 : memref<128x128xf32, #tpu.memory_space<vmem>>)
    %run_scoped3A = arith.constant 38 : i32
    "tpu.region"() ({
      %run_scoped3A_145 = tpu.sem_alloc : memref<!tpu.dma_semaphore, #tpu.memory_space<semaphore_mem>>
      %dma_start3A_146 = arith.constant 0 : i32
      %dma_start3A_147 = arith.constant 0 : i32
      %dma_start3A_148 = tpu.memref_slice %arg9[%dma_start3A_146, %dma_start3A_147] : memref<256x128xf32, #tpu.memory_space<vmem>> -> memref<128x128xf32, #tpu.memory_space<vmem>>
      %dma_start3A_149 = arith.constant 0 : i32
      %dma_start3A_150 = tpu.memref_slice %arg8[%run_scoped3A, %dma_start3A_149] : memref<40x128xi32, #tpu.memory_space<vmem>> -> memref<1x128xi32, #tpu.memory_space<vmem>>
      %dma_start3A_151 = tpu.memref_squeeze %dma_start3A_150 : memref<1x128xi32, #tpu.memory_space<vmem>> -> memref<128xi32, #tpu.memory_space<vmem>>
      %dma_start3A_152 = arith.constant 0 : i32
      %dma_start3A_153 = arith.constant 0 : i32
      %dma_start3A_154 = tpu.memref_slice %arg12[%dma_start3A_152, %dma_start3A_153] : memref<10240x128xf32, #tpu.memory_space<vmem_shared>> -> memref<10240x128xf32, #tpu.memory_space<vmem_shared>>
      tpu.enqueue_indirect_dma source(%dma_start3A_148 : memref<128x128xf32, #tpu.memory_space<vmem>>) target(%dma_start3A_154 : memref<10240x128xf32, #tpu.memory_space<vmem_shared>>) offsets(%dma_start3A_151 : memref<128xi32, #tpu.memory_space<vmem>>) semaphore(%run_scoped3A_145 : memref<!tpu.dma_semaphore, #tpu.memory_space<semaphore_mem>>) {add = true}
      %dma_wait3A_155 = arith.constant 0 : i32
      %dma_wait3A_156 = arith.constant 0 : i32
      %dma_wait3A_157 = tpu.memref_slice %arg9[%dma_wait3A_155, %dma_wait3A_156] : memref<256x128xf32, #tpu.memory_space<vmem>> -> memref<128x128xf32, #tpu.memory_space<vmem>>
      %dma_wait3A_158 = arith.constant 0 : i32
      %dma_wait3A_159 = tpu.memref_slice %arg8[%run_scoped3A, %dma_wait3A_158] : memref<40x128xi32, #tpu.memory_space<vmem>> -> memref<1x128xi32, #tpu.memory_space<vmem>>
      %dma_wait3A_160 = tpu.memref_squeeze %dma_wait3A_159 : memref<1x128xi32, #tpu.memory_space<vmem>> -> memref<128xi32, #tpu.memory_space<vmem>>
      %dma_wait3A_161 = arith.constant 0 : i32
      %dma_wait3A_162 = arith.constant 0 : i32
      %dma_wait3A_163 = tpu.memref_slice %arg12[%dma_wait3A_161, %dma_wait3A_162] : memref<10240x128xf32, #tpu.memory_space<vmem_shared>> -> memref<10240x128xf32, #tpu.memory_space<vmem_shared>>
      tpu.wait_indirect_dma semaphore(%run_scoped3A_145 : memref<!tpu.dma_semaphore, #tpu.memory_space<semaphore_mem>>) src(%dma_wait3A_157 : memref<128x128xf32, #tpu.memory_space<vmem>>) dst(%dma_wait3A_163 : memref<10240x128xf32, #tpu.memory_space<vmem_shared>>)
      tpu.yield
    }) : () -> ()
    %dma_wait3A_54 = arith.constant 39 : i32
    %dma_wait3A_55 = arith.constant 128 : i32
    %dma_wait3A_56 = arith.constant 0 : i32
    %dma_wait3A_57 = tpu.memref_slice %arg9[%dma_wait3A_55, %dma_wait3A_56] : memref<256x128xf32, #tpu.memory_space<vmem>> -> memref<128x128xf32, #tpu.memory_space<vmem>>
    %dma_wait3A_58 = arith.constant 0 : i32
    %dma_wait3A_59 = tpu.memref_slice %arg7[%dma_wait3A_54, %dma_wait3A_58] : memref<40x128xi32, #tpu.memory_space<vmem>> -> memref<1x128xi32, #tpu.memory_space<vmem>>
    %dma_wait3A_60 = tpu.memref_squeeze %dma_wait3A_59 : memref<1x128xi32, #tpu.memory_space<vmem>> -> memref<128xi32, #tpu.memory_space<vmem>>
    %dma_wait3A_61 = arith.constant 0 : i32
    %dma_wait3A_62 = arith.constant 0 : i32
    %dma_wait3A_63 = tpu.memref_slice %arg2[%dma_wait3A_61, %dma_wait3A_62] : memref<10000x128xf32, #tpu.memory_space<hbm>> -> memref<10000x128xf32, #tpu.memory_space<hbm>>
    tpu.wait_indirect_dma semaphore(%arg11 : memref<!tpu.dma_semaphore, #tpu.memory_space<semaphore_mem>>) src(%dma_wait3A_63 : memref<10000x128xf32, #tpu.memory_space<hbm>>) dst(%dma_wait3A_57 : memref<128x128xf32, #tpu.memory_space<vmem>>)
    %run_scoped3A_64 = arith.constant 39 : i32
    "tpu.region"() ({
      %run_scoped3A_145 = tpu.sem_alloc : memref<!tpu.dma_semaphore, #tpu.memory_space<semaphore_mem>>
      %dma_start3A_146 = arith.constant 128 : i32
      %dma_start3A_147 = arith.constant 0 : i32
      %dma_start3A_148 = tpu.memref_slice %arg9[%dma_start3A_146, %dma_start3A_147] : memref<256x128xf32, #tpu.memory_space<vmem>> -> memref<128x128xf32, #tpu.memory_space<vmem>>
      %dma_start3A_149 = arith.constant 0 : i32
      %dma_start3A_150 = tpu.memref_slice %arg8[%run_scoped3A_64, %dma_start3A_149] : memref<40x128xi32, #tpu.memory_space<vmem>> -> memref<1x128xi32, #tpu.memory_space<vmem>>
      %dma_start3A_151 = tpu.memref_squeeze %dma_start3A_150 : memref<1x128xi32, #tpu.memory_space<vmem>> -> memref<128xi32, #tpu.memory_space<vmem>>
      %dma_start3A_152 = arith.constant 0 : i32
      %dma_start3A_153 = arith.constant 0 : i32
      %dma_start3A_154 = tpu.memref_slice %arg12[%dma_start3A_152, %dma_start3A_153] : memref<10240x128xf32, #tpu.memory_space<vmem_shared>> -> memref<10240x128xf32, #tpu.memory_space<vmem_shared>>
      tpu.enqueue_indirect_dma source(%dma_start3A_148 : memref<128x128xf32, #tpu.memory_space<vmem>>) target(%dma_start3A_154 : memref<10240x128xf32, #tpu.memory_space<vmem_shared>>) offsets(%dma_start3A_151 : memref<128xi32, #tpu.memory_space<vmem>>) semaphore(%run_scoped3A_145 : memref<!tpu.dma_semaphore, #tpu.memory_space<semaphore_mem>>) {add = true}
      %dma_wait3A_155 = arith.constant 128 : i32
      %dma_wait3A_156 = arith.constant 0 : i32
      %dma_wait3A_157 = tpu.memref_slice %arg9[%dma_wait3A_155, %dma_wait3A_156] : memref<256x128xf32, #tpu.memory_space<vmem>> -> memref<128x128xf32, #tpu.memory_space<vmem>>
      %dma_wait3A_158 = arith.constant 0 : i32
      %dma_wait3A_159 = tpu.memref_slice %arg8[%run_scoped3A_64, %dma_wait3A_158] : memref<40x128xi32, #tpu.memory_space<vmem>> -> memref<1x128xi32, #tpu.memory_space<vmem>>
      %dma_wait3A_160 = tpu.memref_squeeze %dma_wait3A_159 : memref<1x128xi32, #tpu.memory_space<vmem>> -> memref<128xi32, #tpu.memory_space<vmem>>
      %dma_wait3A_161 = arith.constant 0 : i32
      %dma_wait3A_162 = arith.constant 0 : i32
      %dma_wait3A_163 = tpu.memref_slice %arg12[%dma_wait3A_161, %dma_wait3A_162] : memref<10240x128xf32, #tpu.memory_space<vmem_shared>> -> memref<10240x128xf32, #tpu.memory_space<vmem_shared>>
      tpu.wait_indirect_dma semaphore(%run_scoped3A_145 : memref<!tpu.dma_semaphore, #tpu.memory_space<semaphore_mem>>) src(%dma_wait3A_157 : memref<128x128xf32, #tpu.memory_space<vmem>>) dst(%dma_wait3A_163 : memref<10240x128xf32, #tpu.memory_space<vmem_shared>>)
      tpu.yield
    }) : () -> ()
    %mul3A_65 = arith.constant 80 : i32
    %mul3A_66 = arith.muli %add3A, %mul3A_65 : i32
    %add3A_67 = arith.constant 40 : i32
    %add3A_68 = arith.addi %mul3A_66, %add3A_67 : i32
    "tpu.region"() ({
      %run_scoped3A_145 = tpu.sem_alloc : memref<!tpu.dma_semaphore, #tpu.memory_space<semaphore_mem>>
      %dma_start3A_146 = arith.constant 0 : i32
      %dma_start3A_147 = tpu.memref_slice %arg3[%add3A_68, %dma_start3A_146] : memref<2560x128xi32, #tpu.memory_space<hbm>> -> memref<40x128xi32, #tpu.memory_space<hbm>>
      %dma_start3A_148 = arith.constant 0 : i32
      %dma_start3A_149 = tpu.memref_slice %arg3[%add3A_68, %dma_start3A_148] : memref<2560x128xi32, #tpu.memory_space<hbm>> -> memref<40x128xi32, #tpu.memory_space<hbm>>
      tpu.enqueue_dma source(%dma_start3A_149 : memref<40x128xi32, #tpu.memory_space<hbm>>) target(%arg7 : memref<40x128xi32, #tpu.memory_space<vmem>>) target_semaphore(%run_scoped3A_145 : memref<!tpu.dma_semaphore, #tpu.memory_space<semaphore_mem>>)
      %dma_wait3A_150 = arith.constant 0 : i32
      %dma_wait3A_151 = tpu.memref_slice %arg3[%add3A_68, %dma_wait3A_150] : memref<2560x128xi32, #tpu.memory_space<hbm>> -> memref<40x128xi32, #tpu.memory_space<hbm>>
      %dma_wait3A_152 = arith.constant 0 : i32
      %dma_wait3A_153 = tpu.memref_slice %arg3[%add3A_68, %dma_wait3A_152] : memref<2560x128xi32, #tpu.memory_space<hbm>> -> memref<40x128xi32, #tpu.memory_space<hbm>>
      tpu.wait_dma2 semaphore(%run_scoped3A_145 : memref<!tpu.dma_semaphore, #tpu.memory_space<semaphore_mem>>) src(%dma_wait3A_153 : memref<40x128xi32, #tpu.memory_space<hbm>>) dst(%arg7 : memref<40x128xi32, #tpu.memory_space<vmem>>)
      tpu.yield
    }) : () -> ()
    %mul3A_69 = arith.constant 80 : i32
    %mul3A_70 = arith.muli %add3A, %mul3A_69 : i32
    %add3A_71 = arith.constant 40 : i32
    %add3A_72 = arith.addi %mul3A_70, %add3A_71 : i32
    "tpu.region"() ({
      %run_scoped3A_145 = tpu.sem_alloc : memref<!tpu.dma_semaphore, #tpu.memory_space<semaphore_mem>>
      %dma_start3A_146 = arith.constant 0 : i32
      %dma_start3A_147 = tpu.memref_slice %arg4[%add3A_72, %dma_start3A_146] : memref<2560x128xi32, #tpu.memory_space<hbm>> -> memref<40x128xi32, #tpu.memory_space<hbm>>
      %dma_start3A_148 = arith.constant 0 : i32
      %dma_start3A_149 = tpu.memref_slice %arg4[%add3A_72, %dma_start3A_148] : memref<2560x128xi32, #tpu.memory_space<hbm>> -> memref<40x128xi32, #tpu.memory_space<hbm>>
      tpu.enqueue_dma source(%dma_start3A_149 : memref<40x128xi32, #tpu.memory_space<hbm>>) target(%arg8 : memref<40x128xi32, #tpu.memory_space<vmem>>) target_semaphore(%run_scoped3A_145 : memref<!tpu.dma_semaphore, #tpu.memory_space<semaphore_mem>>)
      %dma_wait3A_150 = arith.constant 0 : i32
      %dma_wait3A_151 = tpu.memref_slice %arg4[%add3A_72, %dma_wait3A_150] : memref<2560x128xi32, #tpu.memory_space<hbm>> -> memref<40x128xi32, #tpu.memory_space<hbm>>
      %dma_wait3A_152 = arith.constant 0 : i32
      %dma_wait3A_153 = tpu.memref_slice %arg4[%add3A_72, %dma_wait3A_152] : memref<2560x128xi32, #tpu.memory_space<hbm>> -> memref<40x128xi32, #tpu.memory_space<hbm>>
      tpu.wait_dma2 semaphore(%run_scoped3A_145 : memref<!tpu.dma_semaphore, #tpu.memory_space<semaphore_mem>>) src(%dma_wait3A_153 : memref<40x128xi32, #tpu.memory_space<hbm>>) dst(%arg8 : memref<40x128xi32, #tpu.memory_space<vmem>>)
      tpu.yield
    }) : () -> ()
    %dma_start3A_73 = arith.constant 0 : i32
    %dma_start3A_74 = arith.constant 0 : i32
    %dma_start3A_75 = arith.constant 0 : i32
    %dma_start3A_76 = tpu.memref_slice %arg9[%dma_start3A_74, %dma_start3A_75] : memref<256x128xf32, #tpu.memory_space<vmem>> -> memref<128x128xf32, #tpu.memory_space<vmem>>
    %dma_start3A_77 = arith.constant 0 : i32
    %dma_start3A_78 = tpu.memref_slice %arg7[%dma_start3A_73, %dma_start3A_77] : memref<40x128xi32, #tpu.memory_space<vmem>> -> memref<1x128xi32, #tpu.memory_space<vmem>>
    %dma_start3A_79 = tpu.memref_squeeze %dma_start3A_78 : memref<1x128xi32, #tpu.memory_space<vmem>> -> memref<128xi32, #tpu.memory_space<vmem>>
    %dma_start3A_80 = arith.constant 0 : i32
    %dma_start3A_81 = arith.constant 0 : i32
    %dma_start3A_82 = tpu.memref_slice %arg2[%dma_start3A_80, %dma_start3A_81] : memref<10000x128xf32, #tpu.memory_space<hbm>> -> memref<10000x128xf32, #tpu.memory_space<hbm>>
    tpu.enqueue_indirect_dma source(%dma_start3A_82 : memref<10000x128xf32, #tpu.memory_space<hbm>>) target(%dma_start3A_76 : memref<128x128xf32, #tpu.memory_space<vmem>>) offsets(%dma_start3A_79 : memref<128xi32, #tpu.memory_space<vmem>>) semaphore(%arg10 : memref<!tpu.dma_semaphore, #tpu.memory_space<semaphore_mem>>)
    %dma_start3A_83 = arith.constant 1 : i32
    %dma_start3A_84 = arith.constant 128 : i32
    %dma_start3A_85 = arith.constant 0 : i32
    %dma_start3A_86 = tpu.memref_slice %arg9[%dma_start3A_84, %dma_start3A_85] : memref<256x128xf32, #tpu.memory_space<vmem>> -> memref<128x128xf32, #tpu.memory_space<vmem>>
    %dma_start3A_87 = arith.constant 0 : i32
    %dma_start3A_88 = tpu.memref_slice %arg7[%dma_start3A_83, %dma_start3A_87] : memref<40x128xi32, #tpu.memory_space<vmem>> -> memref<1x128xi32, #tpu.memory_space<vmem>>
    %dma_start3A_89 = tpu.memref_squeeze %dma_start3A_88 : memref<1x128xi32, #tpu.memory_space<vmem>> -> memref<128xi32, #tpu.memory_space<vmem>>
    %dma_start3A_90 = arith.constant 0 : i32
    %dma_start3A_91 = arith.constant 0 : i32
    %dma_start3A_92 = tpu.memref_slice %arg2[%dma_start3A_90, %dma_start3A_91] : memref<10000x128xf32, #tpu.memory_space<hbm>> -> memref<10000x128xf32, #tpu.memory_space<hbm>>
    tpu.enqueue_indirect_dma source(%dma_start3A_92 : memref<10000x128xf32, #tpu.memory_space<hbm>>) target(%dma_start3A_86 : memref<128x128xf32, #tpu.memory_space<vmem>>) offsets(%dma_start3A_89 : memref<128xi32, #tpu.memory_space<vmem>>) semaphore(%arg11 : memref<!tpu.dma_semaphore, #tpu.memory_space<semaphore_mem>>)
    %scan3A_93 = arith.constant 0 : i32
    %scan3A_94 = arith.constant 0 : i32
    %scan3A_95 = arith.constant 19 : i32
    %scan3A_96 = arith.addi %scan3A_94, %scan3A_95 : i32
    %scan3A_97 = arith.constant 1 : i32
    scf.for %scan3A_145 = %scan3A_94 to %scan3A_96 step %scan3A_97  : i32 {
      %mul3A_146 = arith.constant 2 : i32
      %mul3A_147 = arith.muli %mul3A_146, %scan3A_145 : i32
      %dma_wait3A_148 = arith.constant 0 : i32
      %dma_wait3A_149 = arith.constant 0 : i32
      %dma_wait3A_150 = tpu.memref_slice %arg9[%dma_wait3A_148, %dma_wait3A_149] : memref<256x128xf32, #tpu.memory_space<vmem>> -> memref<128x128xf32, #tpu.memory_space<vmem>>
      %dma_wait3A_151 = arith.constant 0 : i32
      %dma_wait3A_152 = tpu.memref_slice %arg7[%mul3A_147, %dma_wait3A_151] : memref<40x128xi32, #tpu.memory_space<vmem>> -> memref<1x128xi32, #tpu.memory_space<vmem>>
      %dma_wait3A_153 = tpu.memref_squeeze %dma_wait3A_152 : memref<1x128xi32, #tpu.memory_space<vmem>> -> memref<128xi32, #tpu.memory_space<vmem>>
      %dma_wait3A_154 = arith.constant 0 : i32
      %dma_wait3A_155 = arith.constant 0 : i32
      %dma_wait3A_156 = tpu.memref_slice %arg2[%dma_wait3A_154, %dma_wait3A_155] : memref<10000x128xf32, #tpu.memory_space<hbm>> -> memref<10000x128xf32, #tpu.memory_space<hbm>>
      tpu.wait_indirect_dma semaphore(%arg10 : memref<!tpu.dma_semaphore, #tpu.memory_space<semaphore_mem>>) src(%dma_wait3A_156 : memref<10000x128xf32, #tpu.memory_space<hbm>>) dst(%dma_wait3A_150 : memref<128x128xf32, #tpu.memory_space<vmem>>)
      "tpu.region"() ({
        %run_scoped3A_192 = tpu.sem_alloc : memref<!tpu.dma_semaphore, #tpu.memory_space<semaphore_mem>>
        %dma_start3A_193 = arith.constant 0 : i32
        %dma_start3A_194 = arith.constant 0 : i32
        %dma_start3A_195 = tpu.memref_slice %arg9[%dma_start3A_193, %dma_start3A_194] : memref<256x128xf32, #tpu.memory_space<vmem>> -> memref<128x128xf32, #tpu.memory_space<vmem>>
        %dma_start3A_196 = arith.constant 0 : i32
        %dma_start3A_197 = tpu.memref_slice %arg8[%mul3A_147, %dma_start3A_196] : memref<40x128xi32, #tpu.memory_space<vmem>> -> memref<1x128xi32, #tpu.memory_space<vmem>>
        %dma_start3A_198 = tpu.memref_squeeze %dma_start3A_197 : memref<1x128xi32, #tpu.memory_space<vmem>> -> memref<128xi32, #tpu.memory_space<vmem>>
        %dma_start3A_199 = arith.constant 0 : i32
        %dma_start3A_200 = arith.constant 0 : i32
        %dma_start3A_201 = tpu.memref_slice %arg12[%dma_start3A_199, %dma_start3A_200] : memref<10240x128xf32, #tpu.memory_space<vmem_shared>> -> memref<10240x128xf32, #tpu.memory_space<vmem_shared>>
        tpu.enqueue_indirect_dma source(%dma_start3A_195 : memref<128x128xf32, #tpu.memory_space<vmem>>) target(%dma_start3A_201 : memref<10240x128xf32, #tpu.memory_space<vmem_shared>>) offsets(%dma_start3A_198 : memref<128xi32, #tpu.memory_space<vmem>>) semaphore(%run_scoped3A_192 : memref<!tpu.dma_semaphore, #tpu.memory_space<semaphore_mem>>) {add = true}
        %dma_wait3A_202 = arith.constant 0 : i32
        %dma_wait3A_203 = arith.constant 0 : i32
        %dma_wait3A_204 = tpu.memref_slice %arg9[%dma_wait3A_202, %dma_wait3A_203] : memref<256x128xf32, #tpu.memory_space<vmem>> -> memref<128x128xf32, #tpu.memory_space<vmem>>
        %dma_wait3A_205 = arith.constant 0 : i32
        %dma_wait3A_206 = tpu.memref_slice %arg8[%mul3A_147, %dma_wait3A_205] : memref<40x128xi32, #tpu.memory_space<vmem>> -> memref<1x128xi32, #tpu.memory_space<vmem>>
        %dma_wait3A_207 = tpu.memref_squeeze %dma_wait3A_206 : memref<1x128xi32, #tpu.memory_space<vmem>> -> memref<128xi32, #tpu.memory_space<vmem>>
        %dma_wait3A_208 = arith.constant 0 : i32
        %dma_wait3A_209 = arith.constant 0 : i32
        %dma_wait3A_210 = tpu.memref_slice %arg12[%dma_wait3A_208, %dma_wait3A_209] : memref<10240x128xf32, #tpu.memory_space<vmem_shared>> -> memref<10240x128xf32, #tpu.memory_space<vmem_shared>>
        tpu.wait_indirect_dma semaphore(%run_scoped3A_192 : memref<!tpu.dma_semaphore, #tpu.memory_space<semaphore_mem>>) src(%dma_wait3A_204 : memref<128x128xf32, #tpu.memory_space<vmem>>) dst(%dma_wait3A_210 : memref<10240x128xf32, #tpu.memory_space<vmem_shared>>)
        tpu.yield
      }) : () -> ()
      %add3A_157 = arith.constant 2 : i32
      %add3A_158 = arith.addi %mul3A_147, %add3A_157 : i32
      %dma_start3A_159 = arith.constant 0 : i32
      %dma_start3A_160 = arith.constant 0 : i32
      %dma_start3A_161 = tpu.memref_slice %arg9[%dma_start3A_159, %dma_start3A_160] : memref<256x128xf32, #tpu.memory_space<vmem>> -> memref<128x128xf32, #tpu.memory_space<vmem>>
      %dma_start3A_162 = arith.constant 0 : i32
      %dma_start3A_163 = tpu.memref_slice %arg7[%add3A_158, %dma_start3A_162] : memref<40x128xi32, #tpu.memory_space<vmem>> -> memref<1x128xi32, #tpu.memory_space<vmem>>
      %dma_start3A_164 = tpu.memref_squeeze %dma_start3A_163 : memref<1x128xi32, #tpu.memory_space<vmem>> -> memref<128xi32, #tpu.memory_space<vmem>>
      %dma_start3A_165 = arith.constant 0 : i32
      %dma_start3A_166 = arith.constant 0 : i32
      %dma_start3A_167 = tpu.memref_slice %arg2[%dma_start3A_165, %dma_start3A_166] : memref<10000x128xf32, #tpu.memory_space<hbm>> -> memref<10000x128xf32, #tpu.memory_space<hbm>>
      tpu.enqueue_indirect_dma source(%dma_start3A_167 : memref<10000x128xf32, #tpu.memory_space<hbm>>) target(%dma_start3A_161 : memref<128x128xf32, #tpu.memory_space<vmem>>) offsets(%dma_start3A_164 : memref<128xi32, #tpu.memory_space<vmem>>) semaphore(%arg10 : memref<!tpu.dma_semaphore, #tpu.memory_space<semaphore_mem>>)
      %add3A_168 = arith.constant 1 : i32
      %add3A_169 = arith.addi %mul3A_147, %add3A_168 : i32
      %dma_wait3A_170 = arith.constant 128 : i32
      %dma_wait3A_171 = arith.constant 0 : i32
      %dma_wait3A_172 = tpu.memref_slice %arg9[%dma_wait3A_170, %dma_wait3A_171] : memref<256x128xf32, #tpu.memory_space<vmem>> -> memref<128x128xf32, #tpu.memory_space<vmem>>
      %dma_wait3A_173 = arith.constant 0 : i32
      %dma_wait3A_174 = tpu.memref_slice %arg7[%add3A_169, %dma_wait3A_173] : memref<40x128xi32, #tpu.memory_space<vmem>> -> memref<1x128xi32, #tpu.memory_space<vmem>>
      %dma_wait3A_175 = tpu.memref_squeeze %dma_wait3A_174 : memref<1x128xi32, #tpu.memory_space<vmem>> -> memref<128xi32, #tpu.memory_space<vmem>>
      %dma_wait3A_176 = arith.constant 0 : i32
      %dma_wait3A_177 = arith.constant 0 : i32
      %dma_wait3A_178 = tpu.memref_slice %arg2[%dma_wait3A_176, %dma_wait3A_177] : memref<10000x128xf32, #tpu.memory_space<hbm>> -> memref<10000x128xf32, #tpu.memory_space<hbm>>
      tpu.wait_indirect_dma semaphore(%arg11 : memref<!tpu.dma_semaphore, #tpu.memory_space<semaphore_mem>>) src(%dma_wait3A_178 : memref<10000x128xf32, #tpu.memory_space<hbm>>) dst(%dma_wait3A_172 : memref<128x128xf32, #tpu.memory_space<vmem>>)
      %add3A_179 = arith.constant 1 : i32
      %add3A_180 = arith.addi %mul3A_147, %add3A_179 : i32
      "tpu.region"() ({
        %run_scoped3A_192 = tpu.sem_alloc : memref<!tpu.dma_semaphore, #tpu.memory_space<semaphore_mem>>
        %dma_start3A_193 = arith.constant 128 : i32
        %dma_start3A_194 = arith.constant 0 : i32
        %dma_start3A_195 = tpu.memref_slice %arg9[%dma_start3A_193, %dma_start3A_194] : memref<256x128xf32, #tpu.memory_space<vmem>> -> memref<128x128xf32, #tpu.memory_space<vmem>>
        %dma_start3A_196 = arith.constant 0 : i32
        %dma_start3A_197 = tpu.memref_slice %arg8[%add3A_180, %dma_start3A_196] : memref<40x128xi32, #tpu.memory_space<vmem>> -> memref<1x128xi32, #tpu.memory_space<vmem>>
        %dma_start3A_198 = tpu.memref_squeeze %dma_start3A_197 : memref<1x128xi32, #tpu.memory_space<vmem>> -> memref<128xi32, #tpu.memory_space<vmem>>
        %dma_start3A_199 = arith.constant 0 : i32
        %dma_start3A_200 = arith.constant 0 : i32
        %dma_start3A_201 = tpu.memref_slice %arg12[%dma_start3A_199, %dma_start3A_200] : memref<10240x128xf32, #tpu.memory_space<vmem_shared>> -> memref<10240x128xf32, #tpu.memory_space<vmem_shared>>
        tpu.enqueue_indirect_dma source(%dma_start3A_195 : memref<128x128xf32, #tpu.memory_space<vmem>>) target(%dma_start3A_201 : memref<10240x128xf32, #tpu.memory_space<vmem_shared>>) offsets(%dma_start3A_198 : memref<128xi32, #tpu.memory_space<vmem>>) semaphore(%run_scoped3A_192 : memref<!tpu.dma_semaphore, #tpu.memory_space<semaphore_mem>>) {add = true}
        %dma_wait3A_202 = arith.constant 128 : i32
        %dma_wait3A_203 = arith.constant 0 : i32
        %dma_wait3A_204 = tpu.memref_slice %arg9[%dma_wait3A_202, %dma_wait3A_203] : memref<256x128xf32, #tpu.memory_space<vmem>> -> memref<128x128xf32, #tpu.memory_space<vmem>>
        %dma_wait3A_205 = arith.constant 0 : i32
        %dma_wait3A_206 = tpu.memref_slice %arg8[%add3A_180, %dma_wait3A_205] : memref<40x128xi32, #tpu.memory_space<vmem>> -> memref<1x128xi32, #tpu.memory_space<vmem>>
        %dma_wait3A_207 = tpu.memref_squeeze %dma_wait3A_206 : memref<1x128xi32, #tpu.memory_space<vmem>> -> memref<128xi32, #tpu.memory_space<vmem>>
        %dma_wait3A_208 = arith.constant 0 : i32
        %dma_wait3A_209 = arith.constant 0 : i32
        %dma_wait3A_210 = tpu.memref_slice %arg12[%dma_wait3A_208, %dma_wait3A_209] : memref<10240x128xf32, #tpu.memory_space<vmem_shared>> -> memref<10240x128xf32, #tpu.memory_space<vmem_shared>>
        tpu.wait_indirect_dma semaphore(%run_scoped3A_192 : memref<!tpu.dma_semaphore, #tpu.memory_space<semaphore_mem>>) src(%dma_wait3A_204 : memref<128x128xf32, #tpu.memory_space<vmem>>) dst(%dma_wait3A_210 : memref<10240x128xf32, #tpu.memory_space<vmem_shared>>)
        tpu.yield
      }) : () -> ()
      %add3A_181 = arith.constant 3 : i32
      %add3A_182 = arith.addi %mul3A_147, %add3A_181 : i32
      %dma_start3A_183 = arith.constant 128 : i32
      %dma_start3A_184 = arith.constant 0 : i32
      %dma_start3A_185 = tpu.memref_slice %arg9[%dma_start3A_183, %dma_start3A_184] : memref<256x128xf32, #tpu.memory_space<vmem>> -> memref<128x128xf32, #tpu.memory_space<vmem>>
      %dma_start3A_186 = arith.constant 0 : i32
      %dma_start3A_187 = tpu.memref_slice %arg7[%add3A_182, %dma_start3A_186] : memref<40x128xi32, #tpu.memory_space<vmem>> -> memref<1x128xi32, #tpu.memory_space<vmem>>
      %dma_start3A_188 = tpu.memref_squeeze %dma_start3A_187 : memref<1x128xi32, #tpu.memory_space<vmem>> -> memref<128xi32, #tpu.memory_space<vmem>>
      %dma_start3A_189 = arith.constant 0 : i32
      %dma_start3A_190 = arith.constant 0 : i32
      %dma_start3A_191 = tpu.memref_slice %arg2[%dma_start3A_189, %dma_start3A_190] : memref<10000x128xf32, #tpu.memory_space<hbm>> -> memref<10000x128xf32, #tpu.memory_space<hbm>>
      tpu.enqueue_indirect_dma source(%dma_start3A_191 : memref<10000x128xf32, #tpu.memory_space<hbm>>) target(%dma_start3A_185 : memref<128x128xf32, #tpu.memory_space<vmem>>) offsets(%dma_start3A_188 : memref<128xi32, #tpu.memory_space<vmem>>) semaphore(%arg11 : memref<!tpu.dma_semaphore, #tpu.memory_space<semaphore_mem>>)
    }
    %scan3A_98 = arith.constant 19 : i32
    %dma_wait3A_99 = arith.constant 38 : i32
    %dma_wait3A_100 = arith.constant 0 : i32
    %dma_wait3A_101 = arith.constant 0 : i32
    %dma_wait3A_102 = tpu.memref_slice %arg9[%dma_wait3A_100, %dma_wait3A_101] : memref<256x128xf32, #tpu.memory_space<vmem>> -> memref<128x128xf32, #tpu.memory_space<vmem>>
    %dma_wait3A_103 = arith.constant 0 : i32
    %dma_wait3A_104 = tpu.memref_slice %arg7[%dma_wait3A_99, %dma_wait3A_103] : memref<40x128xi32, #tpu.memory_space<vmem>> -> memref<1x128xi32, #tpu.memory_space<vmem>>
    %dma_wait3A_105 = tpu.memref_squeeze %dma_wait3A_104 : memref<1x128xi32, #tpu.memory_space<vmem>> -> memref<128xi32, #tpu.memory_space<vmem>>
    %dma_wait3A_106 = arith.constant 0 : i32
    %dma_wait3A_107 = arith.constant 0 : i32
    %dma_wait3A_108 = tpu.memref_slice %arg2[%dma_wait3A_106, %dma_wait3A_107] : memref<10000x128xf32, #tpu.memory_space<hbm>> -> memref<10000x128xf32, #tpu.memory_space<hbm>>
    tpu.wait_indirect_dma semaphore(%arg10 : memref<!tpu.dma_semaphore, #tpu.memory_space<semaphore_mem>>) src(%dma_wait3A_108 : memref<10000x128xf32, #tpu.memory_space<hbm>>) dst(%dma_wait3A_102 : memref<128x128xf32, #tpu.memory_space<vmem>>)
    %run_scoped3A_109 = arith.constant 38 : i32
    "tpu.region"() ({
      %run_scoped3A_145 = tpu.sem_alloc : memref<!tpu.dma_semaphore, #tpu.memory_space<semaphore_mem>>
      %dma_start3A_146 = arith.constant 0 : i32
      %dma_start3A_147 = arith.constant 0 : i32
      %dma_start3A_148 = tpu.memref_slice %arg9[%dma_start3A_146, %dma_start3A_147] : memref<256x128xf32, #tpu.memory_space<vmem>> -> memref<128x128xf32, #tpu.memory_space<vmem>>
      %dma_start3A_149 = arith.constant 0 : i32
      %dma_start3A_150 = tpu.memref_slice %arg8[%run_scoped3A_109, %dma_start3A_149] : memref<40x128xi32, #tpu.memory_space<vmem>> -> memref<1x128xi32, #tpu.memory_space<vmem>>
      %dma_start3A_151 = tpu.memref_squeeze %dma_start3A_150 : memref<1x128xi32, #tpu.memory_space<vmem>> -> memref<128xi32, #tpu.memory_space<vmem>>
      %dma_start3A_152 = arith.constant 0 : i32
      %dma_start3A_153 = arith.constant 0 : i32
      %dma_start3A_154 = tpu.memref_slice %arg12[%dma_start3A_152, %dma_start3A_153] : memref<10240x128xf32, #tpu.memory_space<vmem_shared>> -> memref<10240x128xf32, #tpu.memory_space<vmem_shared>>
      tpu.enqueue_indirect_dma source(%dma_start3A_148 : memref<128x128xf32, #tpu.memory_space<vmem>>) target(%dma_start3A_154 : memref<10240x128xf32, #tpu.memory_space<vmem_shared>>) offsets(%dma_start3A_151 : memref<128xi32, #tpu.memory_space<vmem>>) semaphore(%run_scoped3A_145 : memref<!tpu.dma_semaphore, #tpu.memory_space<semaphore_mem>>) {add = true}
      %dma_wait3A_155 = arith.constant 0 : i32
      %dma_wait3A_156 = arith.constant 0 : i32
      %dma_wait3A_157 = tpu.memref_slice %arg9[%dma_wait3A_155, %dma_wait3A_156] : memref<256x128xf32, #tpu.memory_space<vmem>> -> memref<128x128xf32, #tpu.memory_space<vmem>>
      %dma_wait3A_158 = arith.constant 0 : i32
      %dma_wait3A_159 = tpu.memref_slice %arg8[%run_scoped3A_109, %dma_wait3A_158] : memref<40x128xi32, #tpu.memory_space<vmem>> -> memref<1x128xi32, #tpu.memory_space<vmem>>
      %dma_wait3A_160 = tpu.memref_squeeze %dma_wait3A_159 : memref<1x128xi32, #tpu.memory_space<vmem>> -> memref<128xi32, #tpu.memory_space<vmem>>
      %dma_wait3A_161 = arith.constant 0 : i32
      %dma_wait3A_162 = arith.constant 0 : i32
      %dma_wait3A_163 = tpu.memref_slice %arg12[%dma_wait3A_161, %dma_wait3A_162] : memref<10240x128xf32, #tpu.memory_space<vmem_shared>> -> memref<10240x128xf32, #tpu.memory_space<vmem_shared>>
      tpu.wait_indirect_dma semaphore(%run_scoped3A_145 : memref<!tpu.dma_semaphore, #tpu.memory_space<semaphore_mem>>) src(%dma_wait3A_157 : memref<128x128xf32, #tpu.memory_space<vmem>>) dst(%dma_wait3A_163 : memref<10240x128xf32, #tpu.memory_space<vmem_shared>>)
      tpu.yield
    }) : () -> ()
    %dma_wait3A_110 = arith.constant 39 : i32
    %dma_wait3A_111 = arith.constant 128 : i32
    %dma_wait3A_112 = arith.constant 0 : i32
    %dma_wait3A_113 = tpu.memref_slice %arg9[%dma_wait3A_111, %dma_wait3A_112] : memref<256x128xf32, #tpu.memory_space<vmem>> -> memref<128x128xf32, #tpu.memory_space<vmem>>
    %dma_wait3A_114 = arith.constant 0 : i32
    %dma_wait3A_115 = tpu.memref_slice %arg7[%dma_wait3A_110, %dma_wait3A_114] : memref<40x128xi32, #tpu.memory_space<vmem>> -> memref<1x128xi32, #tpu.memory_space<vmem>>
    %dma_wait3A_116 = tpu.memref_squeeze %dma_wait3A_115 : memref<1x128xi32, #tpu.memory_space<vmem>> -> memref<128xi32, #tpu.memory_space<vmem>>
    %dma_wait3A_117 = arith.constant 0 : i32
    %dma_wait3A_118 = arith.constant 0 : i32
    %dma_wait3A_119 = tpu.memref_slice %arg2[%dma_wait3A_117, %dma_wait3A_118] : memref<10000x128xf32, #tpu.memory_space<hbm>> -> memref<10000x128xf32, #tpu.memory_space<hbm>>
    tpu.wait_indirect_dma semaphore(%arg11 : memref<!tpu.dma_semaphore, #tpu.memory_space<semaphore_mem>>) src(%dma_wait3A_119 : memref<10000x128xf32, #tpu.memory_space<hbm>>) dst(%dma_wait3A_113 : memref<128x128xf32, #tpu.memory_space<vmem>>)
    %run_scoped3A_120 = arith.constant 39 : i32
    "tpu.region"() ({
      %run_scoped3A_145 = tpu.sem_alloc : memref<!tpu.dma_semaphore, #tpu.memory_space<semaphore_mem>>
      %dma_start3A_146 = arith.constant 128 : i32
      %dma_start3A_147 = arith.constant 0 : i32
      %dma_start3A_148 = tpu.memref_slice %arg9[%dma_start3A_146, %dma_start3A_147] : memref<256x128xf32, #tpu.memory_space<vmem>> -> memref<128x128xf32, #tpu.memory_space<vmem>>
      %dma_start3A_149 = arith.constant 0 : i32
      %dma_start3A_150 = tpu.memref_slice %arg8[%run_scoped3A_120, %dma_start3A_149] : memref<40x128xi32, #tpu.memory_space<vmem>> -> memref<1x128xi32, #tpu.memory_space<vmem>>
      %dma_start3A_151 = tpu.memref_squeeze %dma_start3A_150 : memref<1x128xi32, #tpu.memory_space<vmem>> -> memref<128xi32, #tpu.memory_space<vmem>>
      %dma_start3A_152 = arith.constant 0 : i32
      %dma_start3A_153 = arith.constant 0 : i32
      %dma_start3A_154 = tpu.memref_slice %arg12[%dma_start3A_152, %dma_start3A_153] : memref<10240x128xf32, #tpu.memory_space<vmem_shared>> -> memref<10240x128xf32, #tpu.memory_space<vmem_shared>>
      tpu.enqueue_indirect_dma source(%dma_start3A_148 : memref<128x128xf32, #tpu.memory_space<vmem>>) target(%dma_start3A_154 : memref<10240x128xf32, #tpu.memory_space<vmem_shared>>) offsets(%dma_start3A_151 : memref<128xi32, #tpu.memory_space<vmem>>) semaphore(%run_scoped3A_145 : memref<!tpu.dma_semaphore, #tpu.memory_space<semaphore_mem>>) {add = true}
      %dma_wait3A_155 = arith.constant 128 : i32
      %dma_wait3A_156 = arith.constant 0 : i32
      %dma_wait3A_157 = tpu.memref_slice %arg9[%dma_wait3A_155, %dma_wait3A_156] : memref<256x128xf32, #tpu.memory_space<vmem>> -> memref<128x128xf32, #tpu.memory_space<vmem>>
      %dma_wait3A_158 = arith.constant 0 : i32
      %dma_wait3A_159 = tpu.memref_slice %arg8[%run_scoped3A_120, %dma_wait3A_158] : memref<40x128xi32, #tpu.memory_space<vmem>> -> memref<1x128xi32, #tpu.memory_space<vmem>>
      %dma_wait3A_160 = tpu.memref_squeeze %dma_wait3A_159 : memref<1x128xi32, #tpu.memory_space<vmem>> -> memref<128xi32, #tpu.memory_space<vmem>>
      %dma_wait3A_161 = arith.constant 0 : i32
      %dma_wait3A_162 = arith.constant 0 : i32
      %dma_wait3A_163 = tpu.memref_slice %arg12[%dma_wait3A_161, %dma_wait3A_162] : memref<10240x128xf32, #tpu.memory_space<vmem_shared>> -> memref<10240x128xf32, #tpu.memory_space<vmem_shared>>
      tpu.wait_indirect_dma semaphore(%run_scoped3A_145 : memref<!tpu.dma_semaphore, #tpu.memory_space<semaphore_mem>>) src(%dma_wait3A_157 : memref<128x128xf32, #tpu.memory_space<vmem>>) dst(%dma_wait3A_163 : memref<10240x128xf32, #tpu.memory_space<vmem_shared>>)
      tpu.yield
    }) : () -> ()
    %barrier3A_121 = arith.constant 0 : index
    tpu.barrier barrier_id(%barrier3A_121)
    %mul3A_122 = arith.constant 640 : i32
    %mul3A_123 = arith.muli %arg1, %mul3A_122 : i32
    %add3A_124 = arith.constant 0 : i32
    %add3A_125 = arith.addi %mul3A_123, %add3A_124 : i32
    "tpu.region"() ({
      %run_scoped3A_145 = tpu.sem_alloc : memref<!tpu.dma_semaphore, #tpu.memory_space<semaphore_mem>>
      %dma_start3A_146 = arith.constant 0 : i32
      %dma_start3A_147 = tpu.memref_slice %arg12[%add3A_125, %dma_start3A_146] : memref<10240x128xf32, #tpu.memory_space<vmem_shared>> -> memref<256x128xf32, #tpu.memory_space<vmem_shared>>
      %dma_start3A_148 = arith.constant 0 : i32
      %dma_start3A_149 = tpu.memref_slice %arg12[%add3A_125, %dma_start3A_148] : memref<10240x128xf32, #tpu.memory_space<vmem_shared>> -> memref<256x128xf32, #tpu.memory_space<vmem_shared>>
      tpu.enqueue_dma source(%dma_start3A_149 : memref<256x128xf32, #tpu.memory_space<vmem_shared>>) target(%arg9 : memref<256x128xf32, #tpu.memory_space<vmem>>) target_semaphore(%run_scoped3A_145 : memref<!tpu.dma_semaphore, #tpu.memory_space<semaphore_mem>>)
      %dma_wait3A_150 = arith.constant 0 : i32
      %dma_wait3A_151 = tpu.memref_slice %arg12[%add3A_125, %dma_wait3A_150] : memref<10240x128xf32, #tpu.memory_space<vmem_shared>> -> memref<256x128xf32, #tpu.memory_space<vmem_shared>>
      %dma_wait3A_152 = arith.constant 0 : i32
      %dma_wait3A_153 = tpu.memref_slice %arg12[%add3A_125, %dma_wait3A_152] : memref<10240x128xf32, #tpu.memory_space<vmem_shared>> -> memref<256x128xf32, #tpu.memory_space<vmem_shared>>
      tpu.wait_dma2 semaphore(%run_scoped3A_145 : memref<!tpu.dma_semaphore, #tpu.memory_space<semaphore_mem>>) src(%dma_wait3A_153 : memref<256x128xf32, #tpu.memory_space<vmem_shared>>) dst(%arg9 : memref<256x128xf32, #tpu.memory_space<vmem>>)
      tpu.yield
    }) : () -> ()
    %mul3A_126 = arith.constant 10240 : i32
    %mul3A_127 = arith.muli %arg0, %mul3A_126 : i32
    %add3A_128 = arith.addi %mul3A_127, %mul3A_123 : i32
    %add3A_129 = arith.constant 0 : i32
    %add3A_130 = arith.addi %add3A_128, %add3A_129 : i32
    "tpu.region"() ({
      %run_scoped3A_145 = tpu.sem_alloc : memref<!tpu.dma_semaphore, #tpu.memory_space<semaphore_mem>>
      %dma_start3A_146 = arith.constant 0 : i32
      %dma_start3A_147 = tpu.memref_slice %arg6[%add3A_130, %dma_start3A_146] : memref<20480x128xf32, #tpu.memory_space<hbm>> -> memref<256x128xf32, #tpu.memory_space<hbm>>
      %dma_start3A_148 = arith.constant 0 : i32
      %dma_start3A_149 = tpu.memref_slice %arg6[%add3A_130, %dma_start3A_148] : memref<20480x128xf32, #tpu.memory_space<hbm>> -> memref<256x128xf32, #tpu.memory_space<hbm>>
      tpu.enqueue_dma source(%arg9 : memref<256x128xf32, #tpu.memory_space<vmem>>) target(%dma_start3A_149 : memref<256x128xf32, #tpu.memory_space<hbm>>) target_semaphore(%run_scoped3A_145 : memref<!tpu.dma_semaphore, #tpu.memory_space<semaphore_mem>>)
      %dma_wait3A_150 = arith.constant 0 : i32
      %dma_wait3A_151 = tpu.memref_slice %arg6[%add3A_130, %dma_wait3A_150] : memref<20480x128xf32, #tpu.memory_space<hbm>> -> memref<256x128xf32, #tpu.memory_space<hbm>>
      %dma_wait3A_152 = arith.constant 0 : i32
      %dma_wait3A_153 = tpu.memref_slice %arg6[%add3A_130, %dma_wait3A_152] : memref<20480x128xf32, #tpu.memory_space<hbm>> -> memref<256x128xf32, #tpu.memory_space<hbm>>
      tpu.wait_dma2 semaphore(%run_scoped3A_145 : memref<!tpu.dma_semaphore, #tpu.memory_space<semaphore_mem>>) src(%arg9 : memref<256x128xf32, #tpu.memory_space<vmem>>) dst(%dma_wait3A_153 : memref<256x128xf32, #tpu.memory_space<hbm>>)
      tpu.yield
    }) : () -> ()
    %add3A_131 = arith.constant 256 : i32
    %add3A_132 = arith.addi %mul3A_123, %add3A_131 : i32
    "tpu.region"() ({
      %run_scoped3A_145 = tpu.sem_alloc : memref<!tpu.dma_semaphore, #tpu.memory_space<semaphore_mem>>
      %dma_start3A_146 = arith.constant 0 : i32
      %dma_start3A_147 = tpu.memref_slice %arg12[%add3A_132, %dma_start3A_146] : memref<10240x128xf32, #tpu.memory_space<vmem_shared>> -> memref<256x128xf32, #tpu.memory_space<vmem_shared>>
      %dma_start3A_148 = arith.constant 0 : i32
      %dma_start3A_149 = tpu.memref_slice %arg12[%add3A_132, %dma_start3A_148] : memref<10240x128xf32, #tpu.memory_space<vmem_shared>> -> memref<256x128xf32, #tpu.memory_space<vmem_shared>>
      tpu.enqueue_dma source(%dma_start3A_149 : memref<256x128xf32, #tpu.memory_space<vmem_shared>>) target(%arg9 : memref<256x128xf32, #tpu.memory_space<vmem>>) target_semaphore(%run_scoped3A_145 : memref<!tpu.dma_semaphore, #tpu.memory_space<semaphore_mem>>)
      %dma_wait3A_150 = arith.constant 0 : i32
      %dma_wait3A_151 = tpu.memref_slice %arg12[%add3A_132, %dma_wait3A_150] : memref<10240x128xf32, #tpu.memory_space<vmem_shared>> -> memref<256x128xf32, #tpu.memory_space<vmem_shared>>
      %dma_wait3A_152 = arith.constant 0 : i32
      %dma_wait3A_153 = tpu.memref_slice %arg12[%add3A_132, %dma_wait3A_152] : memref<10240x128xf32, #tpu.memory_space<vmem_shared>> -> memref<256x128xf32, #tpu.memory_space<vmem_shared>>
      tpu.wait_dma2 semaphore(%run_scoped3A_145 : memref<!tpu.dma_semaphore, #tpu.memory_space<semaphore_mem>>) src(%dma_wait3A_153 : memref<256x128xf32, #tpu.memory_space<vmem_shared>>) dst(%arg9 : memref<256x128xf32, #tpu.memory_space<vmem>>)
      tpu.yield
    }) : () -> ()
    %mul3A_133 = arith.constant 10240 : i32
    %mul3A_134 = arith.muli %arg0, %mul3A_133 : i32
    %add3A_135 = arith.addi %mul3A_134, %mul3A_123 : i32
    %add3A_136 = arith.constant 256 : i32
    %add3A_137 = arith.addi %add3A_135, %add3A_136 : i32
    "tpu.region"() ({
      %run_scoped3A_145 = tpu.sem_alloc : memref<!tpu.dma_semaphore, #tpu.memory_space<semaphore_mem>>
      %dma_start3A_146 = arith.constant 0 : i32
      %dma_start3A_147 = tpu.memref_slice %arg6[%add3A_137, %dma_start3A_146] : memref<20480x128xf32, #tpu.memory_space<hbm>> -> memref<256x128xf32, #tpu.memory_space<hbm>>
      %dma_start3A_148 = arith.constant 0 : i32
      %dma_start3A_149 = tpu.memref_slice %arg6[%add3A_137, %dma_start3A_148] : memref<20480x128xf32, #tpu.memory_space<hbm>> -> memref<256x128xf32, #tpu.memory_space<hbm>>
      tpu.enqueue_dma source(%arg9 : memref<256x128xf32, #tpu.memory_space<vmem>>) target(%dma_start3A_149 : memref<256x128xf32, #tpu.memory_space<hbm>>) target_semaphore(%run_scoped3A_145 : memref<!tpu.dma_semaphore, #tpu.memory_space<semaphore_mem>>)
      %dma_wait3A_150 = arith.constant 0 : i32
      %dma_wait3A_151 = tpu.memref_slice %arg6[%add3A_137, %dma_wait3A_150] : memref<20480x128xf32, #tpu.memory_space<hbm>> -> memref<256x128xf32, #tpu.memory_space<hbm>>
      %dma_wait3A_152 = arith.constant 0 : i32
      %dma_wait3A_153 = tpu.memref_slice %arg6[%add3A_137, %dma_wait3A_152] : memref<20480x128xf32, #tpu.memory_space<hbm>> -> memref<256x128xf32, #tpu.memory_space<hbm>>
      tpu.wait_dma2 semaphore(%run_scoped3A_145 : memref<!tpu.dma_semaphore, #tpu.memory_space<semaphore_mem>>) src(%arg9 : memref<256x128xf32, #tpu.memory_space<vmem>>) dst(%dma_wait3A_153 : memref<256x128xf32, #tpu.memory_space<hbm>>)
      tpu.yield
    }) : () -> ()
    %add3A_138 = arith.constant 512 : i32
    %add3A_139 = arith.addi %mul3A_123, %add3A_138 : i32
    "tpu.region"() ({
      %run_scoped3A_145 = tpu.sem_alloc : memref<!tpu.dma_semaphore, #tpu.memory_space<semaphore_mem>>
      %dma_start3A_146 = arith.constant 0 : i32
      %dma_start3A_147 = arith.constant 0 : i32
      %dma_start3A_148 = tpu.memref_slice %arg9[%dma_start3A_146, %dma_start3A_147] : memref<256x128xf32, #tpu.memory_space<vmem>> -> memref<128x128xf32, #tpu.memory_space<vmem>>
      %dma_start3A_149 = arith.constant 0 : i32
      %dma_start3A_150 = tpu.memref_slice %arg12[%add3A_139, %dma_start3A_149] : memref<10240x128xf32, #tpu.memory_space<vmem_shared>> -> memref<128x128xf32, #tpu.memory_space<vmem_shared>>
      %dma_start3A_151 = arith.constant 0 : i32
      %dma_start3A_152 = arith.constant 0 : i32
      %dma_start3A_153 = tpu.memref_slice %arg9[%dma_start3A_151, %dma_start3A_152] : memref<256x128xf32, #tpu.memory_space<vmem>> -> memref<128x128xf32, #tpu.memory_space<vmem>>
      %dma_start3A_154 = arith.constant 0 : i32
      %dma_start3A_155 = tpu.memref_slice %arg12[%add3A_139, %dma_start3A_154] : memref<10240x128xf32, #tpu.memory_space<vmem_shared>> -> memref<128x128xf32, #tpu.memory_space<vmem_shared>>
      tpu.enqueue_dma source(%dma_start3A_155 : memref<128x128xf32, #tpu.memory_space<vmem_shared>>) target(%dma_start3A_153 : memref<128x128xf32, #tpu.memory_space<vmem>>) target_semaphore(%run_scoped3A_145 : memref<!tpu.dma_semaphore, #tpu.memory_space<semaphore_mem>>)
      %dma_wait3A_156 = arith.constant 0 : i32
      %dma_wait3A_157 = arith.constant 0 : i32
      %dma_wait3A_158 = tpu.memref_slice %arg9[%dma_wait3A_156, %dma_wait3A_157] : memref<256x128xf32, #tpu.memory_space<vmem>> -> memref<128x128xf32, #tpu.memory_space<vmem>>
      %dma_wait3A_159 = arith.constant 0 : i32
      %dma_wait3A_160 = tpu.memref_slice %arg12[%add3A_139, %dma_wait3A_159] : memref<10240x128xf32, #tpu.memory_space<vmem_shared>> -> memref<128x128xf32, #tpu.memory_space<vmem_shared>>
      %dma_wait3A_161 = arith.constant 0 : i32
      %dma_wait3A_162 = arith.constant 0 : i32
      %dma_wait3A_163 = tpu.memref_slice %arg9[%dma_wait3A_161, %dma_wait3A_162] : memref<256x128xf32, #tpu.memory_space<vmem>> -> memref<128x128xf32, #tpu.memory_space<vmem>>
      %dma_wait3A_164 = arith.constant 0 : i32
      %dma_wait3A_165 = tpu.memref_slice %arg12[%add3A_139, %dma_wait3A_164] : memref<10240x128xf32, #tpu.memory_space<vmem_shared>> -> memref<128x128xf32, #tpu.memory_space<vmem_shared>>
      tpu.wait_dma2 semaphore(%run_scoped3A_145 : memref<!tpu.dma_semaphore, #tpu.memory_space<semaphore_mem>>) src(%dma_wait3A_165 : memref<128x128xf32, #tpu.memory_space<vmem_shared>>) dst(%dma_wait3A_163 : memref<128x128xf32, #tpu.memory_space<vmem>>)
      tpu.yield
    }) : () -> ()
    %mul3A_140 = arith.constant 10240 : i32
    %mul3A_141 = arith.muli %arg0, %mul3A_140 : i32
    %add3A_142 = arith.addi %mul3A_141, %mul3A_123 : i32
    %add3A_143 = arith.constant 512 : i32
    %add3A_144 = arith.addi %add3A_142, %add3A_143 : i32
    "tpu.region"() ({
      %run_scoped3A_145 = tpu.sem_alloc : memref<!tpu.dma_semaphore, #tpu.memory_space<semaphore_mem>>
      %dma_start3A_146 = arith.constant 0 : i32
      %dma_start3A_147 = arith.constant 0 : i32
      %dma_start3A_148 = tpu.memref_slice %arg9[%dma_start3A_146, %dma_start3A_147] : memref<256x128xf32, #tpu.memory_space<vmem>> -> memref<128x128xf32, #tpu.memory_space<vmem>>
      %dma_start3A_149 = arith.constant 0 : i32
      %dma_start3A_150 = tpu.memref_slice %arg6[%add3A_144, %dma_start3A_149] : memref<20480x128xf32, #tpu.memory_space<hbm>> -> memref<128x128xf32, #tpu.memory_space<hbm>>
      %dma_start3A_151 = arith.constant 0 : i32
      %dma_start3A_152 = tpu.memref_slice %arg6[%add3A_144, %dma_start3A_151] : memref<20480x128xf32, #tpu.memory_space<hbm>> -> memref<128x128xf32, #tpu.memory_space<hbm>>
      %dma_start3A_153 = arith.constant 0 : i32
      %dma_start3A_154 = arith.constant 0 : i32
      %dma_start3A_155 = tpu.memref_slice %arg9[%dma_start3A_153, %dma_start3A_154] : memref<256x128xf32, #tpu.memory_space<vmem>> -> memref<128x128xf32, #tpu.memory_space<vmem>>
      tpu.enqueue_dma source(%dma_start3A_155 : memref<128x128xf32, #tpu.memory_space<vmem>>) target(%dma_start3A_152 : memref<128x128xf32, #tpu.memory_space<hbm>>) target_semaphore(%run_scoped3A_145 : memref<!tpu.dma_semaphore, #tpu.memory_space<semaphore_mem>>)
      %dma_wait3A_156 = arith.constant 0 : i32
      %dma_wait3A_157 = arith.constant 0 : i32
      %dma_wait3A_158 = tpu.memref_slice %arg9[%dma_wait3A_156, %dma_wait3A_157] : memref<256x128xf32, #tpu.memory_space<vmem>> -> memref<128x128xf32, #tpu.memory_space<vmem>>
      %dma_wait3A_159 = arith.constant 0 : i32
      %dma_wait3A_160 = tpu.memref_slice %arg6[%add3A_144, %dma_wait3A_159] : memref<20480x128xf32, #tpu.memory_space<hbm>> -> memref<128x128xf32, #tpu.memory_space<hbm>>
      %dma_wait3A_161 = arith.constant 0 : i32
      %dma_wait3A_162 = tpu.memref_slice %arg6[%add3A_144, %dma_wait3A_161] : memref<20480x128xf32, #tpu.memory_space<hbm>> -> memref<128x128xf32, #tpu.memory_space<hbm>>
      %dma_wait3A_163 = arith.constant 0 : i32
      %dma_wait3A_164 = arith.constant 0 : i32
      %dma_wait3A_165 = tpu.memref_slice %arg9[%dma_wait3A_163, %dma_wait3A_164] : memref<256x128xf32, #tpu.memory_space<vmem>> -> memref<128x128xf32, #tpu.memory_space<vmem>>
      tpu.wait_dma2 semaphore(%run_scoped3A_145 : memref<!tpu.dma_semaphore, #tpu.memory_space<semaphore_mem>>) src(%dma_wait3A_165 : memref<128x128xf32, #tpu.memory_space<vmem>>) dst(%dma_wait3A_162 : memref<128x128xf32, #tpu.memory_space<hbm>>)
      tpu.yield
    }) : () -> ()
    return
  }
}

module attributes {stable_mosaic.version = 14 : i64} {
  func.func @_tc_in_body(%arg0: i32, %arg1: memref<2000x128xf32, #tpu.memory_space<vmem>>, %arg2: memref<128x128xf32, #tpu.memory_space<vmem>>, %arg3: memref<128x128xf32, #tpu.memory_space<vmem>>, %arg4: memref<2000x128xf32, #tpu.memory_space<vmem>>, %arg5: memref<2000x128xf32, #tpu.memory_space<vmem>>) attributes {dimension_semantics = [#tpu.dimension_semantics<arbitrary>], iteration_bounds = array<i64: 5>, scalar_prefetch = 0 : i64, scratch_operands = 0 : i64, tpu.core_type = #tpu.core_type<tc>, window_params = [{transform_indices = @transform_0, window_bounds = array<i64: 2000, 128>}, {pipeline_mode = #tpu.pipeline_mode<synchronous>, transform_indices = @transform_1, window_bounds = array<i64: 128, 128>}, {pipeline_mode = #tpu.pipeline_mode<synchronous>, transform_indices = @transform_2, window_bounds = array<i64: 128, 128>}, {transform_indices = @transform_3, window_bounds = array<i64: 2000, 128>}, {transform_indices = @transform_4, window_bounds = array<i64: 2000, 128>}]} {
    %get3A = arith.constant 0 : index
    %get3A_0 = arith.constant 0 : index
    %get3A_1 = vector.load %arg1[%get3A, %get3A_0] : memref<2000x128xf32, #tpu.memory_space<vmem>>, vector<2000x128xf32>
    %get3A_2 = arith.constant 0 : index
    %get3A_3 = arith.constant 0 : index
    %get3A_4 = vector.load %arg2[%get3A_2, %get3A_3] : memref<128x128xf32, #tpu.memory_space<vmem>>, vector<128x128xf32>
    %dot_general3A = arith.constant dense<0.000000e+00> : vector<2000x128xf32>
    %dot_general3A_5 = tpu.matmul %get3A_1, %get3A_4, %dot_general3A {dimension_numbers = #tpu.dot_dimension_numbers<[1], [0], [0], [1], [0, 0, 1, 1], [], []>, transpose_lhs_hint = false} : vector<2000x128xf32>, vector<128x128xf32>, vector<2000x128xf32> -> vector<2000x128xf32>
    %swap3A = arith.constant 0 : index
    %swap3A_6 = arith.constant 0 : index
    %swap3A_7 = vector.load %arg4[%swap3A, %swap3A_6] : memref<2000x128xf32, #tpu.memory_space<vmem>>, vector<2000x128xf32>
    tpu.vector_store %arg4[%swap3A, %swap3A_6], %dot_general3A_5 {strides = array<i32>} : memref<2000x128xf32, #tpu.memory_space<vmem>>, vector<2000x128xf32>,
    %get3A_8 = arith.constant 0 : index
    %get3A_9 = arith.constant 0 : index
    %get3A_10 = vector.load %arg3[%get3A_8, %get3A_9] : memref<128x128xf32, #tpu.memory_space<vmem>>, vector<128x128xf32>
    %dot_general3A_11 = arith.constant dense<0.000000e+00> : vector<2000x128xf32>
    %dot_general3A_12 = tpu.matmul %get3A_1, %get3A_10, %dot_general3A_11 {dimension_numbers = #tpu.dot_dimension_numbers<[1], [0], [0], [1], [0, 0, 1, 1], [], []>, transpose_lhs_hint = false} : vector<2000x128xf32>, vector<128x128xf32>, vector<2000x128xf32> -> vector<2000x128xf32>
    %swap3A_13 = arith.constant 0 : index
    %swap3A_14 = arith.constant 0 : index
    %swap3A_15 = vector.load %arg5[%swap3A_13, %swap3A_14] : memref<2000x128xf32, #tpu.memory_space<vmem>>, vector<2000x128xf32>
    tpu.vector_store %arg5[%swap3A_13, %swap3A_14], %dot_general3A_12 {strides = array<i32>} : memref<2000x128xf32, #tpu.memory_space<vmem>>, vector<2000x128xf32>,
    return
  }
  func.func @transform_0(%arg0: i32) -> (i32, i32) {
    %c0_i32 = arith.constant 0 : i32
    %c0_i32_0 = arith.constant 0 : i32
    return %arg0, %c0_i32 : i32, i32
  }
  func.func @transform_1(%arg0: i32) -> (i32, i32) {
    %c0_i32 = arith.constant 0 : i32
    %c0_i32_0 = arith.constant 0 : i32
    %c0_i32_1 = arith.constant 0 : i32
    return %c0_i32, %c0_i32_0 : i32, i32
  }
  func.func @transform_2(%arg0: i32) -> (i32, i32) {
    %c0_i32 = arith.constant 0 : i32
    %c0_i32_0 = arith.constant 0 : i32
    %c0_i32_1 = arith.constant 0 : i32
    return %c0_i32, %c0_i32_0 : i32, i32
  }
  func.func @transform_3(%arg0: i32) -> (i32, i32) {
    %c0_i32 = arith.constant 0 : i32
    %c0_i32_0 = arith.constant 0 : i32
    return %arg0, %c0_i32 : i32, i32
  }
  func.func @transform_4(%arg0: i32) -> (i32, i32) {
    %c0_i32 = arith.constant 0 : i32
    %c0_i32_0 = arith.constant 0 : i32
    return %arg0, %c0_i32 : i32, i32
  }
}

module attributes {stable_mosaic.version = 14 : i64} {
  func.func @_tc_mid_body(%arg0: i32, %arg1: memref<2000x128xf32, #tpu.memory_space<vmem>>, %arg2: memref<2x2000x128xf32, #tpu.memory_space<vmem>>, %arg3: memref<2x2000x128xf32, #tpu.memory_space<vmem>>, %arg4: memref<1x128xf32, #tpu.memory_space<vmem>>, %arg5: memref<128x128xf32, #tpu.memory_space<vmem>>, %arg6: memref<128x128xf32, #tpu.memory_space<vmem>>, %arg7: memref<2000x128xf32, #tpu.memory_space<vmem>>, %arg8: memref<2000x128xf32, #tpu.memory_space<vmem>>) attributes {dimension_semantics = [#tpu.dimension_semantics<arbitrary>], iteration_bounds = array<i64: 5>, scalar_prefetch = 0 : i64, scratch_operands = 0 : i64, tpu.core_type = #tpu.core_type<tc>, window_params = [{transform_indices = @transform_0, window_bounds = array<i64: 2000, 128>}, {transform_indices = @transform_1, window_bounds = array<i64: 2, 2000, 128>}, {transform_indices = @transform_2, window_bounds = array<i64: 2, 2000, 128>}, {pipeline_mode = #tpu.pipeline_mode<synchronous>, transform_indices = @transform_3, window_bounds = array<i64: 1, 128>}, {pipeline_mode = #tpu.pipeline_mode<synchronous>, transform_indices = @transform_4, window_bounds = array<i64: 128, 128>}, {pipeline_mode = #tpu.pipeline_mode<synchronous>, transform_indices = @transform_5, window_bounds = array<i64: 128, 128>}, {transform_indices = @transform_6, window_bounds = array<i64: 2000, 128>}, {transform_indices = @transform_7, window_bounds = array<i64: 2000, 128>}]} {
    %get3A = arith.constant 0 : index
    %get3A_0 = arith.constant 0 : index
    %get3A_1 = arith.constant 0 : index
    %get3A_2 = vector.load %arg2[%get3A, %get3A_0, %get3A_1] : memref<2x2000x128xf32, #tpu.memory_space<vmem>>, vector<1x2000x128xf32>
    %get3A_3 = vector.shape_cast %get3A_2 : vector<1x2000x128xf32> to vector<2000x128xf32>
    %get3A_4 = arith.constant 1 : index
    %get3A_5 = arith.constant 0 : index
    %get3A_6 = arith.constant 0 : index
    %get3A_7 = vector.load %arg2[%get3A_4, %get3A_5, %get3A_6] : memref<2x2000x128xf32, #tpu.memory_space<vmem>>, vector<1x2000x128xf32>
    %get3A_8 = vector.shape_cast %get3A_7 : vector<1x2000x128xf32> to vector<2000x128xf32>
    %add3A = arith.addf %get3A_3, %get3A_8 : vector<2000x128xf32>
    %get3A_9 = arith.constant 0 : index
    %get3A_10 = arith.constant 0 : index
    %get3A_11 = arith.constant 0 : index
    %get3A_12 = vector.load %arg3[%get3A_9, %get3A_10, %get3A_11] : memref<2x2000x128xf32, #tpu.memory_space<vmem>>, vector<1x2000x1xf32>
    %get3A_13 = vector.shape_cast %get3A_12 : vector<1x2000x1xf32> to vector<2000x1xf32>
    %get3A_14 = arith.constant 1 : index
    %get3A_15 = arith.constant 0 : index
    %get3A_16 = arith.constant 0 : index
    %get3A_17 = vector.load %arg3[%get3A_14, %get3A_15, %get3A_16] : memref<2x2000x128xf32, #tpu.memory_space<vmem>>, vector<1x2000x1xf32>
    %get3A_18 = vector.shape_cast %get3A_17 : vector<1x2000x1xf32> to vector<2000x1xf32>
    %add3A_19 = arith.addf %get3A_13, %get3A_18 : vector<2000x1xf32>
    %max3A = arith.constant 1.000000e+00 : f32
    %max3A_20 = vector.broadcast %max3A : f32 to vector<2000x1xf32>
    %max3A_21 = arith.maximumf %add3A_19, %max3A_20 : vector<2000x1xf32>
    %div3A = vector.broadcast %max3A_21 : vector<2000x1xf32> to vector<2000x128xf32>
    %div3A_22 = arith.divf %add3A, %div3A : vector<2000x128xf32>
    %get3A_23 = arith.constant 0 : index
    %get3A_24 = arith.constant 0 : index
    %get3A_25 = vector.load %arg1[%get3A_23, %get3A_24] : memref<2000x128xf32, #tpu.memory_space<vmem>>, vector<2000x128xf32>
    %add3A_26 = arith.addf %get3A_25, %div3A_22 : vector<2000x128xf32>
    %get3A_27 = arith.constant 0 : index
    %get3A_28 = arith.constant 0 : index
    %get3A_29 = vector.load %arg4[%get3A_27, %get3A_28] : memref<1x128xf32, #tpu.memory_space<vmem>>, vector<1x128xf32>
    %add3A_30 = vector.broadcast %get3A_29 : vector<1x128xf32> to vector<2000x128xf32>
    %add3A_31 = arith.addf %add3A_26, %add3A_30 : vector<2000x128xf32>
    %max3A_32 = arith.constant 0.000000e+00 : f32
    %max3A_33 = vector.broadcast %max3A_32 : f32 to vector<2000x128xf32>
    %max3A_34 = arith.maximumf %add3A_31, %max3A_33 : vector<2000x128xf32>
    %get3A_35 = arith.constant 0 : index
    %get3A_36 = arith.constant 0 : index
    %get3A_37 = vector.load %arg5[%get3A_35, %get3A_36] : memref<128x128xf32, #tpu.memory_space<vmem>>, vector<128x128xf32>
    %dot_general3A = arith.constant dense<0.000000e+00> : vector<2000x128xf32>
    %dot_general3A_38 = tpu.matmul %max3A_34, %get3A_37, %dot_general3A {dimension_numbers = #tpu.dot_dimension_numbers<[1], [0], [0], [1], [0, 0, 1, 1], [], []>, transpose_lhs_hint = false} : vector<2000x128xf32>, vector<128x128xf32>, vector<2000x128xf32> -> vector<2000x128xf32>
    %swap3A = arith.constant 0 : index
    %swap3A_39 = arith.constant 0 : index
    %swap3A_40 = vector.load %arg7[%swap3A, %swap3A_39] : memref<2000x128xf32, #tpu.memory_space<vmem>>, vector<2000x128xf32>
    tpu.vector_store %arg7[%swap3A, %swap3A_39], %dot_general3A_38 {strides = array<i32>} : memref<2000x128xf32, #tpu.memory_space<vmem>>, vector<2000x128xf32>,
    %get3A_41 = arith.constant 0 : index
    %get3A_42 = arith.constant 0 : index
    %get3A_43 = vector.load %arg6[%get3A_41, %get3A_42] : memref<128x128xf32, #tpu.memory_space<vmem>>, vector<128x128xf32>
    %dot_general3A_44 = arith.constant dense<0.000000e+00> : vector<2000x128xf32>
    %dot_general3A_45 = tpu.matmul %max3A_34, %get3A_43, %dot_general3A_44 {dimension_numbers = #tpu.dot_dimension_numbers<[1], [0], [0], [1], [0, 0, 1, 1], [], []>, transpose_lhs_hint = false} : vector<2000x128xf32>, vector<128x128xf32>, vector<2000x128xf32> -> vector<2000x128xf32>
    %swap3A_46 = arith.constant 0 : index
    %swap3A_47 = arith.constant 0 : index
    %swap3A_48 = vector.load %arg8[%swap3A_46, %swap3A_47] : memref<2000x128xf32, #tpu.memory_space<vmem>>, vector<2000x128xf32>
    tpu.vector_store %arg8[%swap3A_46, %swap3A_47], %dot_general3A_45 {strides = array<i32>} : memref<2000x128xf32, #tpu.memory_space<vmem>>, vector<2000x128xf32>,
    return
  }
  func.func @transform_0(%arg0: i32) -> (i32, i32) {
    %c0_i32 = arith.constant 0 : i32
    %c0_i32_0 = arith.constant 0 : i32
    return %arg0, %c0_i32 : i32, i32
  }
  func.func @transform_1(%arg0: i32) -> (i32, i32, i32) {
    %c0_i32 = arith.constant 0 : i32
    %c0_i32_0 = arith.constant 0 : i32
    %c0_i32_1 = arith.constant 0 : i32
    return %c0_i32, %arg0, %c0_i32_0 : i32, i32, i32
  }
  func.func @transform_2(%arg0: i32) -> (i32, i32, i32) {
    %c0_i32 = arith.constant 0 : i32
    %c0_i32_0 = arith.constant 0 : i32
    %c0_i32_1 = arith.constant 0 : i32
    return %c0_i32, %arg0, %c0_i32_0 : i32, i32, i32
  }
  func.func @transform_3(%arg0: i32) -> (i32, i32) {
    %c0_i32 = arith.constant 0 : i32
    %c0_i32_0 = arith.constant 0 : i32
    %c0_i32_1 = arith.constant 0 : i32
    return %c0_i32, %c0_i32_0 : i32, i32
  }
  func.func @transform_4(%arg0: i32) -> (i32, i32) {
    %c0_i32 = arith.constant 0 : i32
    %c0_i32_0 = arith.constant 0 : i32
    %c0_i32_1 = arith.constant 0 : i32
    return %c0_i32, %c0_i32_0 : i32, i32
  }
  func.func @transform_5(%arg0: i32) -> (i32, i32) {
    %c0_i32 = arith.constant 0 : i32
    %c0_i32_0 = arith.constant 0 : i32
    %c0_i32_1 = arith.constant 0 : i32
    return %c0_i32, %c0_i32_0 : i32, i32
  }
  func.func @transform_6(%arg0: i32) -> (i32, i32) {
    %c0_i32 = arith.constant 0 : i32
    %c0_i32_0 = arith.constant 0 : i32
    return %arg0, %c0_i32 : i32, i32
  }
  func.func @transform_7(%arg0: i32) -> (i32, i32) {
    %c0_i32 = arith.constant 0 : i32
    %c0_i32_0 = arith.constant 0 : i32
    return %arg0, %c0_i32 : i32, i32
  }
}

module attributes {stable_mosaic.version = 14 : i64} {
  func.func @_tc_out_body(%arg0: i32, %arg1: memref<2000x128xf32, #tpu.memory_space<vmem>>, %arg2: memref<2x2000x128xf32, #tpu.memory_space<vmem>>, %arg3: memref<2x2000x128xf32, #tpu.memory_space<vmem>>, %arg4: memref<1x128xf32, #tpu.memory_space<vmem>>, %arg5: memref<2000x128xf32, #tpu.memory_space<vmem>>) attributes {dimension_semantics = [#tpu.dimension_semantics<arbitrary>], iteration_bounds = array<i64: 5>, scalar_prefetch = 0 : i64, scratch_operands = 0 : i64, tpu.core_type = #tpu.core_type<tc>, window_params = [{transform_indices = @transform_0, window_bounds = array<i64: 2000, 128>}, {transform_indices = @transform_1, window_bounds = array<i64: 2, 2000, 128>}, {transform_indices = @transform_2, window_bounds = array<i64: 2, 2000, 128>}, {pipeline_mode = #tpu.pipeline_mode<synchronous>, transform_indices = @transform_3, window_bounds = array<i64: 1, 128>}, {transform_indices = @transform_4, window_bounds = array<i64: 2000, 128>}]} {
    %get3A = arith.constant 0 : index
    %get3A_0 = arith.constant 0 : index
    %get3A_1 = arith.constant 0 : index
    %get3A_2 = vector.load %arg2[%get3A, %get3A_0, %get3A_1] : memref<2x2000x128xf32, #tpu.memory_space<vmem>>, vector<1x2000x128xf32>
    %get3A_3 = vector.shape_cast %get3A_2 : vector<1x2000x128xf32> to vector<2000x128xf32>
    %get3A_4 = arith.constant 1 : index
    %get3A_5 = arith.constant 0 : index
    %get3A_6 = arith.constant 0 : index
    %get3A_7 = vector.load %arg2[%get3A_4, %get3A_5, %get3A_6] : memref<2x2000x128xf32, #tpu.memory_space<vmem>>, vector<1x2000x128xf32>
    %get3A_8 = vector.shape_cast %get3A_7 : vector<1x2000x128xf32> to vector<2000x128xf32>
    %add3A = arith.addf %get3A_3, %get3A_8 : vector<2000x128xf32>
    %get3A_9 = arith.constant 0 : index
    %get3A_10 = arith.constant 0 : index
    %get3A_11 = arith.constant 0 : index
    %get3A_12 = vector.load %arg3[%get3A_9, %get3A_10, %get3A_11] : memref<2x2000x128xf32, #tpu.memory_space<vmem>>, vector<1x2000x1xf32>
    %get3A_13 = vector.shape_cast %get3A_12 : vector<1x2000x1xf32> to vector<2000x1xf32>
    %get3A_14 = arith.constant 1 : index
    %get3A_15 = arith.constant 0 : index
    %get3A_16 = arith.constant 0 : index
    %get3A_17 = vector.load %arg3[%get3A_14, %get3A_15, %get3A_16] : memref<2x2000x128xf32, #tpu.memory_space<vmem>>, vector<1x2000x1xf32>
    %get3A_18 = vector.shape_cast %get3A_17 : vector<1x2000x1xf32> to vector<2000x1xf32>
    %add3A_19 = arith.addf %get3A_13, %get3A_18 : vector<2000x1xf32>
    %max3A = arith.constant 1.000000e+00 : f32
    %max3A_20 = vector.broadcast %max3A : f32 to vector<2000x1xf32>
    %max3A_21 = arith.maximumf %add3A_19, %max3A_20 : vector<2000x1xf32>
    %div3A = vector.broadcast %max3A_21 : vector<2000x1xf32> to vector<2000x128xf32>
    %div3A_22 = arith.divf %add3A, %div3A : vector<2000x128xf32>
    %get3A_23 = arith.constant 0 : index
    %get3A_24 = arith.constant 0 : index
    %get3A_25 = vector.load %arg1[%get3A_23, %get3A_24] : memref<2000x128xf32, #tpu.memory_space<vmem>>, vector<2000x128xf32>
    %add3A_26 = arith.addf %get3A_25, %div3A_22 : vector<2000x128xf32>
    %get3A_27 = arith.constant 0 : index
    %get3A_28 = arith.constant 0 : index
    %get3A_29 = vector.load %arg4[%get3A_27, %get3A_28] : memref<1x128xf32, #tpu.memory_space<vmem>>, vector<1x128xf32>
    %add3A_30 = vector.broadcast %get3A_29 : vector<1x128xf32> to vector<2000x128xf32>
    %add3A_31 = arith.addf %add3A_26, %add3A_30 : vector<2000x128xf32>
    %swap3A = arith.constant 0 : index
    %swap3A_32 = arith.constant 0 : index
    %swap3A_33 = vector.load %arg5[%swap3A, %swap3A_32] : memref<2000x128xf32, #tpu.memory_space<vmem>>, vector<2000x128xf32>
    tpu.vector_store %arg5[%swap3A, %swap3A_32], %add3A_31 {strides = array<i32>} : memref<2000x128xf32, #tpu.memory_space<vmem>>, vector<2000x128xf32>,
    return
  }
  func.func @transform_0(%arg0: i32) -> (i32, i32) {
    %c0_i32 = arith.constant 0 : i32
    %c0_i32_0 = arith.constant 0 : i32
    return %arg0, %c0_i32 : i32, i32
  }
  func.func @transform_1(%arg0: i32) -> (i32, i32, i32) {
    %c0_i32 = arith.constant 0 : i32
    %c0_i32_0 = arith.constant 0 : i32
    %c0_i32_1 = arith.constant 0 : i32
    return %c0_i32, %arg0, %c0_i32_0 : i32, i32, i32
  }
  func.func @transform_2(%arg0: i32) -> (i32, i32, i32) {
    %c0_i32 = arith.constant 0 : i32
    %c0_i32_0 = arith.constant 0 : i32
    %c0_i32_1 = arith.constant 0 : i32
    return %c0_i32, %arg0, %c0_i32_0 : i32, i32, i32
  }
  func.func @transform_3(%arg0: i32) -> (i32, i32) {
    %c0_i32 = arith.constant 0 : i32
    %c0_i32_0 = arith.constant 0 : i32
    %c0_i32_1 = arith.constant 0 : i32
    return %c0_i32, %c0_i32_0 : i32, i32
  }
  func.func @transform_4(%arg0: i32) -> (i32, i32) {
    %c0_i32 = arith.constant 0 : i32
    %c0_i32_0 = arith.constant 0 : i32
    return %arg0, %c0_i32 : i32, i32
  }
}

</mosaic_0001>

<sc_bundles>
// kernel: kernel.11.cloned.1.call-start
scs
__scs_entry_jumppad:
0x0: {  	(pc) =	sbr.rel $0x88, $3  }
0x1: {  	(tag) =	ssettag $0x0;
	lr =	simm.s32 $0x1  }
0x2: {  	[smem:$0x3F99] =	sst lr;
	_ =	strace $0xD0000000  }
0x3: {  	_ = 	snop  }
0x4: {  	_ = 	snop  }
0x5: {  	_ = 	snop  }
0x6: {  	_ = 	snop  }
0x7: {  	_ = 	snop  }
__scs_overlays_trampoline_lowered:
0x8: {  	[smem:$0x3FA8] =	sst s0  }
0x9: {  	[smem:$0x3FA9] =	sst s1  }
0xa: {  	[smem:$0x3FAA] =	sst s2  }
0xb: {  	[smem:$0x3FAB] =	sst s3  }
0xc: {  	[smem:$0x3FAC] =	sst s4  }
0xd: {  	[smem:$0x3FAD] =	sst s5  }
0xe: {  	[smem:$0x3FAE] =	sst s6  }
0xf: {  	[smem:$0x3FAF] =	sst s7  }
0x10: {  	[smem:$0x3FB0] =	sst s8  }
0x11: {  	[smem:$0x3FB1] =	sst s9;
	s0 =	simm.s32 @!p0 $0x0  }
0x12: {  	s1 =	sld [smem:$0x3F97];
	s0 =	simm.s32 @p0 $0x1  }
0x13: {  	[smem:$0x3FB2] =	sst s0;
	s0 =	simm.s32 @!p1 $0x0  }
0x14: {  	s2 =	sld [smem:$0x3F96];
	s0 =	simm.s32 @p1 $0x1  }
0x15: {  	[smem:$0x3FB3] =	sst s0;
	s0 =	simm.s32 @!p2 $0x0  }
0x16: {  	s3 =	sld [smem:$0x3FDB];
	s0 =	simm.s32 @p2 $0x1  }
0x17: {  	s4 =	simm.s32 $0x1BF5;
	[smem:$0x3FB5] =	sst s0  }
0x18: {  	s0 =	sld [smem:$0x3F98];
	_ =	swait.ge [sflag:s4], $0x0  }
0x19: {  	s7 =	sld [smem:$0x3F99]  }
0x1a: {  	s8 =	sadd.s32 $0xFFFFE003, lr  }
0x1b: {  	s9 =	sadd.s32 $0xFFFFFEF7, lr;
	s5 =	simm.s32 $0xFFFFFFFF;
	p2 =	slt.u32 s8, $0xFFFFF086  }
0x1c: {  	p1 =	slt.u32 s9, $0xF7A;
	s5 =	simm.s32 @!p2 $0x0  }
0x1d: {  	s5 =	simm.s32 @p1 $0x1;
	p0 =	seq.s32 s7, s2  }
0x1e: {  	s7 =	smul.u32 @!p0 $0xF7A, s2;
	p2 =	seq.s32 @!p0 s5, $0x0  }
0x1f: {  	s9 =	smul.u32 $0xF7A, s1;
	s8 =	simm.s32 @!p0 $0x1BF5;
	p2 =	por !p2, p0  }
0x20: {  	[sflag:s8] =	ssyncset.s32 @!p0 $0xFFFFF086;
	s6 =	sadd.s32 @!p0 s3, s7;
	s7 =	simm.s32 @!p0 $0x108  }
0x21: {  	s3 =	sadd.s32 s3, s9;
	s6 =	sadd.s32 @!p0 $0x88, s6;
	s7 =	simm.s32 @p2 $0x1082  }
0x22: {  	[simem:s7], [sflag:s8] =	dma.local @!p0 [hbm:s6], $0xF7A  }
0x23: {  	s9 =	sor.u32 $0xD0000000, s2;
	s6 =	simm.s32 $0x108;
	_ =	swait.ge @!p0 [sflag:s8], $0x0  }
0x24: {  	s3 =	sadd.s32 $0x88, s3;
	s6 =	simm.s32 @!p1 $0x1082;
	[sflag:s4] =	ssyncset.s32 $0xFFFFF086  }
0x25: {  	[simem:s6], [sflag:s4] =	dma.local [hbm:s3], $0xF7A  }
0x26: {  	[smem:$0x3F99] =	sst s1;
	(tag) =	ssettag s2;
	_ =	strace s9  }
0x27: {  	s1 =	sld [smem:$0x3FA9]  }
0x28: {  	s2 =	sld [smem:$0x3FAA]  }
0x29: {  	s4 =	sld [smem:$0x3FAC]  }
0x2a: {  	p0 =	seq.s32 s5, $0x0;
	s5 =	sld [smem:$0x3FAD]  }
0x2b: {  	s6 =	sld [smem:$0x3FAE]  }
0x2c: {  	s7 =	sld [smem:$0x3FAF]  }
0x2d: {  	s3 =	simm.s32 $0x108;
	s8 =	sld [smem:$0x3FB0]  }
0x2e: {  	s3 =	simm.s32 @!p0 $0x1082;
	s9 =	sld [smem:$0x3FB1]  }
0x2f: {  	lr =	sadd.s32 s0, s3;
	s0 =	sld [smem:$0x3FA8]  }
0x30: {  	s3 =	sld [smem:$0x3FAB]  }
0x31: {  	[smem:$0x3FB4] =	sst s10  }
0x32: {  	s10 =	sld [smem:$0x3FB2];
	_ =	sdelay $0x3  }
0x33: {  	p0 =	seq.s32 s10, $0x1;
	s10 =	sld [smem:$0x3FB4];
	_ =	sdelay $0x3  }
0x34: {  	[smem:$0x3FB4] =	sst s10  }
0x35: {  	s10 =	sld [smem:$0x3FB3];
	_ =	sdelay $0x3  }
0x36: {  	p1 =	seq.s32 s10, $0x1;
	s10 =	sld [smem:$0x3FB4];
	_ =	sdelay $0x3  }
0x37: {  	[smem:$0x3FB4] =	sst s10  }
0x38: {  	s10 =	sld [smem:$0x3FB5]  }
0x39: {  	_ = 	snop;
	(pc) =	sbr.ind lr, $3  }
0x3a: {  	_ = 	snop  }
0x3b: {  	_ = 	snop  }
0x3c: {  	p2 =	seq.s32 s10, $0x1;
	s10 =	sld [smem:$0x3FB4]  }
0x3d: {  	_ =	shalt  }
0x3e: {  	_ =	shalt  }
0x3f: {  	_ =	shalt  }
0x40: {  	_ =	shalt  }
0x41: {  	_ =	shalt  }
0x42: {  	_ =	shalt  }
0x43: {  	_ =	shalt  }
0x44: {  	_ =	shalt  }
0x45: {  	_ =	shalt  }
0x46: {  	_ =	shalt  }
0x47: {  	_ =	shalt  }
0x48: {  	_ =	shalt  }
0x49: {  	_ =	shalt  }
0x4a: {  	_ =	shalt  }
0x4b: {  	_ =	shalt  }
0x4c: {  	_ =	shalt  }
0x4d: {  	_ =	shalt  }
0x4e: {  	_ =	shalt  }
0x4f: {  	_ =	shalt  }
0x50: {  	_ =	shalt  }
0x51: {  	_ =	shalt  }
0x52: {  	_ =	shalt  }
0x53: {  	_ =	shalt  }
0x54: {  	_ =	shalt  }
0x55: {  	_ =	shalt  }
0x56: {  	_ =	shalt  }
0x57: {  	_ =	shalt  }
0x58: {  	_ =	shalt  }
0x59: {  	_ =	shalt  }
0x5a: {  	_ =	shalt  }
0x5b: {  	_ =	shalt  }
0x5c: {  	_ =	shalt  }
0x5d: {  	_ =	shalt  }
0x5e: {  	_ =	shalt  }
0x5f: {  	_ =	shalt  }
0x60: {  	_ =	shalt  }
0x61: {  	_ =	shalt  }
0x62: {  	_ =	shalt  }
0x63: {  	_ =	shalt  }
0x64: {  	_ =	shalt  }
0x65: {  	_ =	shalt  }
0x66: {  	_ =	shalt  }
0x67: {  	_ =	shalt  }
0x68: {  	_ =	shalt  }
0x69: {  	_ =	shalt  }
0x6a: {  	_ =	shalt  }
0x6b: {  	_ =	shalt  }
0x6c: {  	_ =	shalt  }
0x6d: {  	_ =	shalt  }
0x6e: {  	_ =	shalt  }
0x6f: {  	_ =	shalt  }
0x70: {  	_ =	shalt  }
0x71: {  	_ =	shalt  }
0x72: {  	_ =	shalt  }
0x73: {  	_ =	shalt  }
0x74: {  	_ =	shalt  }
0x75: {  	_ =	shalt  }
0x76: {  	_ =	shalt  }
0x77: {  	_ =	shalt  }
0x78: {  	_ =	shalt  }
0x79: {  	_ =	shalt  }
0x7a: {  	_ =	shalt  }
0x7b: {  	_ =	shalt  }
0x7c: {  	_ =	shalt  }
0x7d: {  	_ =	shalt  }
0x7e: {  	_ =	shalt  }
0x7f: {  	_ =	shalt  }
0x80: {  	_ =	shalt  }
0x81: {  	_ =	shalt  }
0x82: {  	_ =	shalt  }
0x83: {  	_ =	shalt  }
0x84: {  	_ =	shalt  }
0x85: {  	_ =	shalt  }
0x86: {  	_ =	shalt  }
0x87: {  	_ =	shalt  }
.Lfunc_end0:
.L_simem_size_0:
called_computation.1_lowered:
.L_overlay_start_0:
0x88: {  	s2 =	sld [smem:$0x3FD9]  }
0x89: {  	s3 =	sld [smem:$0x3FFE];
	_ =	sdelay $0x1  }
0x8a: {  	s1 =	srdreg.scid  }
0x8b: {  	s0 =	sand.u32 $0x1, s1  }
0x8c: {  	s17 =	sshll.u32 s0, $0xA;
	s2 =	sadd.s32 s3, s2  }
0x8d: {  	s2 =	sadd.s32 s2, s17  }
0x8e: {  	[smem:$0x3FC0] =	sst s2  }
0x8f: {  	_ = 	snop  }
0x90: {  	s2 =	sld [smem:$0x3FD0];
	(tm) =	ssettm $0x1  }
0x91: {  	s18 =	sld [smem:$0x3FFB];
	_ =	sdelay $0x3  }
0x92: {  	_ =	strace s18  }
0x93: {  	s3 =	sld [smem:$0x3FFC];
	_ =	sdelay $0x3  }
0x94: {  	_ =	strace s3  }
0x95: {  	s3 =	sld [smem:$0x3FFD];
	_ =	sdelay $0x3  }
0x96: {  	_ =	strace s3  }
0x97: {  	_ =	strace $0x8FFFFFFF  }
0x98: {  	s19 =	sld [smem:$0x3FDB];
	_ =	sdelay $0x1  }
0x99: {  	s4 =	simm.s32 $_scs_section_size  }
0x9a: {  	s5 =	simm.s32 $_size__tile_overlayer_lowered;
	s6 =	simm.s32 $_tile_overlayer_lowered  }
0x9b: {  	s22 =	simm.s32 $0x1BFF;
	s21 =	sshll.u32 s6, $0x1;
	s3 =	sadd.s32 s4, s19  }
0x9c: {  	s7 =	simm.s32 $0x0;
	s20 =	sshll.u32 s5, $0x1;
	s5 =	sadd.s32 s21, s3  }
0x9d: {  	[timem:s7], [sflag:s22] =	dma.local [hbm:s5], s20  }
0x9e: {  	_ =	swait.ge [sflag:s22], s20  }
0x9f: {  	s4 =	ssub.s32 $0x0, s20;
	[sflag:s22] =	ssyncset.done $0x0  }
0xa0: {  	[sflag:s22] =	ssyncadd.s32 s4;
	_ =	sdelay $0x1  }
0xa1: {  	s23 =	simm.s32 $0x1B8B  }
0xa2: {  	_ =	swait.ge [sflag:s23], $0x1  }
0xa3: {  	[sflag:s23] =	ssyncset.done $0x0  }
0xa4: {  	s25 =	simm.s32 $0x1B8E;
	s24 =	sld [smem:$0x3FFE];
	[sflag:s23] =	ssyncadd.s32 $0xFFFFFFFF  }
0xa5: {  	s26 =	simm.s32 $execute0_lowered;
	[smem:$0x3FD2] =	sst s25  }
0xa6: {  	s5 =	sshll.u32 s26, $0x1;
	_ =	strace $0x80000046;
	[dreg:$0x1] =	wrdreg $0xFFFFFFFF  }
0xa7: {  	s28 =	simm.s32 $_size_execute0_lowered;
	s3 =	sadd.s32 s3, s5;
	[dreg:$0x0] =	wrdreg $0x0  }
0xa8: {  	s5 =	sshll.u32 s28, $0x1;
	[dreg:$0x2] =	wrdreg s3  }
0xa9: {  	[dreg:$0x3] =	wrdreg s5  }
0xaa: {  	[dreg:$0x4] =	wrdreg $0xC0  }
0xab: {  	_ =	task [dreg:s7], $0x5FFFF  }
0xac: {  	[dreg:$0x1] =	wrdreg $0xFFFFFFFF  }
0xad: {  	[dreg:$0x0] =	wrdreg $0x60  }
0xae: {  	[dreg:$0x2] =	wrdreg s2  }
0xaf: {  	[dreg:$0x3] =	wrdreg s24  }
0xb0: {  	[dreg:$0x4] =	wrdreg $0xA8000  }
0xb1: {  	[dreg:$0x5] =	wrdreg $0xA  }
0xb2: {  	_ =	task.clear_ibuf [dreg:s7], $0x6FFFF;
	_ =	strace $0x90000046  }
0xb3: {  	s29 =	simm.s32 $0xA;
	_ =	strace $0x80000048  }
0xb4: {  	_ =	swait.ge [sflag:s29], $0x1  }
0xb5: {  	[sflag:s29] =	ssyncadd.s32 $0xFFFFFFFF  }
0xb6: {  	_ =	strace $0x90000048  }
0xb7: {  	_ =	sfence  }
0xb8: {  	s30 =	sld [smem:$0x0];
	_ =	sdelay $0x2  }
0xb9: {  	s31 =	sshll.u32 s1, $0xD;
	s1 =	sshrl.u32 s1, $0x2  }
0xba: {  	s3 =	sand.u32 $0x4000, s31;
	s1 =	sadd.s32 s1, s30  }
0xbb: {  	s0 =	sor.u32 s3, s0;
	s1 =	sshll.u32 s1, $0x11  }
0xbc: {  	s0 =	sor.u32 s1, s0  }
0xbd: {  	s0 =	sadd.s32 $0x8F2B, s0  }
0xbe: {  	[sflag:s0] =	ssyncadd.remote.s32 $0x1  }
0xbf: {  	_ =	sfence.sel $0xFFFF  }
0xc0: {  	[dreg:$0x0] =	wrdreg $0xFFFFFFFF;
	(pc) =	sbr.abs _section_cstart, $3  }
0xc1: {  	[dreg:$0x1] =	wrdreg $0xFFFFFFFF  }
0xc2: {  	_ =	task.clear_ibuf [dreg:s7], $0x2FFFF;
	_ =	strace $0x9FFFFFFF  }
0xc3: {  	(tm) =	ssettm $0x7FFFFFFF  }
tec
execute0_lowered:
.L_overlay_start_1:
0x0: {  	(tag) =	ssettag $0x1  }
0x1: {  	s1 =	rddreg [dreg:$0x0]  }
0x2: {  	s6 =	rddreg [dreg:$0x1]  }
0x3: {  	s3 =	rddreg [dreg:$0x2]  }
0x4: {  	s0 =	rddreg [dreg:$0x3];
	s5 =	srdreg.scid  }
0x5: {  	s2 =	stileid.u32;
	s4 =	simm.s32 $0x0;
	s17 =	simm.s32 $0x2800  }
0x6: {  	s18 =	simm.s32 $0x3;
	s19 =	simm.s32 $0x1400;
	s20 =	simm.s32 $0x80  }
0x7: {  	s21 =	simm.s32 $0x6800;
	s22 =	simm.s32 $0x1;
	s23 =	simm.s32 $0x2  }
0x8: {  	s24 =	simm.s32 $0x2700;
	s7 =	sand.u32 $0x1, s5;
	s8 =	smul.u32 $0x280, s2  }
0x9: {  	[smem:$0x7FF] =	sst s4;
	s11 =	sadd.s32 $0x1E00, s6;
	s12 =	sadd.s32 $0xBE00, s6  }
0xa: {  	s5 =	sadd.s32 $0x15E00, s6;
	s25 =	sshll.u32 s2, $0x1;
	s26 =	smul.u32 $0x50000, s2  }
0xb: {  	s9 =	smul.u32 $0x2800, s7;
	s10 =	ssub.s32 $0x2, s7;
	s7 =	sor.u32 s7, s25  }
0xc: {  	_ =	strace $0x80000047;
	s25 =	simm.s32 $0x2780;
	s14 =	smul.u32 $0x2800, s7  }
0xd: {  	s13 =	sshrl.u32 s10, $0x1;
	s28 =	sshrl.u32 s26, $0x2;
	s29 =	smul.u32 $0x500, s7  }
0xe: {  	s26 =	simm.s32 $0x0;
	s8 =	sadd.s32 s8, s9;
	s16 =	ssub.s32 s10, s13  }
0xf: {  	s8 =	sshll.u32 s8, $0x4;
	s30 =	sshrl.u32 s14, $0x3;
	s9 =	sadd.s32 s11, s29  }
0x10: {  	s10 =	sadd.s32 s12, s29;
	s15 =	sadd.s32 s8, s6;
	s6 =	sadd.s32 s28, s3  }
0x11: {  	s16 =	smax.u32 s16, $0x1;
	s31 =	sadd.s32 $0x280, s30;
	s7 =	sadd.s32 $0x8000, s6  }
0x12: {  	s8 =	sadd.s32 $0x10000, s6;
	s11 =	sadd.s32 s11, s31;
	s12 =	sadd.s32 s12, s31  }
0x13: {  	s13 =	sadd.s32 $0x16E00, s15;
	s14 =	sadd.s32 $0x17E00, s15;
	s15 =	sadd.s32 $0x18E00, s15  }
.LBB2_1:
0x14: {  	[tilespmem:s17], [sflag:$0x3] =	stream.linear.gather [hbm4b:s5+s4], $0x8000, $0x38;
	[tilespmem:$0x1E800] =	vst v63  }
0x15: {  	_ =	swait.ge [sflag:s18], $0x8000  }
0x16: {  	[sflag:s18] =	ssyncset.done $0x0  }
0x17: {  	[sflag:s18] =	ssyncadd.s32 $0xFFFF8000  }
0x18: {  	[spmem:s6] =	stream.linear.scatter [tilespmem:s17], [sflag:$0x3], $0x8000, $0x38;
	[tilespmem:$0x1E800] =	vst v63  }
0x19: {  	_ =	swait.ge [sflag:s18], $0x8000  }
0x1a: {  	[sflag:s18] =	ssyncset.done $0x0  }
0x1b: {  	[sflag:s18] =	ssyncadd.s32 $0xFFFF8000  }
0x1c: {  	[spmem:s7] =	stream.linear.scatter [tilespmem:s17], [sflag:$0x3], $0x8000, $0x38;
	[tilespmem:$0x1E800] =	vst v63  }
0x1d: {  	_ =	swait.ge [sflag:s18], $0x8000  }
0x1e: {  	[sflag:s18] =	ssyncset.done $0x0  }
0x1f: {  	[sflag:s18] =	ssyncadd.s32 $0xFFFF8000  }
0x20: {  	[spmem:s8] =	stream.linear.scatter [tilespmem:s17], [sflag:$0x3], $0x4000, $0x38;
	[tilespmem:$0x1E800] =	vst v63  }
0x21: {  	_ =	swait.ge [sflag:s18], $0x4000  }
0x22: {  	[sflag:s18] =	ssyncset.done $0x0  }
0x23: {  	[sflag:s18] =	ssyncadd.s32 $0xFFFFC000  }
0x24: {  	[bflag:$0x0] =	sbarrier.arrive $0xFFFF  }
0x25: {  	[tilespmem:s4], [sflag:$0x3] =	stream.linear.gather [hbm4b:s9+s4], $0x1400, $0x38;
	[tilespmem:$0x1E800] =	vst v63  }
0x26: {  	_ =	swait.ge [sflag:s18], $0x1400  }
0x27: {  	[sflag:s18] =	ssyncset.done $0x0  }
0x28: {  	[sflag:s18] =	ssyncadd.s32 $0xFFFFEC00  }
0x29: {  	[tilespmem:s19], [sflag:$0x3] =	stream.linear.gather [hbm4b:s10+s4], $0x1400, $0x38;
	[tilespmem:$0x1E800] =	vst v63  }
0x2a: {  	_ =	swait.ge [sflag:s18], $0x1400  }
0x2b: {  	[sflag:s18] =	ssyncset.done $0x0  }
0x2c: {  	[sflag:s18] =	ssyncadd.s32 $0xFFFFEC00  }
0x2d: {  	[tilespmem:s17], [sflag:$0x1] =	stream.indirect.gather [hbm4b:s1+s20], $0x80, s4, s20, $0xb8;
	[tilespmem:$0x1E800] =	vst v63  }
0x2e: {  	_ = 	snop  }
0x2f: {  	[tilespmem:s21], [sflag:$0x2] =	stream.indirect.gather [hbm4b:s1+s20], $0x80, s20, s20, $0xb8;
	[tilespmem:$0x1E800] =	vst v63  }
0x30: {  	_ =	swait.ge [sflag:s22], $0x4000  }
0x31: {  	[sflag:s22] =	ssyncset.done $0x0  }
0x32: {  	s28 =	simm.s32 $0x1400;
	[sflag:s22] =	ssyncadd.s32 $0xFFFFC000  }
0x33: {  	[spmem:s3] =	stream.indirect.scatter.add.f32 [tilespmem:s17], [sflag:$0x3], $0x80, s28, s20, $0xb8;
	[tilespmem:$0x1E800] =	vst v63  }
0x34: {  	_ =	swait.ge [sflag:s18], $0x4000  }
0x35: {  	[sflag:s18] =	ssyncset.done $0x0  }
0x36: {  	s28 =	simm.s32 $0x100;
	[sflag:s18] =	ssyncadd.s32 $0xFFFFC000  }
0x37: {  	[tilespmem:s17], [sflag:$0x1] =	stream.indirect.gather [hbm4b:s1+s20], $0x80, s28, s20, $0xb8;
	[tilespmem:$0x1E800] =	vst v63  }
0x38: {  	_ =	swait.ge [sflag:s23], $0x4000  }
0x39: {  	[sflag:s23] =	ssyncset.done $0x0  }
0x3a: {  	s28 =	simm.s32 $0x1480;
	[sflag:s23] =	ssyncadd.s32 $0xFFFFC000  }
0x3b: {  	[spmem:s3] =	stream.indirect.scatter.add.f32 [tilespmem:s21], [sflag:$0x3], $0x80, s28, s20, $0xb8;
	[tilespmem:$0x1E800] =	vst v63  }
0x3c: {  	_ =	swait.ge [sflag:s18], $0x4000  }
0x3d: {  	[sflag:s18] =	ssyncset.done $0x0  }
0x3e: {  	s29 =	simm.s32 $0x180;
	s28 =	simm.s32 $0x400;
	[sflag:s18] =	ssyncadd.s32 $0xFFFFC000  }
.LBB2_2:
0x3f: {  	[tilespmem:s21], [sflag:$0x2] =	stream.indirect.gather [hbm4b:s1+s20], $0x80, s29, s20, $0xb8;
	[tilespmem:$0x1E800] =	vst v63  }
0x40: {  	s29 =	smov.u32 s28  }
0x41: {  	p0 =	sne.s32 s28, $0x4800;
	s28 =	sadd.s32 $0x400, s28;
	_ =	swait.ge [sflag:s22], $0x4000  }
0x42: {  	s29 =	sshra.s32 s29, $0x2;
	[sflag:s22] =	ssyncset.done $0x0  }
0x43: {  	s30 =	sadd.s32 $0x1400, s29;
	[sflag:s22] =	ssyncadd.s32 $0xFFFFC000  }
0x44: {  	[spmem:s3] =	stream.indirect.scatter.add.f32 [tilespmem:s17], [sflag:$0x3], $0x80, s30, s20, $0xb8;
	[tilespmem:$0x1E800] =	vst v63  }
0x45: {  	_ =	swait.ge [sflag:s18], $0x4000  }
0x46: {  	[sflag:s18] =	ssyncset.done $0x0  }
0x47: {  	s30 =	sadd.s32 $0x100, s29;
	[sflag:s18] =	ssyncadd.s32 $0xFFFFC000  }
0x48: {  	[tilespmem:s17], [sflag:$0x1] =	stream.indirect.gather [hbm4b:s1+s20], $0x80, s30, s20, $0xb8;
	[tilespmem:$0x1E800] =	vst v63  }
0x49: {  	_ =	swait.ge [sflag:s23], $0x4000  }
0x4a: {  	[sflag:s23] =	ssyncset.done $0x0  }
.Ltmp0:
0x4b: {  	s30 =	sadd.s32 $0x1480, s29;
	[sflag:s23] =	ssyncadd.s32 $0xFFFFC000;
	(pc) =	sbr.rel @p0 .LBB2_2-.Ltmp0, $4  }
0x4c: {  	[spmem:s3] =	stream.indirect.scatter.add.f32 [tilespmem:s21], [sflag:$0x3], $0x80, s30, s20, $0xb8;
	[tilespmem:$0x1E800] =	vst v63  }
0x4d: {  	_ =	swait.ge [sflag:s18], $0x4000  }
0x4e: {  	[sflag:s18] =	ssyncset.done $0x0  }
0x4f: {  	s29 =	sadd.s32 $0x180, s29;
	[sflag:s18] =	ssyncadd.s32 $0xFFFFC000  }
0x50: {  	[tilespmem:s21], [sflag:$0x2] =	stream.indirect.gather [hbm4b:s1+s20], $0x80, s29, s20, $0xb8;
	[tilespmem:$0x1E800] =	vst v63  }
0x51: {  	_ =	swait.ge [sflag:s22], $0x4000  }
0x52: {  	[sflag:s22] =	ssyncset.done $0x0  }
0x53: {  	[sflag:s22] =	ssyncadd.s32 $0xFFFFC000  }
0x54: {  	[spmem:s3] =	stream.indirect.scatter.add.f32 [tilespmem:s17], [sflag:$0x3], $0x80, s24, s20, $0xb8;
	[tilespmem:$0x1E800] =	vst v63  }
0x55: {  	_ =	swait.ge [sflag:s18], $0x4000  }
0x56: {  	[sflag:s18] =	ssyncset.done $0x0  }
0x57: {  	[sflag:s18] =	ssyncadd.s32 $0xFFFFC000  }
0x58: {  	_ =	swait.ge [sflag:s23], $0x4000  }
0x59: {  	[sflag:s23] =	ssyncset.done $0x0  }
0x5a: {  	[sflag:s23] =	ssyncadd.s32 $0xFFFFC000  }
0x5b: {  	[spmem:s3] =	stream.indirect.scatter.add.f32 [tilespmem:s21], [sflag:$0x3], $0x80, s25, s20, $0xb8;
	[tilespmem:$0x1E800] =	vst v63  }
0x5c: {  	_ =	swait.ge [sflag:s18], $0x4000  }
0x5d: {  	[sflag:s18] =	ssyncset.done $0x0  }
0x5e: {  	s28 =	simm.s32 $0x0;
	[sflag:s18] =	ssyncadd.s32 $0xFFFFC000  }
0x5f: {  	[tilespmem:s28], [sflag:$0x3] =	stream.linear.gather [hbm4b:s11+s28], $0x1400, $0x38;
	[tilespmem:$0x1E800] =	vst v63  }
0x60: {  	_ =	swait.ge [sflag:s18], $0x1400  }
0x61: {  	[sflag:s18] =	ssyncset.done $0x0  }
0x62: {  	[sflag:s18] =	ssyncadd.s32 $0xFFFFEC00  }
0x63: {  	[tilespmem:s19], [sflag:$0x3] =	stream.linear.gather [hbm4b:s12+s28], $0x1400, $0x38;
	[tilespmem:$0x1E800] =	vst v63  }
0x64: {  	_ =	swait.ge [sflag:s18], $0x1400  }
0x65: {  	[sflag:s18] =	ssyncset.done $0x0  }
0x66: {  	[sflag:s18] =	ssyncadd.s32 $0xFFFFEC00  }
0x67: {  	[tilespmem:s17], [sflag:$0x1] =	stream.indirect.gather [hbm4b:s1+s20], $0x80, s28, s20, $0xb8;
	[tilespmem:$0x1E800] =	vst v63  }
0x68: {  	_ = 	snop  }
0x69: {  	[tilespmem:s21], [sflag:$0x2] =	stream.indirect.gather [hbm4b:s1+s20], $0x80, s20, s20, $0xb8;
	[tilespmem:$0x1E800] =	vst v63  }
0x6a: {  	_ =	swait.ge [sflag:s22], $0x4000  }
0x6b: {  	[sflag:s22] =	ssyncset.done $0x0  }
0x6c: {  	s28 =	simm.s32 $0x1400;
	[sflag:s22] =	ssyncadd.s32 $0xFFFFC000  }
0x6d: {  	[spmem:s3] =	stream.indirect.scatter.add.f32 [tilespmem:s17], [sflag:$0x3], $0x80, s28, s20, $0xb8;
	[tilespmem:$0x1E800] =	vst v63  }
0x6e: {  	_ =	swait.ge [sflag:s18], $0x4000  }
0x6f: {  	[sflag:s18] =	ssyncset.done $0x0  }
0x70: {  	s28 =	simm.s32 $0x100;
	[sflag:s18] =	ssyncadd.s32 $0xFFFFC000  }
0x71: {  	[tilespmem:s17], [sflag:$0x1] =	stream.indirect.gather [hbm4b:s1+s20], $0x80, s28, s20, $0xb8;
	[tilespmem:$0x1E800] =	vst v63  }
0x72: {  	_ =	swait.ge [sflag:s23], $0x4000  }
0x73: {  	[sflag:s23] =	ssyncset.done $0x0  }
0x74: {  	s28 =	simm.s32 $0x1480;
	[sflag:s23] =	ssyncadd.s32 $0xFFFFC000  }
0x75: {  	[spmem:s3] =	stream.indirect.scatter.add.f32 [tilespmem:s21], [sflag:$0x3], $0x80, s28, s20, $0xb8;
	[tilespmem:$0x1E800] =	vst v63  }
0x76: {  	_ =	swait.ge [sflag:s18], $0x4000  }
0x77: {  	[sflag:s18] =	ssyncset.done $0x0  }
0x78: {  	s29 =	simm.s32 $0x180;
	s28 =	simm.s32 $0x400;
	[sflag:s18] =	ssyncadd.s32 $0xFFFFC000  }
.LBB2_4:
0x79: {  	[tilespmem:s21], [sflag:$0x2] =	stream.indirect.gather [hbm4b:s1+s20], $0x80, s29, s20, $0xb8;
	[tilespmem:$0x1E800] =	vst v63  }
0x7a: {  	s29 =	smov.u32 s28  }
0x7b: {  	p0 =	sne.s32 s28, $0x4800;
	s28 =	sadd.s32 $0x400, s28;
	_ =	swait.ge [sflag:s22], $0x4000  }
0x7c: {  	s29 =	sshra.s32 s29, $0x2;
	[sflag:s22] =	ssyncset.done $0x0  }
0x7d: {  	s30 =	sadd.s32 $0x1400, s29;
	[sflag:s22] =	ssyncadd.s32 $0xFFFFC000  }
0x7e: {  	[spmem:s3] =	stream.indirect.scatter.add.f32 [tilespmem:s17], [sflag:$0x3], $0x80, s30, s20, $0xb8;
	[tilespmem:$0x1E800] =	vst v63  }
0x7f: {  	_ =	swait.ge [sflag:s18], $0x4000  }
0x80: {  	[sflag:s18] =	ssyncset.done $0x0  }
0x81: {  	s30 =	sadd.s32 $0x100, s29;
	[sflag:s18] =	ssyncadd.s32 $0xFFFFC000  }
0x82: {  	[tilespmem:s17], [sflag:$0x1] =	stream.indirect.gather [hbm4b:s1+s20], $0x80, s30, s20, $0xb8;
	[tilespmem:$0x1E800] =	vst v63  }
0x83: {  	_ =	swait.ge [sflag:s23], $0x4000  }
0x84: {  	[sflag:s23] =	ssyncset.done $0x0  }
.Ltmp1:
0x85: {  	s30 =	sadd.s32 $0x1480, s29;
	[sflag:s23] =	ssyncadd.s32 $0xFFFFC000;
	(pc) =	sbr.rel @p0 .LBB2_4-.Ltmp1, $4  }
0x86: {  	[spmem:s3] =	stream.indirect.scatter.add.f32 [tilespmem:s21], [sflag:$0x3], $0x80, s30, s20, $0xb8;
	[tilespmem:$0x1E800] =	vst v63  }
0x87: {  	_ =	swait.ge [sflag:s18], $0x4000  }
0x88: {  	[sflag:s18] =	ssyncset.done $0x0  }
0x89: {  	s29 =	sadd.s32 $0x180, s29;
	[sflag:s18] =	ssyncadd.s32 $0xFFFFC000  }
0x8a: {  	[tilespmem:s21], [sflag:$0x2] =	stream.indirect.gather [hbm4b:s1+s20], $0x80, s29, s20, $0xb8;
	[tilespmem:$0x1E800] =	vst v63  }
0x8b: {  	_ =	swait.ge [sflag:s22], $0x4000  }
0x8c: {  	[sflag:s22] =	ssyncset.done $0x0  }
0x8d: {  	[sflag:s22] =	ssyncadd.s32 $0xFFFFC000  }
0x8e: {  	[spmem:s3] =	stream.indirect.scatter.add.f32 [tilespmem:s17], [sflag:$0x3], $0x80, s24, s20, $0xb8;
	[tilespmem:$0x1E800] =	vst v63  }
0x8f: {  	_ =	swait.ge [sflag:s18], $0x4000  }
0x90: {  	[sflag:s18] =	ssyncset.done $0x0  }
0x91: {  	[sflag:s18] =	ssyncadd.s32 $0xFFFFC000  }
0x92: {  	_ =	swait.ge [sflag:s23], $0x4000  }
0x93: {  	[sflag:s23] =	ssyncset.done $0x0  }
0x94: {  	[sflag:s23] =	ssyncadd.s32 $0xFFFFC000  }
0x95: {  	[spmem:s3] =	stream.indirect.scatter.add.f32 [tilespmem:s21], [sflag:$0x3], $0x80, s25, s20, $0xb8;
	[tilespmem:$0x1E800] =	vst v63  }
0x96: {  	_ =	swait.ge [sflag:s18], $0x4000  }
0x97: {  	[sflag:s18] =	ssyncset.done $0x0  }
0x98: {  	[sflag:s18] =	ssyncadd.s32 $0xFFFFC000  }
0x99: {  	[bflag:$0x0] =	sbarrier.arrive $0xFFFF  }
0x9a: {  	[tilespmem:s17], [sflag:$0x3] =	stream.linear.gather [spmem:s6], $0x8000, $0x38;
	[tilespmem:$0x1E800] =	vst v63  }
0x9b: {  	_ =	swait.ge [sflag:s18], $0x8000  }
0x9c: {  	[sflag:s18] =	ssyncset.done $0x0  }
0x9d: {  	[sflag:s18] =	ssyncadd.s32 $0xFFFF8000  }
0x9e: {  	[hbm4b:s13+s4] =	stream.linear.scatter [tilespmem:s17], [sflag:$0x3], $0x8000, $0x38;
	[tilespmem:$0x1E800] =	vst v63  }
0x9f: {  	_ =	swait.ge [sflag:s18], $0x8000  }
0xa0: {  	[sflag:s18] =	ssyncset.done $0x0  }
0xa1: {  	[sflag:s18] =	ssyncadd.s32 $0xFFFF8000  }
0xa2: {  	[tilespmem:s17], [sflag:$0x3] =	stream.linear.gather [spmem:s7], $0x8000, $0x38;
	[tilespmem:$0x1E800] =	vst v63  }
0xa3: {  	_ =	swait.ge [sflag:s18], $0x8000  }
0xa4: {  	[sflag:s18] =	ssyncset.done $0x0  }
0xa5: {  	[sflag:s18] =	ssyncadd.s32 $0xFFFF8000  }
0xa6: {  	[hbm4b:s14+s4] =	stream.linear.scatter [tilespmem:s17], [sflag:$0x3], $0x8000, $0x38;
	[tilespmem:$0x1E800] =	vst v63  }
0xa7: {  	_ =	swait.ge [sflag:s18], $0x8000  }
0xa8: {  	[sflag:s18] =	ssyncset.done $0x0  }
0xa9: {  	[sflag:s18] =	ssyncadd.s32 $0xFFFF8000  }
0xaa: {  	[tilespmem:s17], [sflag:$0x3] =	stream.linear.gather [spmem:s8], $0x4000, $0x38;
	[tilespmem:$0x1E800] =	vst v63  }
0xab: {  	s26 =	sadd.s32 $0x1, s26;
	_ =	swait.ge [sflag:s18], $0x4000  }
0xac: {  	p0 =	sne.s32 s26, s16;
	[sflag:s18] =	ssyncset.done $0x0  }
.Ltmp2:
0xad: {  	[sflag:s18] =	ssyncadd.s32 $0xFFFFC000;
	(pc) =	sbr.rel @p0 .LBB2_1-.Ltmp2, $4  }
0xae: {  	[hbm4b:s15+s4] =	stream.linear.scatter [tilespmem:s17], [sflag:$0x3], $0x4000, $0x38;
	[tilespmem:$0x1E800] =	vst v63  }
0xaf: {  	_ =	swait.ge [sflag:s18], $0x4000  }
0xb0: {  	[sflag:s18] =	ssyncset.done $0x0  }
0xb1: {  	[sflag:s18] =	ssyncadd.s32 $0xFFFFC000  }
0xb2: {  	_ =	sfence.sel $0x180000  }
0xb3: {  	[bflag:$0x0] =	sbarrier.arrive $0xFFFF  }
0xb4: {  	p0 =	sne.s32 s2, $0x0;
	_ =	strace $0x90000047  }
0xb5: {  	s0 =	sadd.s32 @!p0 $0x100000, s0;
	[bflag:$0x2] =	sbarrier.arrive $0xFFFF  }
0xb6: {  	[sflag:s0] =	ssyncadd.tile.s32 @!p0 $0x1;
	_ =	shalt  }
.Lfunc_end2:
_tile_overlayer_lowered:
.L_overlay_start_2:
0xb7: {  	(tag) =	ssettag $0x2  }
0xb8: {  	s0 =	rddreg [dreg:$0x0];
	s2 =	stileid.u32  }
0xb9: {  	s1 =	rddreg [dreg:$0x1];
	p0 =	sne.s32 s2, $0x0  }
0xba: {  	s3 =	rddreg [dreg:$0x2];
	[bflag:$0x3] =	sbarrier.arrive $0xFFFF;
	s2 =	simm.s32 @!p0 $0x1C03  }
0xbb: {  	[timem:s3], [sflag:s2] =	dma.local @!p0 [hbm:s0], s1  }
0xbc: {  	s0 =	simm.s32 @!p0 $0x3  }
0xbd: {  	_ =	swait.ge @!p0 [sflag:s0], s1  }
0xbe: {  	s1 =	ssub.s32 @!p0 $0x0, s1;
	[sflag:s0] =	ssyncset.done @!p0 $0x0  }
0xbf: {  	[sflag:s0] =	ssyncadd.s32 @!p0 s1  }
0xc0: {  	[bflag:$0x3] =	sbarrier.arrive $0xFFFF  }
0xc1: {  	_ =	shalt  }

// kernel: kernel.14.cloned.1.call-start
scs
__scs_entry_jumppad:
0x0: {  	(pc) =	sbr.rel $0x88, $3  }
0x1: {  	(tag) =	ssettag $0x0;
	lr =	simm.s32 $0x1  }
0x2: {  	[smem:$0x3F99] =	sst lr;
	_ =	strace $0xD0000000  }
0x3: {  	_ = 	snop  }
0x4: {  	_ = 	snop  }
0x5: {  	_ = 	snop  }
0x6: {  	_ = 	snop  }
0x7: {  	_ = 	snop  }
__scs_overlays_trampoline_lowered:
0x8: {  	[smem:$0x3FA8] =	sst s0  }
0x9: {  	[smem:$0x3FA9] =	sst s1  }
0xa: {  	[smem:$0x3FAA] =	sst s2  }
0xb: {  	[smem:$0x3FAB] =	sst s3  }
0xc: {  	[smem:$0x3FAC] =	sst s4  }
0xd: {  	[smem:$0x3FAD] =	sst s5  }
0xe: {  	[smem:$0x3FAE] =	sst s6  }
0xf: {  	[smem:$0x3FAF] =	sst s7  }
0x10: {  	[smem:$0x3FB0] =	sst s8  }
0x11: {  	[smem:$0x3FB1] =	sst s9;
	s0 =	simm.s32 @!p0 $0x0  }
0x12: {  	s1 =	sld [smem:$0x3F97];
	s0 =	simm.s32 @p0 $0x1  }
0x13: {  	[smem:$0x3FB2] =	sst s0;
	s0 =	simm.s32 @!p1 $0x0  }
0x14: {  	s2 =	sld [smem:$0x3F96];
	s0 =	simm.s32 @p1 $0x1  }
0x15: {  	[smem:$0x3FB3] =	sst s0;
	s0 =	simm.s32 @!p2 $0x0  }
0x16: {  	s3 =	sld [smem:$0x3FDB];
	s0 =	simm.s32 @p2 $0x1  }
0x17: {  	s4 =	simm.s32 $0x1BF5;
	[smem:$0x3FB5] =	sst s0  }
0x18: {  	s0 =	sld [smem:$0x3F98];
	_ =	swait.ge [sflag:s4], $0x0  }
0x19: {  	s7 =	sld [smem:$0x3F99]  }
0x1a: {  	s8 =	sadd.s32 $0xFFFFE003, lr  }
0x1b: {  	s9 =	sadd.s32 $0xFFFFFEF7, lr;
	s5 =	simm.s32 $0xFFFFFFFF;
	p2 =	slt.u32 s8, $0xFFFFF086  }
0x1c: {  	p1 =	slt.u32 s9, $0xF7A;
	s5 =	simm.s32 @!p2 $0x0  }
0x1d: {  	s5 =	simm.s32 @p1 $0x1;
	p0 =	seq.s32 s7, s2  }
0x1e: {  	s7 =	smul.u32 @!p0 $0xF7A, s2;
	p2 =	seq.s32 @!p0 s5, $0x0  }
0x1f: {  	s9 =	smul.u32 $0xF7A, s1;
	s8 =	simm.s32 @!p0 $0x1BF5;
	p2 =	por !p2, p0  }
0x20: {  	[sflag:s8] =	ssyncset.s32 @!p0 $0xFFFFF086;
	s6 =	sadd.s32 @!p0 s3, s7;
	s7 =	simm.s32 @!p0 $0x108  }
0x21: {  	s3 =	sadd.s32 s3, s9;
	s6 =	sadd.s32 @!p0 $0x88, s6;
	s7 =	simm.s32 @p2 $0x1082  }
0x22: {  	[simem:s7], [sflag:s8] =	dma.local @!p0 [hbm:s6], $0xF7A  }
0x23: {  	s9 =	sor.u32 $0xD0000000, s2;
	s6 =	simm.s32 $0x108;
	_ =	swait.ge @!p0 [sflag:s8], $0x0  }
0x24: {  	s3 =	sadd.s32 $0x88, s3;
	s6 =	simm.s32 @!p1 $0x1082;
	[sflag:s4] =	ssyncset.s32 $0xFFFFF086  }
0x25: {  	[simem:s6], [sflag:s4] =	dma.local [hbm:s3], $0xF7A  }
0x26: {  	[smem:$0x3F99] =	sst s1;
	(tag) =	ssettag s2;
	_ =	strace s9  }
0x27: {  	s1 =	sld [smem:$0x3FA9]  }
0x28: {  	s2 =	sld [smem:$0x3FAA]  }
0x29: {  	s4 =	sld [smem:$0x3FAC]  }
0x2a: {  	p0 =	seq.s32 s5, $0x0;
	s5 =	sld [smem:$0x3FAD]  }
0x2b: {  	s6 =	sld [smem:$0x3FAE]  }
0x2c: {  	s7 =	sld [smem:$0x3FAF]  }
0x2d: {  	s3 =	simm.s32 $0x108;
	s8 =	sld [smem:$0x3FB0]  }
0x2e: {  	s3 =	simm.s32 @!p0 $0x1082;
	s9 =	sld [smem:$0x3FB1]  }
0x2f: {  	lr =	sadd.s32 s0, s3;
	s0 =	sld [smem:$0x3FA8]  }
0x30: {  	s3 =	sld [smem:$0x3FAB]  }
0x31: {  	[smem:$0x3FB4] =	sst s10  }
0x32: {  	s10 =	sld [smem:$0x3FB2];
	_ =	sdelay $0x3  }
0x33: {  	p0 =	seq.s32 s10, $0x1;
	s10 =	sld [smem:$0x3FB4];
	_ =	sdelay $0x3  }
0x34: {  	[smem:$0x3FB4] =	sst s10  }
0x35: {  	s10 =	sld [smem:$0x3FB3];
	_ =	sdelay $0x3  }
0x36: {  	p1 =	seq.s32 s10, $0x1;
	s10 =	sld [smem:$0x3FB4];
	_ =	sdelay $0x3  }
0x37: {  	[smem:$0x3FB4] =	sst s10  }
0x38: {  	s10 =	sld [smem:$0x3FB5]  }
0x39: {  	_ = 	snop;
	(pc) =	sbr.ind lr, $3  }
0x3a: {  	_ = 	snop  }
0x3b: {  	_ = 	snop  }
0x3c: {  	p2 =	seq.s32 s10, $0x1;
	s10 =	sld [smem:$0x3FB4]  }
0x3d: {  	_ =	shalt  }
0x3e: {  	_ =	shalt  }
0x3f: {  	_ =	shalt  }
0x40: {  	_ =	shalt  }
0x41: {  	_ =	shalt  }
0x42: {  	_ =	shalt  }
0x43: {  	_ =	shalt  }
0x44: {  	_ =	shalt  }
0x45: {  	_ =	shalt  }
0x46: {  	_ =	shalt  }
0x47: {  	_ =	shalt  }
0x48: {  	_ =	shalt  }
0x49: {  	_ =	shalt  }
0x4a: {  	_ =	shalt  }
0x4b: {  	_ =	shalt  }
0x4c: {  	_ =	shalt  }
0x4d: {  	_ =	shalt  }
0x4e: {  	_ =	shalt  }
0x4f: {  	_ =	shalt  }
0x50: {  	_ =	shalt  }
0x51: {  	_ =	shalt  }
0x52: {  	_ =	shalt  }
0x53: {  	_ =	shalt  }
0x54: {  	_ =	shalt  }
0x55: {  	_ =	shalt  }
0x56: {  	_ =	shalt  }
0x57: {  	_ =	shalt  }
0x58: {  	_ =	shalt  }
0x59: {  	_ =	shalt  }
0x5a: {  	_ =	shalt  }
0x5b: {  	_ =	shalt  }
0x5c: {  	_ =	shalt  }
0x5d: {  	_ =	shalt  }
0x5e: {  	_ =	shalt  }
0x5f: {  	_ =	shalt  }
0x60: {  	_ =	shalt  }
0x61: {  	_ =	shalt  }
0x62: {  	_ =	shalt  }
0x63: {  	_ =	shalt  }
0x64: {  	_ =	shalt  }
0x65: {  	_ =	shalt  }
0x66: {  	_ =	shalt  }
0x67: {  	_ =	shalt  }
0x68: {  	_ =	shalt  }
0x69: {  	_ =	shalt  }
0x6a: {  	_ =	shalt  }
0x6b: {  	_ =	shalt  }
0x6c: {  	_ =	shalt  }
0x6d: {  	_ =	shalt  }
0x6e: {  	_ =	shalt  }
0x6f: {  	_ =	shalt  }
0x70: {  	_ =	shalt  }
0x71: {  	_ =	shalt  }
0x72: {  	_ =	shalt  }
0x73: {  	_ =	shalt  }
0x74: {  	_ =	shalt  }
0x75: {  	_ =	shalt  }
0x76: {  	_ =	shalt  }
0x77: {  	_ =	shalt  }
0x78: {  	_ =	shalt  }
0x79: {  	_ =	shalt  }
0x7a: {  	_ =	shalt  }
0x7b: {  	_ =	shalt  }
0x7c: {  	_ =	shalt  }
0x7d: {  	_ =	shalt  }
0x7e: {  	_ =	shalt  }
0x7f: {  	_ =	shalt  }
0x80: {  	_ =	shalt  }
0x81: {  	_ =	shalt  }
0x82: {  	_ =	shalt  }
0x83: {  	_ =	shalt  }
0x84: {  	_ =	shalt  }
0x85: {  	_ =	shalt  }
0x86: {  	_ =	shalt  }
0x87: {  	_ =	shalt  }
.Lfunc_end0:
.L_simem_size_0:
called_computation.2_lowered:
.L_overlay_start_0:
0x88: {  	s2 =	sld [smem:$0x3FD9]  }
0x89: {  	s3 =	sld [smem:$0x3FFE];
	_ =	sdelay $0x1  }
0x8a: {  	s1 =	srdreg.scid  }
0x8b: {  	s0 =	sand.u32 $0x1, s1  }
0x8c: {  	s17 =	sshll.u32 s0, $0xA;
	s2 =	sadd.s32 s3, s2  }
0x8d: {  	s2 =	sadd.s32 s2, s17  }
0x8e: {  	[smem:$0x3FC0] =	sst s2  }
0x8f: {  	_ = 	snop  }
0x90: {  	s2 =	sld [smem:$0x3FD0];
	(tm) =	ssettm $0x1  }
0x91: {  	s18 =	sld [smem:$0x3FFB];
	_ =	sdelay $0x3  }
0x92: {  	_ =	strace s18  }
0x93: {  	s3 =	sld [smem:$0x3FFC];
	_ =	sdelay $0x3  }
0x94: {  	_ =	strace s3  }
0x95: {  	s3 =	sld [smem:$0x3FFD];
	_ =	sdelay $0x3  }
0x96: {  	_ =	strace s3  }
0x97: {  	_ =	strace $0x8FFFFFFF  }
0x98: {  	s19 =	sld [smem:$0x3FDB];
	_ =	sdelay $0x1  }
0x99: {  	s4 =	simm.s32 $_scs_section_size  }
0x9a: {  	s5 =	simm.s32 $_size__tile_overlayer_lowered;
	s6 =	simm.s32 $_tile_overlayer_lowered  }
0x9b: {  	s22 =	simm.s32 $0x1BFF;
	s21 =	sshll.u32 s6, $0x1;
	s3 =	sadd.s32 s4, s19  }
0x9c: {  	s7 =	simm.s32 $0x0;
	s20 =	sshll.u32 s5, $0x1;
	s5 =	sadd.s32 s21, s3  }
0x9d: {  	[timem:s7], [sflag:s22] =	dma.local [hbm:s5], s20  }
0x9e: {  	_ =	swait.ge [sflag:s22], s20  }
0x9f: {  	s4 =	ssub.s32 $0x0, s20;
	[sflag:s22] =	ssyncset.done $0x0  }
0xa0: {  	[sflag:s22] =	ssyncadd.s32 s4;
	_ =	sdelay $0x1  }
0xa1: {  	s23 =	simm.s32 $0x1B8B  }
0xa2: {  	_ =	swait.ge [sflag:s23], $0x1  }
0xa3: {  	[sflag:s23] =	ssyncset.done $0x0  }
0xa4: {  	s25 =	simm.s32 $0x1B8E;
	s24 =	sld [smem:$0x3FFE];
	[sflag:s23] =	ssyncadd.s32 $0xFFFFFFFF  }
0xa5: {  	s26 =	simm.s32 $execute0_lowered;
	[smem:$0x3FD2] =	sst s25  }
0xa6: {  	s5 =	sshll.u32 s26, $0x1;
	_ =	strace $0x8000004C;
	[dreg:$0x1] =	wrdreg $0xFFFFFFFF  }
0xa7: {  	s28 =	simm.s32 $_size_execute0_lowered;
	s3 =	sadd.s32 s3, s5;
	[dreg:$0x0] =	wrdreg $0x0  }
0xa8: {  	s5 =	sshll.u32 s28, $0x1;
	[dreg:$0x2] =	wrdreg s3  }
0xa9: {  	[dreg:$0x3] =	wrdreg s5  }
0xaa: {  	[dreg:$0x4] =	wrdreg $0xC0  }
0xab: {  	_ =	task [dreg:s7], $0x5FFFF  }
0xac: {  	[dreg:$0x1] =	wrdreg $0xFFFFFFFF  }
0xad: {  	[dreg:$0x0] =	wrdreg $0x60  }
0xae: {  	[dreg:$0x2] =	wrdreg s2  }
0xaf: {  	[dreg:$0x3] =	wrdreg s24  }
0xb0: {  	[dreg:$0x4] =	wrdreg $0xA8000  }
0xb1: {  	[dreg:$0x5] =	wrdreg $0x9  }
0xb2: {  	_ =	task.clear_ibuf [dreg:s7], $0x6FFFF;
	_ =	strace $0x9000004C  }
0xb3: {  	s29 =	simm.s32 $0x9;
	_ =	strace $0x8000004E  }
0xb4: {  	_ =	swait.ge [sflag:s29], $0x1  }
0xb5: {  	[sflag:s29] =	ssyncadd.s32 $0xFFFFFFFF  }
0xb6: {  	_ =	strace $0x9000004E  }
0xb7: {  	_ =	sfence  }
0xb8: {  	s30 =	sld [smem:$0x0];
	_ =	sdelay $0x2  }
0xb9: {  	s31 =	sshll.u32 s1, $0xD;
	s1 =	sshrl.u32 s1, $0x2  }
0xba: {  	s3 =	sand.u32 $0x4000, s31;
	s1 =	sadd.s32 s1, s30  }
0xbb: {  	s0 =	sor.u32 s3, s0;
	s1 =	sshll.u32 s1, $0x11  }
0xbc: {  	s0 =	sor.u32 s1, s0  }
0xbd: {  	s0 =	sadd.s32 $0x8F2B, s0  }
0xbe: {  	[sflag:s0] =	ssyncadd.remote.s32 $0x1  }
0xbf: {  	_ =	sfence.sel $0xFFFF  }
0xc0: {  	[dreg:$0x0] =	wrdreg $0xFFFFFFFF;
	(pc) =	sbr.abs _section_cstart, $3  }
0xc1: {  	[dreg:$0x1] =	wrdreg $0xFFFFFFFF  }
0xc2: {  	_ =	task.clear_ibuf [dreg:s7], $0x2FFFF;
	_ =	strace $0x9FFFFFFF  }
0xc3: {  	(tm) =	ssettm $0x7FFFFFFF  }
tec
execute0_lowered:
.L_overlay_start_1:
0x0: {  	(tag) =	ssettag $0x1  }
0x1: {  	s1 =	rddreg [dreg:$0x0]  }
0x2: {  	s6 =	rddreg [dreg:$0x1]  }
0x3: {  	s3 =	rddreg [dreg:$0x2]  }
0x4: {  	s0 =	rddreg [dreg:$0x3];
	s5 =	srdreg.scid  }
0x5: {  	s2 =	stileid.u32;
	s4 =	simm.s32 $0x0;
	s17 =	simm.s32 $0x2800  }
0x6: {  	s18 =	simm.s32 $0x3;
	s19 =	simm.s32 $0x1400;
	s20 =	simm.s32 $0x80  }
0x7: {  	s21 =	simm.s32 $0x6800;
	s22 =	simm.s32 $0x1;
	s23 =	simm.s32 $0x2  }
0x8: {  	s24 =	simm.s32 $0x2700;
	s7 =	sand.u32 $0x1, s5;
	s8 =	smul.u32 $0x280, s2  }
0x9: {  	[smem:$0x7FF] =	sst s4;
	s11 =	sadd.s32 $0x1E00, s6;
	s12 =	sadd.s32 $0xBE00, s6  }
0xa: {  	s5 =	sadd.s32 $0x15E00, s6;
	s25 =	sshll.u32 s2, $0x1;
	s26 =	smul.u32 $0x50000, s2  }
0xb: {  	s9 =	smul.u32 $0x2800, s7;
	s10 =	ssub.s32 $0x2, s7;
	s7 =	sor.u32 s7, s25  }
0xc: {  	_ =	strace $0x8000004D;
	s25 =	simm.s32 $0x2780;
	s14 =	smul.u32 $0x2800, s7  }
0xd: {  	s13 =	sshrl.u32 s10, $0x1;
	s28 =	sshrl.u32 s26, $0x2;
	s29 =	smul.u32 $0x500, s7  }
0xe: {  	s26 =	simm.s32 $0x0;
	s8 =	sadd.s32 s8, s9;
	s16 =	ssub.s32 s10, s13  }
0xf: {  	s8 =	sshll.u32 s8, $0x4;
	s30 =	sshrl.u32 s14, $0x3;
	s9 =	sadd.s32 s11, s29  }
0x10: {  	s10 =	sadd.s32 s12, s29;
	s15 =	sadd.s32 s8, s6;
	s6 =	sadd.s32 s28, s3  }
0x11: {  	s16 =	smax.u32 s16, $0x1;
	s31 =	sadd.s32 $0x280, s30;
	s7 =	sadd.s32 $0x8000, s6  }
0x12: {  	s8 =	sadd.s32 $0x10000, s6;
	s11 =	sadd.s32 s11, s31;
	s12 =	sadd.s32 s12, s31  }
0x13: {  	s13 =	sadd.s32 $0x16E00, s15;
	s14 =	sadd.s32 $0x17E00, s15;
	s15 =	sadd.s32 $0x18E00, s15  }
.LBB2_1:
0x14: {  	[tilespmem:s17], [sflag:$0x3] =	stream.linear.gather [hbm4b:s5+s4], $0x8000, $0x38;
	[tilespmem:$0x1E800] =	vst v63  }
0x15: {  	_ =	swait.ge [sflag:s18], $0x8000  }
0x16: {  	[sflag:s18] =	ssyncset.done $0x0  }
0x17: {  	[sflag:s18] =	ssyncadd.s32 $0xFFFF8000  }
0x18: {  	[spmem:s6] =	stream.linear.scatter [tilespmem:s17], [sflag:$0x3], $0x8000, $0x38;
	[tilespmem:$0x1E800] =	vst v63  }
0x19: {  	_ =	swait.ge [sflag:s18], $0x8000  }
0x1a: {  	[sflag:s18] =	ssyncset.done $0x0  }
0x1b: {  	[sflag:s18] =	ssyncadd.s32 $0xFFFF8000  }
0x1c: {  	[spmem:s7] =	stream.linear.scatter [tilespmem:s17], [sflag:$0x3], $0x8000, $0x38;
	[tilespmem:$0x1E800] =	vst v63  }
0x1d: {  	_ =	swait.ge [sflag:s18], $0x8000  }
0x1e: {  	[sflag:s18] =	ssyncset.done $0x0  }
0x1f: {  	[sflag:s18] =	ssyncadd.s32 $0xFFFF8000  }
0x20: {  	[spmem:s8] =	stream.linear.scatter [tilespmem:s17], [sflag:$0x3], $0x4000, $0x38;
	[tilespmem:$0x1E800] =	vst v63  }
0x21: {  	_ =	swait.ge [sflag:s18], $0x4000  }
0x22: {  	[sflag:s18] =	ssyncset.done $0x0  }
0x23: {  	[sflag:s18] =	ssyncadd.s32 $0xFFFFC000  }
0x24: {  	[bflag:$0x0] =	sbarrier.arrive $0xFFFF  }
0x25: {  	[tilespmem:s4], [sflag:$0x3] =	stream.linear.gather [hbm4b:s9+s4], $0x1400, $0x38;
	[tilespmem:$0x1E800] =	vst v63  }
0x26: {  	_ =	swait.ge [sflag:s18], $0x1400  }
0x27: {  	[sflag:s18] =	ssyncset.done $0x0  }
0x28: {  	[sflag:s18] =	ssyncadd.s32 $0xFFFFEC00  }
0x29: {  	[tilespmem:s19], [sflag:$0x3] =	stream.linear.gather [hbm4b:s10+s4], $0x1400, $0x38;
	[tilespmem:$0x1E800] =	vst v63  }
0x2a: {  	_ =	swait.ge [sflag:s18], $0x1400  }
0x2b: {  	[sflag:s18] =	ssyncset.done $0x0  }
0x2c: {  	[sflag:s18] =	ssyncadd.s32 $0xFFFFEC00  }
0x2d: {  	[tilespmem:s17], [sflag:$0x1] =	stream.indirect.gather [hbm4b:s1+s20], $0x80, s4, s20, $0xb8;
	[tilespmem:$0x1E800] =	vst v63  }
0x2e: {  	_ = 	snop  }
0x2f: {  	[tilespmem:s21], [sflag:$0x2] =	stream.indirect.gather [hbm4b:s1+s20], $0x80, s20, s20, $0xb8;
	[tilespmem:$0x1E800] =	vst v63  }
0x30: {  	_ =	swait.ge [sflag:s22], $0x4000  }
0x31: {  	[sflag:s22] =	ssyncset.done $0x0  }
0x32: {  	s28 =	simm.s32 $0x1400;
	[sflag:s22] =	ssyncadd.s32 $0xFFFFC000  }
0x33: {  	[spmem:s3] =	stream.indirect.scatter.add.f32 [tilespmem:s17], [sflag:$0x3], $0x80, s28, s20, $0xb8;
	[tilespmem:$0x1E800] =	vst v63  }
0x34: {  	_ =	swait.ge [sflag:s18], $0x4000  }
0x35: {  	[sflag:s18] =	ssyncset.done $0x0  }
0x36: {  	s28 =	simm.s32 $0x100;
	[sflag:s18] =	ssyncadd.s32 $0xFFFFC000  }
0x37: {  	[tilespmem:s17], [sflag:$0x1] =	stream.indirect.gather [hbm4b:s1+s20], $0x80, s28, s20, $0xb8;
	[tilespmem:$0x1E800] =	vst v63  }
0x38: {  	_ =	swait.ge [sflag:s23], $0x4000  }
0x39: {  	[sflag:s23] =	ssyncset.done $0x0  }
0x3a: {  	s28 =	simm.s32 $0x1480;
	[sflag:s23] =	ssyncadd.s32 $0xFFFFC000  }
0x3b: {  	[spmem:s3] =	stream.indirect.scatter.add.f32 [tilespmem:s21], [sflag:$0x3], $0x80, s28, s20, $0xb8;
	[tilespmem:$0x1E800] =	vst v63  }
0x3c: {  	_ =	swait.ge [sflag:s18], $0x4000  }
0x3d: {  	[sflag:s18] =	ssyncset.done $0x0  }
0x3e: {  	s29 =	simm.s32 $0x180;
	s28 =	simm.s32 $0x400;
	[sflag:s18] =	ssyncadd.s32 $0xFFFFC000  }
.LBB2_2:
0x3f: {  	[tilespmem:s21], [sflag:$0x2] =	stream.indirect.gather [hbm4b:s1+s20], $0x80, s29, s20, $0xb8;
	[tilespmem:$0x1E800] =	vst v63  }
0x40: {  	s29 =	smov.u32 s28  }
0x41: {  	p0 =	sne.s32 s28, $0x4800;
	s28 =	sadd.s32 $0x400, s28;
	_ =	swait.ge [sflag:s22], $0x4000  }
0x42: {  	s29 =	sshra.s32 s29, $0x2;
	[sflag:s22] =	ssyncset.done $0x0  }
0x43: {  	s30 =	sadd.s32 $0x1400, s29;
	[sflag:s22] =	ssyncadd.s32 $0xFFFFC000  }
0x44: {  	[spmem:s3] =	stream.indirect.scatter.add.f32 [tilespmem:s17], [sflag:$0x3], $0x80, s30, s20, $0xb8;
	[tilespmem:$0x1E800] =	vst v63  }
0x45: {  	_ =	swait.ge [sflag:s18], $0x4000  }
0x46: {  	[sflag:s18] =	ssyncset.done $0x0  }
0x47: {  	s30 =	sadd.s32 $0x100, s29;
	[sflag:s18] =	ssyncadd.s32 $0xFFFFC000  }
0x48: {  	[tilespmem:s17], [sflag:$0x1] =	stream.indirect.gather [hbm4b:s1+s20], $0x80, s30, s20, $0xb8;
	[tilespmem:$0x1E800] =	vst v63  }
0x49: {  	_ =	swait.ge [sflag:s23], $0x4000  }
0x4a: {  	[sflag:s23] =	ssyncset.done $0x0  }
.Ltmp0:
0x4b: {  	s30 =	sadd.s32 $0x1480, s29;
	[sflag:s23] =	ssyncadd.s32 $0xFFFFC000;
	(pc) =	sbr.rel @p0 .LBB2_2-.Ltmp0, $4  }
0x4c: {  	[spmem:s3] =	stream.indirect.scatter.add.f32 [tilespmem:s21], [sflag:$0x3], $0x80, s30, s20, $0xb8;
	[tilespmem:$0x1E800] =	vst v63  }
0x4d: {  	_ =	swait.ge [sflag:s18], $0x4000  }
0x4e: {  	[sflag:s18] =	ssyncset.done $0x0  }
0x4f: {  	s29 =	sadd.s32 $0x180, s29;
	[sflag:s18] =	ssyncadd.s32 $0xFFFFC000  }
0x50: {  	[tilespmem:s21], [sflag:$0x2] =	stream.indirect.gather [hbm4b:s1+s20], $0x80, s29, s20, $0xb8;
	[tilespmem:$0x1E800] =	vst v63  }
0x51: {  	_ =	swait.ge [sflag:s22], $0x4000  }
0x52: {  	[sflag:s22] =	ssyncset.done $0x0  }
0x53: {  	[sflag:s22] =	ssyncadd.s32 $0xFFFFC000  }
0x54: {  	[spmem:s3] =	stream.indirect.scatter.add.f32 [tilespmem:s17], [sflag:$0x3], $0x80, s24, s20, $0xb8;
	[tilespmem:$0x1E800] =	vst v63  }
0x55: {  	_ =	swait.ge [sflag:s18], $0x4000  }
0x56: {  	[sflag:s18] =	ssyncset.done $0x0  }
0x57: {  	[sflag:s18] =	ssyncadd.s32 $0xFFFFC000  }
0x58: {  	_ =	swait.ge [sflag:s23], $0x4000  }
0x59: {  	[sflag:s23] =	ssyncset.done $0x0  }
0x5a: {  	[sflag:s23] =	ssyncadd.s32 $0xFFFFC000  }
0x5b: {  	[spmem:s3] =	stream.indirect.scatter.add.f32 [tilespmem:s21], [sflag:$0x3], $0x80, s25, s20, $0xb8;
	[tilespmem:$0x1E800] =	vst v63  }
0x5c: {  	_ =	swait.ge [sflag:s18], $0x4000  }
0x5d: {  	[sflag:s18] =	ssyncset.done $0x0  }
0x5e: {  	s28 =	simm.s32 $0x0;
	[sflag:s18] =	ssyncadd.s32 $0xFFFFC000  }
0x5f: {  	[tilespmem:s28], [sflag:$0x3] =	stream.linear.gather [hbm4b:s11+s28], $0x1400, $0x38;
	[tilespmem:$0x1E800] =	vst v63  }
0x60: {  	_ =	swait.ge [sflag:s18], $0x1400  }
0x61: {  	[sflag:s18] =	ssyncset.done $0x0  }
0x62: {  	[sflag:s18] =	ssyncadd.s32 $0xFFFFEC00  }
0x63: {  	[tilespmem:s19], [sflag:$0x3] =	stream.linear.gather [hbm4b:s12+s28], $0x1400, $0x38;
	[tilespmem:$0x1E800] =	vst v63  }
0x64: {  	_ =	swait.ge [sflag:s18], $0x1400  }
0x65: {  	[sflag:s18] =	ssyncset.done $0x0  }
0x66: {  	[sflag:s18] =	ssyncadd.s32 $0xFFFFEC00  }
0x67: {  	[tilespmem:s17], [sflag:$0x1] =	stream.indirect.gather [hbm4b:s1+s20], $0x80, s28, s20, $0xb8;
	[tilespmem:$0x1E800] =	vst v63  }
0x68: {  	_ = 	snop  }
0x69: {  	[tilespmem:s21], [sflag:$0x2] =	stream.indirect.gather [hbm4b:s1+s20], $0x80, s20, s20, $0xb8;
	[tilespmem:$0x1E800] =	vst v63  }
0x6a: {  	_ =	swait.ge [sflag:s22], $0x4000  }
0x6b: {  	[sflag:s22] =	ssyncset.done $0x0  }
0x6c: {  	s28 =	simm.s32 $0x1400;
	[sflag:s22] =	ssyncadd.s32 $0xFFFFC000  }
0x6d: {  	[spmem:s3] =	stream.indirect.scatter.add.f32 [tilespmem:s17], [sflag:$0x3], $0x80, s28, s20, $0xb8;
	[tilespmem:$0x1E800] =	vst v63  }
0x6e: {  	_ =	swait.ge [sflag:s18], $0x4000  }
0x6f: {  	[sflag:s18] =	ssyncset.done $0x0  }
0x70: {  	s28 =	simm.s32 $0x100;
	[sflag:s18] =	ssyncadd.s32 $0xFFFFC000  }
0x71: {  	[tilespmem:s17], [sflag:$0x1] =	stream.indirect.gather [hbm4b:s1+s20], $0x80, s28, s20, $0xb8;
	[tilespmem:$0x1E800] =	vst v63  }
0x72: {  	_ =	swait.ge [sflag:s23], $0x4000  }
0x73: {  	[sflag:s23] =	ssyncset.done $0x0  }
0x74: {  	s28 =	simm.s32 $0x1480;
	[sflag:s23] =	ssyncadd.s32 $0xFFFFC000  }
0x75: {  	[spmem:s3] =	stream.indirect.scatter.add.f32 [tilespmem:s21], [sflag:$0x3], $0x80, s28, s20, $0xb8;
	[tilespmem:$0x1E800] =	vst v63  }
0x76: {  	_ =	swait.ge [sflag:s18], $0x4000  }
0x77: {  	[sflag:s18] =	ssyncset.done $0x0  }
0x78: {  	s29 =	simm.s32 $0x180;
	s28 =	simm.s32 $0x400;
	[sflag:s18] =	ssyncadd.s32 $0xFFFFC000  }
.LBB2_4:
0x79: {  	[tilespmem:s21], [sflag:$0x2] =	stream.indirect.gather [hbm4b:s1+s20], $0x80, s29, s20, $0xb8;
	[tilespmem:$0x1E800] =	vst v63  }
0x7a: {  	s29 =	smov.u32 s28  }
0x7b: {  	p0 =	sne.s32 s28, $0x4800;
	s28 =	sadd.s32 $0x400, s28;
	_ =	swait.ge [sflag:s22], $0x4000  }
0x7c: {  	s29 =	sshra.s32 s29, $0x2;
	[sflag:s22] =	ssyncset.done $0x0  }
0x7d: {  	s30 =	sadd.s32 $0x1400, s29;
	[sflag:s22] =	ssyncadd.s32 $0xFFFFC000  }
0x7e: {  	[spmem:s3] =	stream.indirect.scatter.add.f32 [tilespmem:s17], [sflag:$0x3], $0x80, s30, s20, $0xb8;
	[tilespmem:$0x1E800] =	vst v63  }
0x7f: {  	_ =	swait.ge [sflag:s18], $0x4000  }
0x80: {  	[sflag:s18] =	ssyncset.done $0x0  }
0x81: {  	s30 =	sadd.s32 $0x100, s29;
	[sflag:s18] =	ssyncadd.s32 $0xFFFFC000  }
0x82: {  	[tilespmem:s17], [sflag:$0x1] =	stream.indirect.gather [hbm4b:s1+s20], $0x80, s30, s20, $0xb8;
	[tilespmem:$0x1E800] =	vst v63  }
0x83: {  	_ =	swait.ge [sflag:s23], $0x4000  }
0x84: {  	[sflag:s23] =	ssyncset.done $0x0  }
.Ltmp1:
0x85: {  	s30 =	sadd.s32 $0x1480, s29;
	[sflag:s23] =	ssyncadd.s32 $0xFFFFC000;
	(pc) =	sbr.rel @p0 .LBB2_4-.Ltmp1, $4  }
0x86: {  	[spmem:s3] =	stream.indirect.scatter.add.f32 [tilespmem:s21], [sflag:$0x3], $0x80, s30, s20, $0xb8;
	[tilespmem:$0x1E800] =	vst v63  }
0x87: {  	_ =	swait.ge [sflag:s18], $0x4000  }
0x88: {  	[sflag:s18] =	ssyncset.done $0x0  }
0x89: {  	s29 =	sadd.s32 $0x180, s29;
	[sflag:s18] =	ssyncadd.s32 $0xFFFFC000  }
0x8a: {  	[tilespmem:s21], [sflag:$0x2] =	stream.indirect.gather [hbm4b:s1+s20], $0x80, s29, s20, $0xb8;
	[tilespmem:$0x1E800] =	vst v63  }
0x8b: {  	_ =	swait.ge [sflag:s22], $0x4000  }
0x8c: {  	[sflag:s22] =	ssyncset.done $0x0  }
0x8d: {  	[sflag:s22] =	ssyncadd.s32 $0xFFFFC000  }
0x8e: {  	[spmem:s3] =	stream.indirect.scatter.add.f32 [tilespmem:s17], [sflag:$0x3], $0x80, s24, s20, $0xb8;
	[tilespmem:$0x1E800] =	vst v63  }
0x8f: {  	_ =	swait.ge [sflag:s18], $0x4000  }
0x90: {  	[sflag:s18] =	ssyncset.done $0x0  }
0x91: {  	[sflag:s18] =	ssyncadd.s32 $0xFFFFC000  }
0x92: {  	_ =	swait.ge [sflag:s23], $0x4000  }
0x93: {  	[sflag:s23] =	ssyncset.done $0x0  }
0x94: {  	[sflag:s23] =	ssyncadd.s32 $0xFFFFC000  }
0x95: {  	[spmem:s3] =	stream.indirect.scatter.add.f32 [tilespmem:s21], [sflag:$0x3], $0x80, s25, s20, $0xb8;
	[tilespmem:$0x1E800] =	vst v63  }
0x96: {  	_ =	swait.ge [sflag:s18], $0x4000  }
0x97: {  	[sflag:s18] =	ssyncset.done $0x0  }
0x98: {  	[sflag:s18] =	ssyncadd.s32 $0xFFFFC000  }
0x99: {  	[bflag:$0x0] =	sbarrier.arrive $0xFFFF  }
0x9a: {  	[tilespmem:s17], [sflag:$0x3] =	stream.linear.gather [spmem:s6], $0x8000, $0x38;
	[tilespmem:$0x1E800] =	vst v63  }
0x9b: {  	_ =	swait.ge [sflag:s18], $0x8000  }
0x9c: {  	[sflag:s18] =	ssyncset.done $0x0  }
0x9d: {  	[sflag:s18] =	ssyncadd.s32 $0xFFFF8000  }
0x9e: {  	[hbm4b:s13+s4] =	stream.linear.scatter [tilespmem:s17], [sflag:$0x3], $0x8000, $0x38;
	[tilespmem:$0x1E800] =	vst v63  }
0x9f: {  	_ =	swait.ge [sflag:s18], $0x8000  }
0xa0: {  	[sflag:s18] =	ssyncset.done $0x0  }
0xa1: {  	[sflag:s18] =	ssyncadd.s32 $0xFFFF8000  }
0xa2: {  	[tilespmem:s17], [sflag:$0x3] =	stream.linear.gather [spmem:s7], $0x8000, $0x38;
	[tilespmem:$0x1E800] =	vst v63  }
0xa3: {  	_ =	swait.ge [sflag:s18], $0x8000  }
0xa4: {  	[sflag:s18] =	ssyncset.done $0x0  }
0xa5: {  	[sflag:s18] =	ssyncadd.s32 $0xFFFF8000  }
0xa6: {  	[hbm4b:s14+s4] =	stream.linear.scatter [tilespmem:s17], [sflag:$0x3], $0x8000, $0x38;
	[tilespmem:$0x1E800] =	vst v63  }
0xa7: {  	_ =	swait.ge [sflag:s18], $0x8000  }
0xa8: {  	[sflag:s18] =	ssyncset.done $0x0  }
0xa9: {  	[sflag:s18] =	ssyncadd.s32 $0xFFFF8000  }
0xaa: {  	[tilespmem:s17], [sflag:$0x3] =	stream.linear.gather [spmem:s8], $0x4000, $0x38;
	[tilespmem:$0x1E800] =	vst v63  }
0xab: {  	s26 =	sadd.s32 $0x1, s26;
	_ =	swait.ge [sflag:s18], $0x4000  }
0xac: {  	p0 =	sne.s32 s26, s16;
	[sflag:s18] =	ssyncset.done $0x0  }
.Ltmp2:
0xad: {  	[sflag:s18] =	ssyncadd.s32 $0xFFFFC000;
	(pc) =	sbr.rel @p0 .LBB2_1-.Ltmp2, $4  }
0xae: {  	[hbm4b:s15+s4] =	stream.linear.scatter [tilespmem:s17], [sflag:$0x3], $0x4000, $0x38;
	[tilespmem:$0x1E800] =	vst v63  }
0xaf: {  	_ =	swait.ge [sflag:s18], $0x4000  }
0xb0: {  	[sflag:s18] =	ssyncset.done $0x0  }
0xb1: {  	[sflag:s18] =	ssyncadd.s32 $0xFFFFC000  }
0xb2: {  	_ =	sfence.sel $0x180000  }
0xb3: {  	[bflag:$0x0] =	sbarrier.arrive $0xFFFF  }
0xb4: {  	p0 =	sne.s32 s2, $0x0;
	_ =	strace $0x9000004D  }
0xb5: {  	s0 =	sadd.s32 @!p0 $0x100000, s0;
	[bflag:$0x2] =	sbarrier.arrive $0xFFFF  }
0xb6: {  	[sflag:s0] =	ssyncadd.tile.s32 @!p0 $0x1;
	_ =	shalt  }
.Lfunc_end2:
_tile_overlayer_lowered:
.L_overlay_start_2:
0xb7: {  	(tag) =	ssettag $0x2  }
0xb8: {  	s0 =	rddreg [dreg:$0x0];
	s2 =	stileid.u32  }
0xb9: {  	s1 =	rddreg [dreg:$0x1];
	p0 =	sne.s32 s2, $0x0  }
0xba: {  	s3 =	rddreg [dreg:$0x2];
	[bflag:$0x3] =	sbarrier.arrive $0xFFFF;
	s2 =	simm.s32 @!p0 $0x1C03  }
0xbb: {  	[timem:s3], [sflag:s2] =	dma.local @!p0 [hbm:s0], s1  }
0xbc: {  	s0 =	simm.s32 @!p0 $0x3  }
0xbd: {  	_ =	swait.ge @!p0 [sflag:s0], s1  }
0xbe: {  	s1 =	ssub.s32 @!p0 $0x0, s1;
	[sflag:s0] =	ssyncset.done @!p0 $0x0  }
0xbf: {  	[sflag:s0] =	ssyncadd.s32 @!p0 s1  }
0xc0: {  	[bflag:$0x3] =	sbarrier.arrive $0xFFFF  }
0xc1: {  	_ =	shalt  }

// kernel: kernel.8.cloned.1.call-start
scs
__scs_entry_jumppad:
0x0: {  	(pc) =	sbr.rel $0x88, $3  }
0x1: {  	(tag) =	ssettag $0x0;
	lr =	simm.s32 $0x1  }
0x2: {  	[smem:$0x3F99] =	sst lr;
	_ =	strace $0xD0000000  }
0x3: {  	_ = 	snop  }
0x4: {  	_ = 	snop  }
0x5: {  	_ = 	snop  }
0x6: {  	_ = 	snop  }
0x7: {  	_ = 	snop  }
__scs_overlays_trampoline_lowered:
0x8: {  	[smem:$0x3FA8] =	sst s0  }
0x9: {  	[smem:$0x3FA9] =	sst s1  }
0xa: {  	[smem:$0x3FAA] =	sst s2  }
0xb: {  	[smem:$0x3FAB] =	sst s3  }
0xc: {  	[smem:$0x3FAC] =	sst s4  }
0xd: {  	[smem:$0x3FAD] =	sst s5  }
0xe: {  	[smem:$0x3FAE] =	sst s6  }
0xf: {  	[smem:$0x3FAF] =	sst s7  }
0x10: {  	[smem:$0x3FB0] =	sst s8  }
0x11: {  	[smem:$0x3FB1] =	sst s9;
	s0 =	simm.s32 @!p0 $0x0  }
0x12: {  	s1 =	sld [smem:$0x3F97];
	s0 =	simm.s32 @p0 $0x1  }
0x13: {  	[smem:$0x3FB2] =	sst s0;
	s0 =	simm.s32 @!p1 $0x0  }
0x14: {  	s2 =	sld [smem:$0x3F96];
	s0 =	simm.s32 @p1 $0x1  }
0x15: {  	[smem:$0x3FB3] =	sst s0;
	s0 =	simm.s32 @!p2 $0x0  }
0x16: {  	s3 =	sld [smem:$0x3FDB];
	s0 =	simm.s32 @p2 $0x1  }
0x17: {  	s4 =	simm.s32 $0x1BF5;
	[smem:$0x3FB5] =	sst s0  }
0x18: {  	s0 =	sld [smem:$0x3F98];
	_ =	swait.ge [sflag:s4], $0x0  }
0x19: {  	s7 =	sld [smem:$0x3F99]  }
0x1a: {  	s8 =	sadd.s32 $0xFFFFE003, lr  }
0x1b: {  	s9 =	sadd.s32 $0xFFFFFEF7, lr;
	s5 =	simm.s32 $0xFFFFFFFF;
	p2 =	slt.u32 s8, $0xFFFFF086  }
0x1c: {  	p1 =	slt.u32 s9, $0xF7A;
	s5 =	simm.s32 @!p2 $0x0  }
0x1d: {  	s5 =	simm.s32 @p1 $0x1;
	p0 =	seq.s32 s7, s2  }
0x1e: {  	s7 =	smul.u32 @!p0 $0xF7A, s2;
	p2 =	seq.s32 @!p0 s5, $0x0  }
0x1f: {  	s9 =	smul.u32 $0xF7A, s1;
	s8 =	simm.s32 @!p0 $0x1BF5;
	p2 =	por !p2, p0  }
0x20: {  	[sflag:s8] =	ssyncset.s32 @!p0 $0xFFFFF086;
	s6 =	sadd.s32 @!p0 s3, s7;
	s7 =	simm.s32 @!p0 $0x108  }
0x21: {  	s3 =	sadd.s32 s3, s9;
	s6 =	sadd.s32 @!p0 $0x88, s6;
	s7 =	simm.s32 @p2 $0x1082  }
0x22: {  	[simem:s7], [sflag:s8] =	dma.local @!p0 [hbm:s6], $0xF7A  }
0x23: {  	s9 =	sor.u32 $0xD0000000, s2;
	s6 =	simm.s32 $0x108;
	_ =	swait.ge @!p0 [sflag:s8], $0x0  }
0x24: {  	s3 =	sadd.s32 $0x88, s3;
	s6 =	simm.s32 @!p1 $0x1082;
	[sflag:s4] =	ssyncset.s32 $0xFFFFF086  }
0x25: {  	[simem:s6], [sflag:s4] =	dma.local [hbm:s3], $0xF7A  }
0x26: {  	[smem:$0x3F99] =	sst s1;
	(tag) =	ssettag s2;
	_ =	strace s9  }
0x27: {  	s1 =	sld [smem:$0x3FA9]  }
0x28: {  	s2 =	sld [smem:$0x3FAA]  }
0x29: {  	s4 =	sld [smem:$0x3FAC]  }
0x2a: {  	p0 =	seq.s32 s5, $0x0;
	s5 =	sld [smem:$0x3FAD]  }
0x2b: {  	s6 =	sld [smem:$0x3FAE]  }
0x2c: {  	s7 =	sld [smem:$0x3FAF]  }
0x2d: {  	s3 =	simm.s32 $0x108;
	s8 =	sld [smem:$0x3FB0]  }
0x2e: {  	s3 =	simm.s32 @!p0 $0x1082;
	s9 =	sld [smem:$0x3FB1]  }
0x2f: {  	lr =	sadd.s32 s0, s3;
	s0 =	sld [smem:$0x3FA8]  }
0x30: {  	s3 =	sld [smem:$0x3FAB]  }
0x31: {  	[smem:$0x3FB4] =	sst s10  }
0x32: {  	s10 =	sld [smem:$0x3FB2];
	_ =	sdelay $0x3  }
0x33: {  	p0 =	seq.s32 s10, $0x1;
	s10 =	sld [smem:$0x3FB4];
	_ =	sdelay $0x3  }
0x34: {  	[smem:$0x3FB4] =	sst s10  }
0x35: {  	s10 =	sld [smem:$0x3FB3];
	_ =	sdelay $0x3  }
0x36: {  	p1 =	seq.s32 s10, $0x1;
	s10 =	sld [smem:$0x3FB4];
	_ =	sdelay $0x3  }
0x37: {  	[smem:$0x3FB4] =	sst s10  }
0x38: {  	s10 =	sld [smem:$0x3FB5]  }
0x39: {  	_ = 	snop;
	(pc) =	sbr.ind lr, $3  }
0x3a: {  	_ = 	snop  }
0x3b: {  	_ = 	snop  }
0x3c: {  	p2 =	seq.s32 s10, $0x1;
	s10 =	sld [smem:$0x3FB4]  }
0x3d: {  	_ =	shalt  }
0x3e: {  	_ =	shalt  }
0x3f: {  	_ =	shalt  }
0x40: {  	_ =	shalt  }
0x41: {  	_ =	shalt  }
0x42: {  	_ =	shalt  }
0x43: {  	_ =	shalt  }
0x44: {  	_ =	shalt  }
0x45: {  	_ =	shalt  }
0x46: {  	_ =	shalt  }
0x47: {  	_ =	shalt  }
0x48: {  	_ =	shalt  }
0x49: {  	_ =	shalt  }
0x4a: {  	_ =	shalt  }
0x4b: {  	_ =	shalt  }
0x4c: {  	_ =	shalt  }
0x4d: {  	_ =	shalt  }
0x4e: {  	_ =	shalt  }
0x4f: {  	_ =	shalt  }
0x50: {  	_ =	shalt  }
0x51: {  	_ =	shalt  }
0x52: {  	_ =	shalt  }
0x53: {  	_ =	shalt  }
0x54: {  	_ =	shalt  }
0x55: {  	_ =	shalt  }
0x56: {  	_ =	shalt  }
0x57: {  	_ =	shalt  }
0x58: {  	_ =	shalt  }
0x59: {  	_ =	shalt  }
0x5a: {  	_ =	shalt  }
0x5b: {  	_ =	shalt  }
0x5c: {  	_ =	shalt  }
0x5d: {  	_ =	shalt  }
0x5e: {  	_ =	shalt  }
0x5f: {  	_ =	shalt  }
0x60: {  	_ =	shalt  }
0x61: {  	_ =	shalt  }
0x62: {  	_ =	shalt  }
0x63: {  	_ =	shalt  }
0x64: {  	_ =	shalt  }
0x65: {  	_ =	shalt  }
0x66: {  	_ =	shalt  }
0x67: {  	_ =	shalt  }
0x68: {  	_ =	shalt  }
0x69: {  	_ =	shalt  }
0x6a: {  	_ =	shalt  }
0x6b: {  	_ =	shalt  }
0x6c: {  	_ =	shalt  }
0x6d: {  	_ =	shalt  }
0x6e: {  	_ =	shalt  }
0x6f: {  	_ =	shalt  }
0x70: {  	_ =	shalt  }
0x71: {  	_ =	shalt  }
0x72: {  	_ =	shalt  }
0x73: {  	_ =	shalt  }
0x74: {  	_ =	shalt  }
0x75: {  	_ =	shalt  }
0x76: {  	_ =	shalt  }
0x77: {  	_ =	shalt  }
0x78: {  	_ =	shalt  }
0x79: {  	_ =	shalt  }
0x7a: {  	_ =	shalt  }
0x7b: {  	_ =	shalt  }
0x7c: {  	_ =	shalt  }
0x7d: {  	_ =	shalt  }
0x7e: {  	_ =	shalt  }
0x7f: {  	_ =	shalt  }
0x80: {  	_ =	shalt  }
0x81: {  	_ =	shalt  }
0x82: {  	_ =	shalt  }
0x83: {  	_ =	shalt  }
0x84: {  	_ =	shalt  }
0x85: {  	_ =	shalt  }
0x86: {  	_ =	shalt  }
0x87: {  	_ =	shalt  }
.Lfunc_end0:
.L_simem_size_0:
called_computation_lowered:
.L_overlay_start_0:
0x88: {  	s2 =	sld [smem:$0x3FD9]  }
0x89: {  	s3 =	sld [smem:$0x3FFE];
	_ =	sdelay $0x1  }
0x8a: {  	s1 =	srdreg.scid  }
0x8b: {  	s0 =	sand.u32 $0x1, s1  }
0x8c: {  	s17 =	sshll.u32 s0, $0xA;
	s2 =	sadd.s32 s3, s2  }
0x8d: {  	s2 =	sadd.s32 s2, s17  }
0x8e: {  	[smem:$0x3FC0] =	sst s2  }
0x8f: {  	_ = 	snop  }
0x90: {  	(tm) =	ssettm $0x1  }
0x91: {  	s18 =	sld [smem:$0x3FFB];
	_ =	sdelay $0x3  }
0x92: {  	_ =	strace s18  }
0x93: {  	s2 =	sld [smem:$0x3FFC];
	_ =	sdelay $0x3  }
0x94: {  	_ =	strace s2  }
0x95: {  	s2 =	sld [smem:$0x3FFD];
	_ =	sdelay $0x3  }
0x96: {  	_ =	strace s2  }
0x97: {  	_ =	strace $0x8FFFFFFF  }
0x98: {  	s19 =	sld [smem:$0x3FDB];
	_ =	sdelay $0x1  }
0x99: {  	s20 =	simm.s32 $_scs_section_size  }
0x9a: {  	s4 =	simm.s32 $_size__tile_overlayer_lowered;
	s5 =	simm.s32 $_tile_overlayer_lowered  }
0x9b: {  	s6 =	simm.s32 $0x1BFF;
	s21 =	sshll.u32 s5, $0x1;
	s3 =	sadd.s32 s20, s19  }
0x9c: {  	s22 =	simm.s32 $0x0;
	s4 =	sshll.u32 s4, $0x1;
	s5 =	sadd.s32 s21, s3  }
0x9d: {  	[timem:s22], [sflag:s6] =	dma.local [hbm:s5], s4  }
0x9e: {  	_ =	swait.ge [sflag:s6], s4  }
0x9f: {  	s4 =	ssub.s32 $0x0, s4;
	[sflag:s6] =	ssyncset.done $0x0  }
0xa0: {  	[sflag:s6] =	ssyncadd.s32 s4;
	_ =	sdelay $0x1  }
0xa1: {  	s23 =	simm.s32 $0x1B8B  }
0xa2: {  	_ =	swait.ge [sflag:s23], $0x1  }
0xa3: {  	[sflag:s23] =	ssyncset.done $0x0  }
0xa4: {  	[sflag:s23] =	ssyncadd.s32 $0xFFFFFFFF  }
0xa5: {  	s4 =	sld [smem:$0x0]  }
0xa6: {  	s5 =	sand.u32 $0xFFFFFFFE, s1  }
0xa7: {  	p0 =	sne.s32 s1, s5  }
0xa8: {  	s5 =	sshll.u32 @p0 s5, $0xE  }
0xa9: {  	s5 =	sadd.s32 @p0 $0x11B8D, s5;
	s6 =	sshll.u32 @p0 s4, $0x11  }
0xaa: {  	s5 =	sor.u32 @p0 s6, s5  }
0xab: {  	[sflag:s5] =	ssyncadd.remote.s32 @p0 $0x1;
	_ =	sdelay $0x1  }
0xac: {  	s5 =	simm.s32 @p0 $0x1B8D  }
0xad: {  	_ =	swait.eq @p0 [sflag:s5], $0x1  }
0xae: {  	[sflag:s5] =	ssyncadd.s32 @p0 $0xFFFFFFFF  }
0xaf: {  	s6 =	sshll.u32 @!p0 s1, $0xE  }
0xb0: {  	s6 =	sor.u32 @!p0 $0x4000, s6;
	s5 =	simm.s32 @!p0 $0x1B8D  }
0xb1: {  	s4 =	sshll.u32 @!p0 s4, $0x11;
	s6 =	sadd.s32 @!p0 $0x11B8D, s6;
	_ =	swait.eq @!p0 [sflag:s5], $0x1  }
0xb2: {  	s4 =	sor.u32 @!p0 s4, s6;
	[sflag:s5] =	ssyncadd.s32 @!p0 $0xFFFFFFFF  }
0xb3: {  	s25 =	simm.s32 $0x1B8E;
	s24 =	sld [smem:$0x3FFE];
	[sflag:s4] =	ssyncadd.remote.s32 @!p0 $0x1  }
0xb4: {  	s26 =	simm.s32 $execute0_lowered;
	[smem:$0x3FD2] =	sst s25  }
0xb5: {  	s5 =	sshll.u32 s26, $0x1;
	_ =	strace $0x80000049;
	[dreg:$0x1] =	wrdreg $0xFFFFFFFF  }
0xb6: {  	s28 =	simm.s32 $_size_execute0_lowered;
	s3 =	sadd.s32 s3, s5;
	[dreg:$0x0] =	wrdreg $0x0  }
0xb7: {  	s5 =	sshll.u32 s28, $0x1;
	[dreg:$0x2] =	wrdreg s3  }
0xb8: {  	[dreg:$0x3] =	wrdreg s5  }
0xb9: {  	[dreg:$0x4] =	wrdreg $0xC0  }
0xba: {  	_ =	task [dreg:s22], $0x5FFFF  }
0xbb: {  	[dreg:$0x1] =	wrdreg $0xFFFFFFFF  }
0xbc: {  	[dreg:$0x0] =	wrdreg $0x60  }
0xbd: {  	[dreg:$0x2] =	wrdreg s24  }
0xbe: {  	[dreg:$0x3] =	wrdreg $0x68000  }
0xbf: {  	[dreg:$0x4] =	wrdreg $0x9  }
0xc0: {  	_ =	task.clear_ibuf [dreg:s22], $0x5FFFF;
	_ =	strace $0x90000049  }
0xc1: {  	s29 =	simm.s32 $0x9;
	_ =	strace $0x8000004B  }
0xc2: {  	_ =	swait.ge [sflag:s29], $0x1  }
0xc3: {  	[sflag:s29] =	ssyncadd.s32 $0xFFFFFFFF  }
0xc4: {  	_ =	strace $0x9000004B  }
0xc5: {  	_ =	sfence  }
0xc6: {  	s30 =	sld [smem:$0x0];
	_ =	sdelay $0x2  }
0xc7: {  	s31 =	sshll.u32 s1, $0xD;
	s1 =	sshrl.u32 s1, $0x2  }
0xc8: {  	s4 =	sand.u32 $0x4000, s31;
	s1 =	sadd.s32 s1, s30  }
0xc9: {  	s0 =	sor.u32 s4, s0;
	s1 =	sshll.u32 s1, $0x11  }
0xca: {  	s0 =	sor.u32 s1, s0  }
0xcb: {  	s0 =	sadd.s32 $0x8F2B, s0  }
0xcc: {  	[sflag:s0] =	ssyncadd.remote.s32 $0x1  }
0xcd: {  	_ =	sfence.sel $0xFFFF  }
0xce: {  	[dreg:$0x0] =	wrdreg $0xFFFFFFFF;
	(pc) =	sbr.abs _section_cstart, $3  }
0xcf: {  	[dreg:$0x1] =	wrdreg $0xFFFFFFFF  }
0xd0: {  	_ =	task.clear_ibuf [dreg:s22], $0x2FFFF;
	_ =	strace $0x9FFFFFFF  }
0xd1: {  	(tm) =	ssettm $0x7FFFFFFF  }
tec
execute0_lowered:
.L_overlay_start_1:
0x0: {  	(tag) =	ssettag $0x1  }
0x1: {  	s1 =	srdreg.scid;
	s7 =	rddreg [dreg:$0x0]  }
0x2: {  	s0 =	stileid.u32;
	s2 =	rddreg [dreg:$0x1]  }
0x3: {  	s3 =	simm.s32 $0x0;
	s17 =	simm.s32 $0x80;
	s18 =	simm.s32 $0x0  }
0x4: {  	s6 =	sand.u32 $0x1, s1;
	s28 =	sshll.u32 s0, $0x1;
	s8 =	smul.u32 $0x2800, s0  }
0x5: {  	[smem:$0x7FF] =	sst s3;
	s11 =	smul.u32 $0x50000, s0;
	s5 =	sadd.s32 $0x66E00, s7  }
0x6: {  	s31 =	sshll.u32 s0, $0x6;
	s1 =	sor.u32 s6, s28;
	s9 =	smul.u32 $0x28000, s6  }
0x7: {  	s6 =	ssub.s32 $0x2, s6;
	s4 =	smul.u32 $0x500, s1;
	s1 =	rddreg [dreg:$0x2]  }
0x8: {  	_ =	strace $0x8000004A;
	s29 =	sshrl.u32 s6, $0x1;
	s11 =	sshrl.u32 s11, $0x2  }
0x9: {  	s8 =	sadd.s32 s8, s9;
	s30 =	ssub.s32 s6, s29;
	s12 =	sadd.s32 s11, s2  }
0xa: {  	s9 =	simm.s32 $0x1;
	s11 =	sor.u32 $0x1C01, s31;
	s10 =	sadd.s32 s4, s7  }
0xb: {  	s4 =	sadd.s32 $0x67600, s7;
	s7 =	sadd.s32 s8, s7;
	s13 =	sadd.s32 $0x4000, s12  }
0xc: {  	s14 =	sadd.s32 $0x8000, s12;
	s15 =	sadd.s32 $0xC000, s12;
	s16 =	sadd.s32 $0x10000, s12  }
0xd: {  	s8 =	smax.u32 s30, $0x1;
	s12 =	sshrl.u32 s12, $0x3;
	s6 =	sadd.s32 $0xBE00, s10  }
0xe: {  	s7 =	sadd.s32 $0x67E00, s7;
	s10 =	simm.s32 $0x2800;
	s13 =	sshrl.u32 s13, $0x3  }
0xf: {  	s14 =	sshrl.u32 s14, $0x3;
	s15 =	sshrl.u32 s15, $0x3;
	s16 =	sshrl.u32 s16, $0x3  }
.LBB2_1:
0x10: {  	[tilespmem:s3], [sflag:$0x1] =	stream.linear.gather [hbm4b:s6+s3], $0x2800, $0x38;
	[tilespmem:$0x1A800] =	vst v63  }
0x11: {  	_ =	swait.ge [sflag:s9], $0x2800  }
0x12: {  	[sflag:s9] =	ssyncset.done $0x0  }
0x13: {  	[sflag:s9] =	ssyncadd.s32 $0xFFFFD800  }
0x14: {  	[tilespmem:s10], [sflag:$0x1] =	stream.linear.gather [hbm4b:s5+s3], $0x4000, $0x38;
	[tilespmem:$0x1A800] =	vst v63  }
0x15: {  	_ =	swait.ge [sflag:s9], $0x4000  }
0x16: {  	[sflag:s9] =	ssyncset.done $0x0  }
0x17: {  	[sflag:s9] =	ssyncadd.s32 $0xFFFFC000  }
0x18: {  	[spmem:s12], [sflag:s11] =	dma.local [hbm:s4], $0x800  }
0x19: {  	_ =	swait.ge [sflag:s9], $0x800  }
0x1a: {  	[sflag:s9] =	ssyncset.done $0x0  }
0x1b: {  	[sflag:s9] =	ssyncadd.s32 $0xFFFFF800  }
0x1c: {  	[spmem:s13], [sflag:s11] =	dma.local [hbm:s4], $0x800  }
0x1d: {  	_ =	swait.ge [sflag:s9], $0x800  }
0x1e: {  	[sflag:s9] =	ssyncset.done $0x0  }
0x1f: {  	[sflag:s9] =	ssyncadd.s32 $0xFFFFF800  }
0x20: {  	[spmem:s14], [sflag:s11] =	dma.local [hbm:s4], $0x800  }
0x21: {  	_ =	swait.ge [sflag:s9], $0x800  }
0x22: {  	[sflag:s9] =	ssyncset.done $0x0  }
0x23: {  	[sflag:s9] =	ssyncadd.s32 $0xFFFFF800  }
0x24: {  	[spmem:s15], [sflag:s11] =	dma.local [hbm:s4], $0x800  }
0x25: {  	_ =	swait.ge [sflag:s9], $0x800  }
0x26: {  	[sflag:s9] =	ssyncset.done $0x0  }
0x27: {  	[sflag:s9] =	ssyncadd.s32 $0xFFFFF800  }
0x28: {  	[spmem:s16], [sflag:s11] =	dma.local [hbm:s4], $0x800  }
0x29: {  	_ =	swait.ge [sflag:s9], $0x800  }
0x2a: {  	[sflag:s9] =	ssyncset.done $0x0  }
0x2b: {  	[sflag:s9] =	ssyncadd.s32 $0xFFFFF800  }
0x2c: {  	s19 =	simm.s32 $0x0;
	[bflag:$0x0] =	sbarrier.arrive $0xFFFF  }
0x2d: {  	[spmem:s2] =	stream.indirect.scatter.add.f32 [tilespmem:s10], [sflag:$0x1], $0x80, s19, s17, $0xb8;
	[tilespmem:$0x1A800] =	vst v63  }
0x2e: {  	_ =	swait.ge [sflag:s9], $0x4000  }
0x2f: {  	s19 =	simm.s32 $0x200;
	[sflag:s9] =	ssyncset.done $0x0  }
.LBB2_2:
0x30: {  	s20 =	sshra.s32 s19, $0x2;
	[sflag:s9] =	ssyncadd.s32 $0xFFFFC000;
	p0 =	sne.s32 s19, $0x9E00  }
0x31: {  	[spmem:s2] =	stream.indirect.scatter.add.f32 [tilespmem:s10], [sflag:$0x1], $0x80, s20, s17, $0xb8;
	[tilespmem:$0x1A800] =	vst v63  }
.Ltmp0:
0x32: {  	_ = 	snop;
	(pc) =	sbr.rel @p0 .LBB2_2-.Ltmp0, $4  }
0x33: {  	_ = 	snop  }
0x34: {  	s19 =	sadd.s32 $0x200, s19  }
0x35: {  	_ =	swait.ge [sflag:s9], $0x4000  }
0x36: {  	[sflag:s9] =	ssyncset.done $0x0  }
0x37: {  	s18 =	sadd.s32 $0x1, s18  }
0x38: {  	[sflag:s9] =	ssyncadd.s32 $0xFFFFC000;
	p0 =	sne.s32 s18, s8  }
.Ltmp1:
0x39: {  	[bflag:$0x0] =	sbarrier.arrive $0xFFFF;
	(pc) =	sbr.rel @p0 .LBB2_1-.Ltmp1, $4  }
0x3a: {  	[hbm:s7], [sflag:s11] =	dma.local [spmem:s12], $0x2800  }
0x3b: {  	_ =	swait.ge [sflag:s9], $0x2800  }
0x3c: {  	[sflag:s9] =	ssyncset.done $0x0  }
0x3d: {  	[sflag:s9] =	ssyncadd.s32 $0xFFFFD800  }
0x3e: {  	_ =	sfence.sel $0x180000  }
0x3f: {  	[bflag:$0x0] =	sbarrier.arrive $0xFFFF  }
0x40: {  	p0 =	sne.s32 s0, $0x0;
	_ =	strace $0x9000004A  }
0x41: {  	s0 =	sadd.s32 @!p0 $0x100000, s1;
	[bflag:$0x2] =	sbarrier.arrive $0xFFFF  }
0x42: {  	[sflag:s0] =	ssyncadd.tile.s32 @!p0 $0x1;
	_ =	shalt  }
.Lfunc_end2:
_tile_overlayer_lowered:
.L_overlay_start_2:
0x43: {  	(tag) =	ssettag $0x2  }
0x44: {  	s0 =	rddreg [dreg:$0x0];
	s2 =	stileid.u32  }
0x45: {  	s1 =	rddreg [dreg:$0x1];
	p0 =	sne.s32 s2, $0x0  }
0x46: {  	s3 =	rddreg [dreg:$0x2];
	[bflag:$0x3] =	sbarrier.arrive $0xFFFF;
	s2 =	simm.s32 @!p0 $0x1C01  }
0x47: {  	[timem:s3], [sflag:s2] =	dma.local @!p0 [hbm:s0], s1  }
0x48: {  	s0 =	simm.s32 @!p0 $0x1  }
0x49: {  	_ =	swait.ge @!p0 [sflag:s0], s1  }
0x4a: {  	s1 =	ssub.s32 @!p0 $0x0, s1;
	[sflag:s0] =	ssyncset.done @!p0 $0x0  }
0x4b: {  	[sflag:s0] =	ssyncadd.s32 @!p0 s1  }
0x4c: {  	[bflag:$0x3] =	sbarrier.arrive $0xFFFF  }
0x4d: {  	_ =	shalt  }

</sc_bundles>
